<compile_context>
chip_gen: v7x
topology: tpu7x:2x2x1
jax: 0.10.2.dev20260603
libtpu: 0.0.44.dev20260713+nightly
codegen_flags: <defaults>
</compile_context>

<pallas_src>
import functools

import jax
import jax.numpy as jnp
from jax import lax
from jax.experimental import pallas as pl
from jax.experimental.pallas import tpu as pltpu
from jax.experimental.pallas import tpu_sc as plsc

NC = 2
NS = 16
NW = NC * NS
CH = 128
ZCH = 40


@functools.lru_cache(maxsize=None)
def _make_segment_sum(E, N, D, NB):
    epw = E // NW
    n_full = epw // CH
    tail = epw - n_full * CH
    assert tail % 8 == 0 and n_full >= 2
    n_rounds = (n_full + NB - 1) // NB
    n_zc = D // ZCH
    zc_per_tile = (n_zc + NS - 1) // NS
    Dp = ((D + 127) // 128) * 128
    n_cz = Dp // 128
    cz_per_tile = (n_cz + NS - 1) // NS

    mesh = plsc.VectorSubcoreMesh(core_axis_name="c", subcore_axis_name="s",
                                  num_cores=NC, num_subcores=NS)

    @functools.partial(
        pl.kernel,
        mesh=mesh,
        out_type=(jax.ShapeDtypeStruct((NC, D, 128), jnp.float32),
                  jax.ShapeDtypeStruct((NC * Dp,), jnp.float32)),
        scratch_types=(
            [pltpu.VMEM((CH, 128), jnp.float32) for _ in range(NB)]
            + [
                pltpu.VMEM((n_full * CH,), jnp.int32),
                pltpu.VMEM((n_full * CH,), jnp.int32),
                pltpu.VMEM((tail,), jnp.int32),
                pltpu.VMEM((tail,), jnp.int32),
                pltpu.VMEM((tail, 128), jnp.float32),
                pltpu.VMEM((CH,), jnp.float32),
                pltpu.VMEM((ZCH, 128), jnp.float32),
                pltpu.VMEM((128,), jnp.float32),
                pltpu.VMEM_SHARED((D, 128), jnp.float32),
                pltpu.VMEM_SHARED((Dp,), jnp.float32),
            ]
            + [pltpu.SemaphoreType.DMA for _ in range(3 * NB + 1)]
        ),
    )
    def seg(table, src, dst, acc_out, cnt_out, *refs):
        rows_v = refs[0:NB]
        (src_all, dst_all, srct_v, dstt_v, rowst_v, ones_v, zf_v, zc_v,
         acc_sh, cnt_sh) = refs[NB:NB + 10]
        sem_g = refs[NB + 10:NB + 10 + NB]
        sem_sa = refs[NB + 10 + NB:NB + 10 + 2 * NB]
        sem_sc = refs[NB + 10 + 2 * NB:NB + 10 + 3 * NB]
        sem_z = refs[NB + 10 + 3 * NB]
        cid = lax.axis_index("c")
        sid = lax.axis_index("s")
        wid = cid * NS + sid

        zero16 = jnp.zeros((16,), jnp.float32)
        one16 = jnp.ones((16,), jnp.float32)

        def zrow(j, carry):
            for c in range(8):
                zf_v[j, pl.ds(c * 16, 16)] = zero16
            return carry

        lax.fori_loop(0, ZCH, zrow, 0)
        for r in range(8):
            zc_v[pl.ds(r * 16, 16)] = zero16
        for r in range(CH // 16):
            ones_v[pl.ds(r * 16, 16)] = one16

        base = wid * epw
        pltpu.sync_copy(src.at[pl.ds(base, n_full * CH)], src_all)
        pltpu.sync_copy(dst.at[pl.ds(base, n_full * CH)], dst_all)

        def start_gather(b, c):
            pltpu.async_copy(table.at[src_all.at[pl.ds(c * CH, CH)]],
                             rows_v[b], sem_g[b])

        def wait_gather(b):
            pltpu.make_async_copy(table.at[src_all.at[pl.ds(0, CH)]],
                                  rows_v[b], sem_g[b]).wait()

        def start_scatter(b, c):
            didx = dst_all.at[pl.ds(c * CH, CH)]
            pltpu.async_copy(rows_v[b], acc_sh.at[didx], sem_sa[b], add=True)
            pltpu.async_copy(ones_v, cnt_sh.at[didx], sem_sc[b], add=True)

        def wait_scatter(b):
            didx = dst_all.at[pl.ds(0, CH)]
            pltpu.make_async_copy(rows_v[b], acc_sh.at[didx],
                                  sem_sa[b]).wait()
            pltpu.make_async_copy(ones_v, cnt_sh.at[didx], sem_sc[b]).wait()

        for b in range(2):
            start_gather(b, b)

        def zbody(j, carry):
            ci = j * NS + sid

            @pl.when(ci < n_zc)
            def _():
                pltpu.sync_copy(zf_v, acc_sh.at[pl.ds(ci * ZCH, ZCH)])

            return carry

        lax.fori_loop(0, zc_per_tile, zbody, 0)

        def czbody(j, carry):
            ci = j * NS + sid

            @pl.when(ci < n_cz)
            def _():
                pltpu.sync_copy(zc_v, cnt_sh.at[pl.ds(ci * 128, 128)])

            return carry

        lax.fori_loop(0, cz_per_tile, czbody, 0)
        plsc.subcore_barrier()

        def ebody(k, carry):
            for b in range(NB):
                c = NB * k + b

                @pl.when(c < n_full)
                def _():
                    wait_gather(b)
                    start_scatter(b, c)

                c2 = c + 2
                b2 = (b + 2) % NB

                @pl.when(c2 < n_full)
                def _():
                    @pl.when(c2 >= NB)
                    def _():
                        wait_scatter(b2)

                    start_gather(b2, c2)

            return carry

        lax.fori_loop(0, n_rounds, ebody, 0)

        for b in range(NB):
            c_last = n_full - NB + b
            if c_last >= 0:
                wait_scatter(c_last % NB)

        if tail:
            offt = base + n_full * CH
            pltpu.sync_copy(src.at[pl.ds(offt, tail)], srct_v)
            pltpu.sync_copy(dst.at[pl.ds(offt, tail)], dstt_v)
            pltpu.async_copy(table.at[srct_v], rowst_v, sem_z).wait()
            pltpu.sync_copy(rowst_v, acc_sh.at[dstt_v], add=True)
            pltpu.sync_copy(ones_v.at[pl.ds(0, tail)], cnt_sh.at[dstt_v],
                            add=True)
        plsc.subcore_barrier()

        def obody(j, carry):
            ci = j * NS + sid

            @pl.when(ci < n_zc)
            def _():
                r0 = ci * ZCH
                pltpu.sync_copy(acc_sh.at[pl.ds(r0, ZCH)],
                                acc_out.at[cid, pl.ds(r0, ZCH)])

            return carry

        lax.fori_loop(0, zc_per_tile, obody, 0)

        @pl.when(sid == 0)
        def _():
            pltpu.sync_copy(cnt_sh, cnt_out.at[pl.ds(cid * Dp, Dp)])

    return seg


def _self_mm(x, W_self, b, R, BR, K):

    def body(x_ref, ws_ref, b_ref, o_ref):
        o_ref[...] = (
            jnp.dot(x_ref[...], ws_ref[...], preferred_element_type=jnp.float32)
            + b_ref[...])

    return pl.pallas_call(
        body,
        grid=(R // BR,),
        in_specs=[
            pl.BlockSpec((BR, 128), lambda i: (i, 0)),
            pl.BlockSpec((128, K), lambda i: (0, 0)),
            pl.BlockSpec((1, K), lambda i: (0, 0)),
        ],
        out_specs=pl.BlockSpec((BR, K), lambda i: (i, 0)),
        out_shape=jax.ShapeDtypeStruct((R, K), jnp.float32),
    )(x, W_self, b.reshape(1, K))


def _combine(pre, acc, cnt, W_neigh, R, BR, K, activation):

    def body(p_ref, a_ref, c_ref, wn_ref, o_ref):
        s = a_ref[0] + a_ref[1]
        c = jnp.maximum(c_ref[0] + c_ref[1], 1.0)
        hn = s / c
        r = p_ref[...] + jnp.dot(hn, wn_ref[...],
                                 preferred_element_type=jnp.float32)
        o_ref[...] = jnp.tanh(r) if activation else r

    return pl.pallas_call(
        body,
        grid=(R // BR,),
        in_specs=[
            pl.BlockSpec((BR, K), lambda i: (i, 0)),
            pl.BlockSpec((NC, BR, 128), lambda i: (0, i, 0)),
            pl.BlockSpec((NC, BR, 1), lambda i: (0, i, 0)),
            pl.BlockSpec((128, K), lambda i: (0, 0)),
        ],
        out_specs=pl.BlockSpec((BR, K), lambda i: (i, 0)),
        out_shape=jax.ShapeDtypeStruct((R, K), jnp.float32),
    )(pre, acc, cnt, W_neigh)


def kernel(x, src0, dst0, src1, dst1, num_dst0, num_dst1,
           W1_neigh, W1_self, b1, W2_neigh, W2_self, b2):
    del num_dst0, num_dst1
    src0 = src0.astype(jnp.int32)
    dst0 = dst0.astype(jnp.int32)
    src1 = src1.astype(jnp.int32)
    dst1 = dst1.astype(jnp.int32)
    acc1, cnt1 = _make_segment_sum(160000, 10000, 5000, 4)(x, src0, dst0)
    pre1 = _self_mm(x, W1_self, b1, 5000, 5000, 128)
    h = _combine(pre1, acc1, cnt1.reshape(NC, 5120)[:, :5000, None], W1_neigh,
                 5000, 5000, 128, True)
    acc2, cnt2 = _make_segment_sum(32000, 5000, 1000, 6)(h, src1, dst1)
    pre2 = _self_mm(h, W2_self, b2, 1000, 1000, 64)
    out = _combine(pre2, acc2, cnt2.reshape(NC, 1024)[:, :1000, None],
                   W2_neigh, 1000, 1000, 64, False)
    return out

# --- scband reference (transcript-rebuilt; emitter-appended) ---
"""Pipeline reference for scband-homo-model-30983894073364 (READ-ONLY COPY).

The authoritative reference and input builder live on the scoring server;
editing this copy changes nothing except your own understanding.
"""

import jax, jax.numpy as jnp
import numpy as np


def _sage_mean(feat_src, h_dst, src, dst, num_dst, W_neigh, W_self, b):
    # DGL SAGEConv(aggregator_type='mean'):
    #   h_neigh = mean_{u in N(v)} feat_src[u]
    #   rst = fc_self(h_dst) + fc_neigh(h_neigh) + bias
    msg = feat_src[src]  # gather over edges
    summed = jax.ops.segment_sum(msg, dst, num_segments=num_dst)
    cnt = jax.ops.segment_sum(jnp.ones((dst.shape[0],), jnp.float32), dst, num_segments=num_dst)
    h_neigh = summed / jnp.maximum(cnt, 1.0)[:, None]
    return h_dst @ W_self + h_neigh @ W_neigh + b


def setup_inputs(seed: int = 0):
    key = jax.random.key(seed)
    ks = jax.random.split(key, 12)
    N0, N1, N2 = 10000, 5000, 1000
    E0, E1 = 160000, 32000
    d_in, d_h, n_cls = 128, 128, 64
    x = jax.random.normal(ks[0], (N0, d_in), dtype=jnp.float32)
    src0 = jax.random.randint(ks[1], (E0,), 0, N0, dtype=jnp.int64 if jax.config.jax_enable_x64 else jnp.int32)
    dst0 = jax.random.randint(ks[2], (E0,), 0, N1, dtype=src0.dtype)
    src1 = jax.random.randint(ks[3], (E1,), 0, N1, dtype=src0.dtype)
    dst1 = jax.random.randint(ks[4], (E1,), 0, N2, dtype=src0.dtype)
    W1_neigh = jax.random.normal(ks[5], (d_in, d_h), jnp.float32) * (1.0 / np.sqrt(d_in))
    W1_self = jax.random.normal(ks[6], (d_in, d_h), jnp.float32) * (1.0 / np.sqrt(d_in))
    b1 = jnp.zeros((d_h,), jnp.float32)
    W2_neigh = jax.random.normal(ks[7], (d_h, n_cls), jnp.float32) * (1.0 / np.sqrt(d_h))
    W2_self = jax.random.normal(ks[8], (d_h, n_cls), jnp.float32) * (1.0 / np.sqrt(d_h))
    b2 = jnp.zeros((n_cls,), jnp.float32)
    return {
        "x": x,
        "src0": src0, "dst0": dst0,
        "src1": src1, "dst1": dst1,
        "num_dst0": N1, "num_dst1": N2,
        "W1_neigh": W1_neigh, "W1_self": W1_self, "b1": b1,
        "W2_neigh": W2_neigh, "W2_self": W2_self, "b2": b2,
    }


def reference(x, src0, dst0, src1, dst1, num_dst0, num_dst1,
              W1_neigh, W1_self, b1, W2_neigh, W2_self, b2):
    num_dst0_static = 5000
    num_dst1_static = 1000
    zero = (jnp.asarray(num_dst0) + jnp.asarray(num_dst1)) * 0
    zero = zero.astype(dst0.dtype)
    # Layer 1: conv1 with tanh activation (MFG block 0)
    h_dst = x[:num_dst0_static]
    h = jnp.tanh(_sage_mean(x, h_dst, src0, dst0 + zero, num_dst0_static, W1_neigh, W1_self, b1))
    # Layer 2: conv2, no activation (MFG block 1)
    h_dst2 = h[:num_dst1_static]
    out = _sage_mean(h, h_dst2, src1, dst1 + zero, num_dst1_static, W2_neigh, W2_self, b2)
    return out

if __name__ == "__main__":
    import jax
    _d = setup_inputs()
    print(jax.jit(kernel)(*tuple(_d.values())))

</pallas_src>

<mosaic_0001>
#map = affine_map<(d0, d1) -> (0, 0)>
#map1 = affine_map<(d0, d1) -> (0)>
#map2 = affine_map<(d0, d1) -> (0, 0, 0)>
module attributes {stable_mosaic.version = 14 : i64} {
  func.func @seg(%arg0: i32, %arg1: i32, %arg2: memref<10000x128xf32, #tpu.memory_space<hbm>>, %arg3: memref<160000xi32, #tpu.memory_space<hbm>>, %arg4: memref<160000xi32, #tpu.memory_space<hbm>>, %arg5: memref<2x5000x128xf32, #tpu.memory_space<hbm>>, %arg6: memref<10240xf32, #tpu.memory_space<hbm>>, %arg7: memref<128x128xf32, #tpu.memory_space<vmem>>, %arg8: memref<128x128xf32, #tpu.memory_space<vmem>>, %arg9: memref<128x128xf32, #tpu.memory_space<vmem>>, %arg10: memref<128x128xf32, #tpu.memory_space<vmem>>, %arg11: memref<4992xi32, #tpu.memory_space<vmem>>, %arg12: memref<4992xi32, #tpu.memory_space<vmem>>, %arg13: memref<8xi32, #tpu.memory_space<vmem>>, %arg14: memref<8xi32, #tpu.memory_space<vmem>>, %arg15: memref<8x128xf32, #tpu.memory_space<vmem>>, %arg16: memref<128xf32, #tpu.memory_space<vmem>>, %arg17: memref<40x128xf32, #tpu.memory_space<vmem>>, %arg18: memref<128xf32, #tpu.memory_space<vmem>>, %arg19: memref<5000x128xf32, #tpu.memory_space<vmem_shared>>, %arg20: memref<5120xf32, #tpu.memory_space<vmem_shared>>, %arg21: memref<!tpu.dma_semaphore, #tpu.memory_space<semaphore_mem>>, %arg22: memref<!tpu.dma_semaphore, #tpu.memory_space<semaphore_mem>>, %arg23: memref<!tpu.dma_semaphore, #tpu.memory_space<semaphore_mem>>, %arg24: memref<!tpu.dma_semaphore, #tpu.memory_space<semaphore_mem>>, %arg25: memref<!tpu.dma_semaphore, #tpu.memory_space<semaphore_mem>>, %arg26: memref<!tpu.dma_semaphore, #tpu.memory_space<semaphore_mem>>, %arg27: memref<!tpu.dma_semaphore, #tpu.memory_space<semaphore_mem>>, %arg28: memref<!tpu.dma_semaphore, #tpu.memory_space<semaphore_mem>>, %arg29: memref<!tpu.dma_semaphore, #tpu.memory_space<semaphore_mem>>, %arg30: memref<!tpu.dma_semaphore, #tpu.memory_space<semaphore_mem>>, %arg31: memref<!tpu.dma_semaphore, #tpu.memory_space<semaphore_mem>>, %arg32: memref<!tpu.dma_semaphore, #tpu.memory_space<semaphore_mem>>, %arg33: memref<!tpu.dma_semaphore, #tpu.memory_space<semaphore_mem>>) attributes {dimension_semantics = [#tpu.dimension_semantics<core_parallel>, #tpu.dimension_semantics<subcore_parallel>], iteration_bounds = array<i64: 2, 16>, scalar_prefetch = 0 : i64, scratch_operands = 27 : i64, tpu.core_type = #tpu.core_type<sc_vector_subcore>, window_params = [{transform_indices = #map}, {transform_indices = #map1}, {transform_indices = #map1}, {transform_indices = #map2}, {transform_indices = #map1}]} {
    %mul3A = arith.constant 16 : i32
    %mul3A_0 = arith.muli %arg0, %mul3A : i32
    %add3A = arith.addi %mul3A_0, %arg1 : i32
    %broadcast_in_dim3A = arith.constant 0.000000e+00 : f32
    %broadcast_in_dim3A_1 = vector.broadcast %broadcast_in_dim3A : f32 to vector<16xf32>
    %broadcast_in_dim3A_2 = arith.constant 1.000000e+00 : f32
    %broadcast_in_dim3A_3 = vector.broadcast %broadcast_in_dim3A_2 : f32 to vector<16xf32>
    %scan3A = arith.constant 0 : i32
    %scan3A_4 = arith.constant 0 : i32
    %scan3A_5 = arith.constant 40 : i32
    %scan3A_6 = arith.addi %scan3A_4, %scan3A_5 : i32
    %scan3A_7 = arith.constant 1 : i32
    scf.for %scan3A_153 = %scan3A_4 to %scan3A_6 step %scan3A_7  : i32 {
      %swap3A_154 = arith.index_cast %scan3A_153 : i32 to index
      %swap3A_155 = arith.constant 0 : index
      %swap3A_156 = tpu.vector_load %arg17[%swap3A_154, %swap3A_155] {strides = array<i32>} : memref<40x128xf32, #tpu.memory_space<vmem>>, vector<1x16xf32>,
      %swap3A_157 = vector.shape_cast %swap3A_156 : vector<1x16xf32> to vector<16xf32>
      %swap3A_158 = vector.shape_cast %broadcast_in_dim3A_1 : vector<16xf32> to vector<1x16xf32>
      tpu.vector_store %arg17[%swap3A_154, %swap3A_155], %swap3A_158 {strides = array<i32>} : memref<40x128xf32, #tpu.memory_space<vmem>>, vector<1x16xf32>,
      %swap3A_159 = arith.index_cast %scan3A_153 : i32 to index
      %swap3A_160 = arith.constant 16 : index
      %swap3A_161 = tpu.vector_load %arg17[%swap3A_159, %swap3A_160] {strides = array<i32>} : memref<40x128xf32, #tpu.memory_space<vmem>>, vector<1x16xf32>,
      %swap3A_162 = vector.shape_cast %swap3A_161 : vector<1x16xf32> to vector<16xf32>
      %swap3A_163 = vector.shape_cast %broadcast_in_dim3A_1 : vector<16xf32> to vector<1x16xf32>
      tpu.vector_store %arg17[%swap3A_159, %swap3A_160], %swap3A_163 {strides = array<i32>} : memref<40x128xf32, #tpu.memory_space<vmem>>, vector<1x16xf32>,
      %swap3A_164 = arith.index_cast %scan3A_153 : i32 to index
      %swap3A_165 = arith.constant 32 : index
      %swap3A_166 = tpu.vector_load %arg17[%swap3A_164, %swap3A_165] {strides = array<i32>} : memref<40x128xf32, #tpu.memory_space<vmem>>, vector<1x16xf32>,
      %swap3A_167 = vector.shape_cast %swap3A_166 : vector<1x16xf32> to vector<16xf32>
      %swap3A_168 = vector.shape_cast %broadcast_in_dim3A_1 : vector<16xf32> to vector<1x16xf32>
      tpu.vector_store %arg17[%swap3A_164, %swap3A_165], %swap3A_168 {strides = array<i32>} : memref<40x128xf32, #tpu.memory_space<vmem>>, vector<1x16xf32>,
      %swap3A_169 = arith.index_cast %scan3A_153 : i32 to index
      %swap3A_170 = arith.constant 48 : index
      %swap3A_171 = tpu.vector_load %arg17[%swap3A_169, %swap3A_170] {strides = array<i32>} : memref<40x128xf32, #tpu.memory_space<vmem>>, vector<1x16xf32>,
      %swap3A_172 = vector.shape_cast %swap3A_171 : vector<1x16xf32> to vector<16xf32>
      %swap3A_173 = vector.shape_cast %broadcast_in_dim3A_1 : vector<16xf32> to vector<1x16xf32>
      tpu.vector_store %arg17[%swap3A_169, %swap3A_170], %swap3A_173 {strides = array<i32>} : memref<40x128xf32, #tpu.memory_space<vmem>>, vector<1x16xf32>,
      %swap3A_174 = arith.index_cast %scan3A_153 : i32 to index
      %swap3A_175 = arith.constant 64 : index
      %swap3A_176 = tpu.vector_load %arg17[%swap3A_174, %swap3A_175] {strides = array<i32>} : memref<40x128xf32, #tpu.memory_space<vmem>>, vector<1x16xf32>,
      %swap3A_177 = vector.shape_cast %swap3A_176 : vector<1x16xf32> to vector<16xf32>
      %swap3A_178 = vector.shape_cast %broadcast_in_dim3A_1 : vector<16xf32> to vector<1x16xf32>
      tpu.vector_store %arg17[%swap3A_174, %swap3A_175], %swap3A_178 {strides = array<i32>} : memref<40x128xf32, #tpu.memory_space<vmem>>, vector<1x16xf32>,
      %swap3A_179 = arith.index_cast %scan3A_153 : i32 to index
      %swap3A_180 = arith.constant 80 : index
      %swap3A_181 = tpu.vector_load %arg17[%swap3A_179, %swap3A_180] {strides = array<i32>} : memref<40x128xf32, #tpu.memory_space<vmem>>, vector<1x16xf32>,
      %swap3A_182 = vector.shape_cast %swap3A_181 : vector<1x16xf32> to vector<16xf32>
      %swap3A_183 = vector.shape_cast %broadcast_in_dim3A_1 : vector<16xf32> to vector<1x16xf32>
      tpu.vector_store %arg17[%swap3A_179, %swap3A_180], %swap3A_183 {strides = array<i32>} : memref<40x128xf32, #tpu.memory_space<vmem>>, vector<1x16xf32>,
      %swap3A_184 = arith.index_cast %scan3A_153 : i32 to index
      %swap3A_185 = arith.constant 96 : index
      %swap3A_186 = tpu.vector_load %arg17[%swap3A_184, %swap3A_185] {strides = array<i32>} : memref<40x128xf32, #tpu.memory_space<vmem>>, vector<1x16xf32>,
      %swap3A_187 = vector.shape_cast %swap3A_186 : vector<1x16xf32> to vector<16xf32>
      %swap3A_188 = vector.shape_cast %broadcast_in_dim3A_1 : vector<16xf32> to vector<1x16xf32>
      tpu.vector_store %arg17[%swap3A_184, %swap3A_185], %swap3A_188 {strides = array<i32>} : memref<40x128xf32, #tpu.memory_space<vmem>>, vector<1x16xf32>,
      %swap3A_189 = arith.index_cast %scan3A_153 : i32 to index
      %swap3A_190 = arith.constant 112 : index
      %swap3A_191 = tpu.vector_load %arg17[%swap3A_189, %swap3A_190] {strides = array<i32>} : memref<40x128xf32, #tpu.memory_space<vmem>>, vector<1x16xf32>,
      %swap3A_192 = vector.shape_cast %swap3A_191 : vector<1x16xf32> to vector<16xf32>
      %swap3A_193 = vector.shape_cast %broadcast_in_dim3A_1 : vector<16xf32> to vector<1x16xf32>
      tpu.vector_store %arg17[%swap3A_189, %swap3A_190], %swap3A_193 {strides = array<i32>} : memref<40x128xf32, #tpu.memory_space<vmem>>, vector<1x16xf32>,
    }
    %scan3A_8 = arith.constant 40 : i32
    %swap3A = arith.constant 0 : index
    %swap3A_9 = tpu.vector_load %arg18[%swap3A] {strides = array<i32>} : memref<128xf32, #tpu.memory_space<vmem>>, vector<16xf32>,
    %swap3A_10 = vector.shape_cast %swap3A_9 : vector<16xf32> to vector<16xf32>
    %swap3A_11 = vector.shape_cast %broadcast_in_dim3A_1 : vector<16xf32> to vector<16xf32>
    tpu.vector_store %arg18[%swap3A], %swap3A_11 {strides = array<i32>} : memref<128xf32, #tpu.memory_space<vmem>>, vector<16xf32>,
    %swap3A_12 = arith.constant 16 : index
    %swap3A_13 = tpu.vector_load %arg18[%swap3A_12] {strides = array<i32>} : memref<128xf32, #tpu.memory_space<vmem>>, vector<16xf32>,
    %swap3A_14 = vector.shape_cast %swap3A_13 : vector<16xf32> to vector<16xf32>
    %swap3A_15 = vector.shape_cast %broadcast_in_dim3A_1 : vector<16xf32> to vector<16xf32>
    tpu.vector_store %arg18[%swap3A_12], %swap3A_15 {strides = array<i32>} : memref<128xf32, #tpu.memory_space<vmem>>, vector<16xf32>,
    %swap3A_16 = arith.constant 32 : index
    %swap3A_17 = tpu.vector_load %arg18[%swap3A_16] {strides = array<i32>} : memref<128xf32, #tpu.memory_space<vmem>>, vector<16xf32>,
    %swap3A_18 = vector.shape_cast %swap3A_17 : vector<16xf32> to vector<16xf32>
    %swap3A_19 = vector.shape_cast %broadcast_in_dim3A_1 : vector<16xf32> to vector<16xf32>
    tpu.vector_store %arg18[%swap3A_16], %swap3A_19 {strides = array<i32>} : memref<128xf32, #tpu.memory_space<vmem>>, vector<16xf32>,
    %swap3A_20 = arith.constant 48 : index
    %swap3A_21 = tpu.vector_load %arg18[%swap3A_20] {strides = array<i32>} : memref<128xf32, #tpu.memory_space<vmem>>, vector<16xf32>,
    %swap3A_22 = vector.shape_cast %swap3A_21 : vector<16xf32> to vector<16xf32>
    %swap3A_23 = vector.shape_cast %broadcast_in_dim3A_1 : vector<16xf32> to vector<16xf32>
    tpu.vector_store %arg18[%swap3A_20], %swap3A_23 {strides = array<i32>} : memref<128xf32, #tpu.memory_space<vmem>>, vector<16xf32>,
    %swap3A_24 = arith.constant 64 : index
    %swap3A_25 = tpu.vector_load %arg18[%swap3A_24] {strides = array<i32>} : memref<128xf32, #tpu.memory_space<vmem>>, vector<16xf32>,
    %swap3A_26 = vector.shape_cast %swap3A_25 : vector<16xf32> to vector<16xf32>
    %swap3A_27 = vector.shape_cast %broadcast_in_dim3A_1 : vector<16xf32> to vector<16xf32>
    tpu.vector_store %arg18[%swap3A_24], %swap3A_27 {strides = array<i32>} : memref<128xf32, #tpu.memory_space<vmem>>, vector<16xf32>,
    %swap3A_28 = arith.constant 80 : index
    %swap3A_29 = tpu.vector_load %arg18[%swap3A_28] {strides = array<i32>} : memref<128xf32, #tpu.memory_space<vmem>>, vector<16xf32>,
    %swap3A_30 = vector.shape_cast %swap3A_29 : vector<16xf32> to vector<16xf32>
    %swap3A_31 = vector.shape_cast %broadcast_in_dim3A_1 : vector<16xf32> to vector<16xf32>
    tpu.vector_store %arg18[%swap3A_28], %swap3A_31 {strides = array<i32>} : memref<128xf32, #tpu.memory_space<vmem>>, vector<16xf32>,
    %swap3A_32 = arith.constant 96 : index
    %swap3A_33 = tpu.vector_load %arg18[%swap3A_32] {strides = array<i32>} : memref<128xf32, #tpu.memory_space<vmem>>, vector<16xf32>,
    %swap3A_34 = vector.shape_cast %swap3A_33 : vector<16xf32> to vector<16xf32>
    %swap3A_35 = vector.shape_cast %broadcast_in_dim3A_1 : vector<16xf32> to vector<16xf32>
    tpu.vector_store %arg18[%swap3A_32], %swap3A_35 {strides = array<i32>} : memref<128xf32, #tpu.memory_space<vmem>>, vector<16xf32>,
    %swap3A_36 = arith.constant 112 : index
    %swap3A_37 = tpu.vector_load %arg18[%swap3A_36] {strides = array<i32>} : memref<128xf32, #tpu.memory_space<vmem>>, vector<16xf32>,
    %swap3A_38 = vector.shape_cast %swap3A_37 : vector<16xf32> to vector<16xf32>
    %swap3A_39 = vector.shape_cast %broadcast_in_dim3A_1 : vector<16xf32> to vector<16xf32>
    tpu.vector_store %arg18[%swap3A_36], %swap3A_39 {strides = array<i32>} : memref<128xf32, #tpu.memory_space<vmem>>, vector<16xf32>,
    %swap3A_40 = arith.constant 0 : index
    %swap3A_41 = tpu.vector_load %arg16[%swap3A_40] {strides = array<i32>} : memref<128xf32, #tpu.memory_space<vmem>>, vector<16xf32>,
    %swap3A_42 = vector.shape_cast %swap3A_41 : vector<16xf32> to vector<16xf32>
    %swap3A_43 = vector.shape_cast %broadcast_in_dim3A_3 : vector<16xf32> to vector<16xf32>
    tpu.vector_store %arg16[%swap3A_40], %swap3A_43 {strides = array<i32>} : memref<128xf32, #tpu.memory_space<vmem>>, vector<16xf32>,
    %swap3A_44 = arith.constant 16 : index
    %swap3A_45 = tpu.vector_load %arg16[%swap3A_44] {strides = array<i32>} : memref<128xf32, #tpu.memory_space<vmem>>, vector<16xf32>,
    %swap3A_46 = vector.shape_cast %swap3A_45 : vector<16xf32> to vector<16xf32>
    %swap3A_47 = vector.shape_cast %broadcast_in_dim3A_3 : vector<16xf32> to vector<16xf32>
    tpu.vector_store %arg16[%swap3A_44], %swap3A_47 {strides = array<i32>} : memref<128xf32, #tpu.memory_space<vmem>>, vector<16xf32>,
    %swap3A_48 = arith.constant 32 : index
    %swap3A_49 = tpu.vector_load %arg16[%swap3A_48] {strides = array<i32>} : memref<128xf32, #tpu.memory_space<vmem>>, vector<16xf32>,
    %swap3A_50 = vector.shape_cast %swap3A_49 : vector<16xf32> to vector<16xf32>
    %swap3A_51 = vector.shape_cast %broadcast_in_dim3A_3 : vector<16xf32> to vector<16xf32>
    tpu.vector_store %arg16[%swap3A_48], %swap3A_51 {strides = array<i32>} : memref<128xf32, #tpu.memory_space<vmem>>, vector<16xf32>,
    %swap3A_52 = arith.constant 48 : index
    %swap3A_53 = tpu.vector_load %arg16[%swap3A_52] {strides = array<i32>} : memref<128xf32, #tpu.memory_space<vmem>>, vector<16xf32>,
    %swap3A_54 = vector.shape_cast %swap3A_53 : vector<16xf32> to vector<16xf32>
    %swap3A_55 = vector.shape_cast %broadcast_in_dim3A_3 : vector<16xf32> to vector<16xf32>
    tpu.vector_store %arg16[%swap3A_52], %swap3A_55 {strides = array<i32>} : memref<128xf32, #tpu.memory_space<vmem>>, vector<16xf32>,
    %swap3A_56 = arith.constant 64 : index
    %swap3A_57 = tpu.vector_load %arg16[%swap3A_56] {strides = array<i32>} : memref<128xf32, #tpu.memory_space<vmem>>, vector<16xf32>,
    %swap3A_58 = vector.shape_cast %swap3A_57 : vector<16xf32> to vector<16xf32>
    %swap3A_59 = vector.shape_cast %broadcast_in_dim3A_3 : vector<16xf32> to vector<16xf32>
    tpu.vector_store %arg16[%swap3A_56], %swap3A_59 {strides = array<i32>} : memref<128xf32, #tpu.memory_space<vmem>>, vector<16xf32>,
    %swap3A_60 = arith.constant 80 : index
    %swap3A_61 = tpu.vector_load %arg16[%swap3A_60] {strides = array<i32>} : memref<128xf32, #tpu.memory_space<vmem>>, vector<16xf32>,
    %swap3A_62 = vector.shape_cast %swap3A_61 : vector<16xf32> to vector<16xf32>
    %swap3A_63 = vector.shape_cast %broadcast_in_dim3A_3 : vector<16xf32> to vector<16xf32>
    tpu.vector_store %arg16[%swap3A_60], %swap3A_63 {strides = array<i32>} : memref<128xf32, #tpu.memory_space<vmem>>, vector<16xf32>,
    %swap3A_64 = arith.constant 96 : index
    %swap3A_65 = tpu.vector_load %arg16[%swap3A_64] {strides = array<i32>} : memref<128xf32, #tpu.memory_space<vmem>>, vector<16xf32>,
    %swap3A_66 = vector.shape_cast %swap3A_65 : vector<16xf32> to vector<16xf32>
    %swap3A_67 = vector.shape_cast %broadcast_in_dim3A_3 : vector<16xf32> to vector<16xf32>
    tpu.vector_store %arg16[%swap3A_64], %swap3A_67 {strides = array<i32>} : memref<128xf32, #tpu.memory_space<vmem>>, vector<16xf32>,
    %swap3A_68 = arith.constant 112 : index
    %swap3A_69 = tpu.vector_load %arg16[%swap3A_68] {strides = array<i32>} : memref<128xf32, #tpu.memory_space<vmem>>, vector<16xf32>,
    %swap3A_70 = vector.shape_cast %swap3A_69 : vector<16xf32> to vector<16xf32>
    %swap3A_71 = vector.shape_cast %broadcast_in_dim3A_3 : vector<16xf32> to vector<16xf32>
    tpu.vector_store %arg16[%swap3A_68], %swap3A_71 {strides = array<i32>} : memref<128xf32, #tpu.memory_space<vmem>>, vector<16xf32>,
    %mul3A_72 = arith.constant 5000 : i32
    %mul3A_73 = arith.muli %add3A, %mul3A_72 : i32
    "tpu.region"() ({
      %run_scoped3A = tpu.sem_alloc : memref<!tpu.dma_semaphore, #tpu.memory_space<semaphore_mem>>
      %dma_start3A_153 = tpu.memref_slice %arg3[%mul3A_73] : memref<160000xi32, #tpu.memory_space<hbm>> -> memref<4992xi32, #tpu.memory_space<hbm>>
      %dma_start3A_154 = tpu.memref_slice %arg3[%mul3A_73] : memref<160000xi32, #tpu.memory_space<hbm>> -> memref<4992xi32, #tpu.memory_space<hbm>>
      tpu.enqueue_dma source(%dma_start3A_154 : memref<4992xi32, #tpu.memory_space<hbm>>) target(%arg11 : memref<4992xi32, #tpu.memory_space<vmem>>) target_semaphore(%run_scoped3A : memref<!tpu.dma_semaphore, #tpu.memory_space<semaphore_mem>>)
      %dma_wait3A_155 = tpu.memref_slice %arg3[%mul3A_73] : memref<160000xi32, #tpu.memory_space<hbm>> -> memref<4992xi32, #tpu.memory_space<hbm>>
      %dma_wait3A_156 = tpu.memref_slice %arg3[%mul3A_73] : memref<160000xi32, #tpu.memory_space<hbm>> -> memref<4992xi32, #tpu.memory_space<hbm>>
      tpu.wait_dma2 semaphore(%run_scoped3A : memref<!tpu.dma_semaphore, #tpu.memory_space<semaphore_mem>>) src(%dma_wait3A_156 : memref<4992xi32, #tpu.memory_space<hbm>>) dst(%arg11 : memref<4992xi32, #tpu.memory_space<vmem>>)
      tpu.yield
    }) : () -> ()
    "tpu.region"() ({
      %run_scoped3A = tpu.sem_alloc : memref<!tpu.dma_semaphore, #tpu.memory_space<semaphore_mem>>
      %dma_start3A_153 = tpu.memref_slice %arg4[%mul3A_73] : memref<160000xi32, #tpu.memory_space<hbm>> -> memref<4992xi32, #tpu.memory_space<hbm>>
      %dma_start3A_154 = tpu.memref_slice %arg4[%mul3A_73] : memref<160000xi32, #tpu.memory_space<hbm>> -> memref<4992xi32, #tpu.memory_space<hbm>>
      tpu.enqueue_dma source(%dma_start3A_154 : memref<4992xi32, #tpu.memory_space<hbm>>) target(%arg12 : memref<4992xi32, #tpu.memory_space<vmem>>) target_semaphore(%run_scoped3A : memref<!tpu.dma_semaphore, #tpu.memory_space<semaphore_mem>>)
      %dma_wait3A_155 = tpu.memref_slice %arg4[%mul3A_73] : memref<160000xi32, #tpu.memory_space<hbm>> -> memref<4992xi32, #tpu.memory_space<hbm>>
      %dma_wait3A_156 = tpu.memref_slice %arg4[%mul3A_73] : memref<160000xi32, #tpu.memory_space<hbm>> -> memref<4992xi32, #tpu.memory_space<hbm>>
      tpu.wait_dma2 semaphore(%run_scoped3A : memref<!tpu.dma_semaphore, #tpu.memory_space<semaphore_mem>>) src(%dma_wait3A_156 : memref<4992xi32, #tpu.memory_space<hbm>>) dst(%arg12 : memref<4992xi32, #tpu.memory_space<vmem>>)
      tpu.yield
    }) : () -> ()
    %dma_start3A = arith.constant 0 : i32
    %dma_start3A_74 = tpu.memref_slice %arg11[%dma_start3A] : memref<4992xi32, #tpu.memory_space<vmem>> -> memref<128xi32, #tpu.memory_space<vmem>>
    %dma_start3A_75 = arith.constant 0 : i32
    %dma_start3A_76 = arith.constant 0 : i32
    %dma_start3A_77 = tpu.memref_slice %arg2[%dma_start3A_75, %dma_start3A_76] : memref<10000x128xf32, #tpu.memory_space<hbm>> -> memref<10000x128xf32, #tpu.memory_space<hbm>>
    tpu.enqueue_indirect_dma source(%dma_start3A_77 : memref<10000x128xf32, #tpu.memory_space<hbm>>) target(%arg7 : memref<128x128xf32, #tpu.memory_space<vmem>>) offsets(%dma_start3A_74 : memref<128xi32, #tpu.memory_space<vmem>>) semaphore(%arg21 : memref<!tpu.dma_semaphore, #tpu.memory_space<semaphore_mem>>)
    %dma_start3A_78 = arith.constant 128 : i32
    %dma_start3A_79 = tpu.memref_slice %arg11[%dma_start3A_78] : memref<4992xi32, #tpu.memory_space<vmem>> -> memref<128xi32, #tpu.memory_space<vmem>>
    %dma_start3A_80 = arith.constant 0 : i32
    %dma_start3A_81 = arith.constant 0 : i32
    %dma_start3A_82 = tpu.memref_slice %arg2[%dma_start3A_80, %dma_start3A_81] : memref<10000x128xf32, #tpu.memory_space<hbm>> -> memref<10000x128xf32, #tpu.memory_space<hbm>>
    tpu.enqueue_indirect_dma source(%dma_start3A_82 : memref<10000x128xf32, #tpu.memory_space<hbm>>) target(%arg8 : memref<128x128xf32, #tpu.memory_space<vmem>>) offsets(%dma_start3A_79 : memref<128xi32, #tpu.memory_space<vmem>>) semaphore(%arg22 : memref<!tpu.dma_semaphore, #tpu.memory_space<semaphore_mem>>)
    %scan3A_83 = arith.constant 0 : i32
    %scan3A_84 = arith.constant 0 : i32
    %scan3A_85 = arith.constant 8 : i32
    %scan3A_86 = arith.addi %scan3A_84, %scan3A_85 : i32
    %scan3A_87 = arith.constant 1 : i32
    scf.for %scan3A_153 = %scan3A_84 to %scan3A_86 step %scan3A_87  : i32 {
      %mul3A_154 = arith.constant 16 : i32
      %mul3A_155 = arith.muli %scan3A_153, %mul3A_154 : i32
      %add3A_156 = arith.addi %mul3A_155, %arg1 : i32
      %lt3A = arith.constant 125 : i32
      %lt3A_157 = arith.cmpi slt, %add3A_156, %lt3A : i32
      %convert_element_type3A_158 = arith.extui %lt3A_157 : i1 to i32
      %cond3A_159 = arith.constant 0 : i32
      %cond3A_160 = arith.cmpi ne, %convert_element_type3A_158, %cond3A_159 : i32
      scf.if %cond3A_160 {
        %mul3A_161 = arith.constant 40 : i32
        %mul3A_162 = arith.muli %add3A_156, %mul3A_161 : i32
        "tpu.region"() ({
          %run_scoped3A = tpu.sem_alloc : memref<!tpu.dma_semaphore, #tpu.memory_space<semaphore_mem>>
          %dma_start3A_163 = arith.constant 0 : i32
          %dma_start3A_164 = tpu.memref_slice %arg19[%mul3A_162, %dma_start3A_163] : memref<5000x128xf32, #tpu.memory_space<vmem_shared>> -> memref<40x128xf32, #tpu.memory_space<vmem_shared>>
          %dma_start3A_165 = arith.constant 0 : i32
          %dma_start3A_166 = tpu.memref_slice %arg19[%mul3A_162, %dma_start3A_165] : memref<5000x128xf32, #tpu.memory_space<vmem_shared>> -> memref<40x128xf32, #tpu.memory_space<vmem_shared>>
          tpu.enqueue_dma source(%arg17 : memref<40x128xf32, #tpu.memory_space<vmem>>) target(%dma_start3A_166 : memref<40x128xf32, #tpu.memory_space<vmem_shared>>) target_semaphore(%run_scoped3A : memref<!tpu.dma_semaphore, #tpu.memory_space<semaphore_mem>>)
          %dma_wait3A_167 = arith.constant 0 : i32
          %dma_wait3A_168 = tpu.memref_slice %arg19[%mul3A_162, %dma_wait3A_167] : memref<5000x128xf32, #tpu.memory_space<vmem_shared>> -> memref<40x128xf32, #tpu.memory_space<vmem_shared>>
          %dma_wait3A_169 = arith.constant 0 : i32
          %dma_wait3A_170 = tpu.memref_slice %arg19[%mul3A_162, %dma_wait3A_169] : memref<5000x128xf32, #tpu.memory_space<vmem_shared>> -> memref<40x128xf32, #tpu.memory_space<vmem_shared>>
          tpu.wait_dma2 semaphore(%run_scoped3A : memref<!tpu.dma_semaphore, #tpu.memory_space<semaphore_mem>>) src(%arg17 : memref<40x128xf32, #tpu.memory_space<vmem>>) dst(%dma_wait3A_170 : memref<40x128xf32, #tpu.memory_space<vmem_shared>>)
          tpu.yield
        }) : () -> ()
      } else {
      }
    }
    %scan3A_88 = arith.constant 8 : i32
    %scan3A_89 = arith.constant 0 : i32
    %scan3A_90 = arith.constant 0 : i32
    %scan3A_91 = arith.constant 3 : i32
    %scan3A_92 = arith.addi %scan3A_90, %scan3A_91 : i32
    %scan3A_93 = arith.constant 1 : i32
    scf.for %scan3A_153 = %scan3A_90 to %scan3A_92 step %scan3A_93  : i32 {
      %mul3A_154 = arith.constant 16 : i32
      %mul3A_155 = arith.muli %scan3A_153, %mul3A_154 : i32
      %add3A_156 = arith.addi %mul3A_155, %arg1 : i32
      %lt3A = arith.constant 40 : i32
      %lt3A_157 = arith.cmpi slt, %add3A_156, %lt3A : i32
      %convert_element_type3A_158 = arith.extui %lt3A_157 : i1 to i32
      %cond3A_159 = arith.constant 0 : i32
      %cond3A_160 = arith.cmpi ne, %convert_element_type3A_158, %cond3A_159 : i32
      scf.if %cond3A_160 {
        %mul3A_161 = arith.constant 128 : i32
        %mul3A_162 = arith.muli %add3A_156, %mul3A_161 : i32
        "tpu.region"() ({
          %run_scoped3A = tpu.sem_alloc : memref<!tpu.dma_semaphore, #tpu.memory_space<semaphore_mem>>
          %dma_start3A_163 = tpu.memref_slice %arg20[%mul3A_162] : memref<5120xf32, #tpu.memory_space<vmem_shared>> -> memref<128xf32, #tpu.memory_space<vmem_shared>>
          %dma_start3A_164 = tpu.memref_slice %arg20[%mul3A_162] : memref<5120xf32, #tpu.memory_space<vmem_shared>> -> memref<128xf32, #tpu.memory_space<vmem_shared>>
          tpu.enqueue_dma source(%arg18 : memref<128xf32, #tpu.memory_space<vmem>>) target(%dma_start3A_164 : memref<128xf32, #tpu.memory_space<vmem_shared>>) target_semaphore(%run_scoped3A : memref<!tpu.dma_semaphore, #tpu.memory_space<semaphore_mem>>)
          %dma_wait3A_165 = tpu.memref_slice %arg20[%mul3A_162] : memref<5120xf32, #tpu.memory_space<vmem_shared>> -> memref<128xf32, #tpu.memory_space<vmem_shared>>
          %dma_wait3A_166 = tpu.memref_slice %arg20[%mul3A_162] : memref<5120xf32, #tpu.memory_space<vmem_shared>> -> memref<128xf32, #tpu.memory_space<vmem_shared>>
          tpu.wait_dma2 semaphore(%run_scoped3A : memref<!tpu.dma_semaphore, #tpu.memory_space<semaphore_mem>>) src(%arg18 : memref<128xf32, #tpu.memory_space<vmem>>) dst(%dma_wait3A_166 : memref<128xf32, #tpu.memory_space<vmem_shared>>)
          tpu.yield
        }) : () -> ()
      } else {
      }
    }
    %scan3A_94 = arith.constant 3 : i32
    %barrier3A = arith.constant 0 : index
    tpu.barrier barrier_id(%barrier3A)
    %scan3A_95 = arith.constant 0 : i32
    %scan3A_96 = arith.constant 0 : i32
    %scan3A_97 = arith.constant 10 : i32
    %scan3A_98 = arith.addi %scan3A_96, %scan3A_97 : i32
    %scan3A_99 = arith.constant 1 : i32
    scf.for %scan3A_153 = %scan3A_96 to %scan3A_98 step %scan3A_99  : i32 {
      %mul3A_154 = arith.constant 4 : i32
      %mul3A_155 = arith.muli %mul3A_154, %scan3A_153 : i32
      %add3A_156 = arith.constant 0 : i32
      %add3A_157 = arith.addi %mul3A_155, %add3A_156 : i32
      %lt3A = arith.constant 39 : i32
      %lt3A_158 = arith.cmpi slt, %add3A_157, %lt3A : i32
      %convert_element_type3A_159 = arith.extui %lt3A_158 : i1 to i32
      %cond3A_160 = arith.constant 0 : i32
      %cond3A_161 = arith.cmpi ne, %convert_element_type3A_159, %cond3A_160 : i32
      scf.if %cond3A_161 {
        %dma_wait3A_217 = arith.constant 0 : i32
        %dma_wait3A_218 = tpu.memref_slice %arg11[%dma_wait3A_217] : memref<4992xi32, #tpu.memory_space<vmem>> -> memref<128xi32, #tpu.memory_space<vmem>>
        %dma_wait3A_219 = arith.constant 0 : i32
        %dma_wait3A_220 = arith.constant 0 : i32
        %dma_wait3A_221 = tpu.memref_slice %arg2[%dma_wait3A_219, %dma_wait3A_220] : memref<10000x128xf32, #tpu.memory_space<hbm>> -> memref<10000x128xf32, #tpu.memory_space<hbm>>
        tpu.wait_indirect_dma semaphore(%arg21 : memref<!tpu.dma_semaphore, #tpu.memory_space<semaphore_mem>>) src(%dma_wait3A_221 : memref<10000x128xf32, #tpu.memory_space<hbm>>) dst(%arg7 : memref<128x128xf32, #tpu.memory_space<vmem>>)
        %mul3A_222 = arith.constant 128 : i32
        %mul3A_223 = arith.muli %add3A_157, %mul3A_222 : i32
        %dma_start3A_224 = tpu.memref_slice %arg12[%mul3A_223] : memref<4992xi32, #tpu.memory_space<vmem>> -> memref<128xi32, #tpu.memory_space<vmem>>
        %dma_start3A_225 = arith.constant 0 : i32
        %dma_start3A_226 = arith.constant 0 : i32
        %dma_start3A_227 = tpu.memref_slice %arg19[%dma_start3A_225, %dma_start3A_226] : memref<5000x128xf32, #tpu.memory_space<vmem_shared>> -> memref<5000x128xf32, #tpu.memory_space<vmem_shared>>
        tpu.enqueue_indirect_dma source(%arg7 : memref<128x128xf32, #tpu.memory_space<vmem>>) target(%dma_start3A_227 : memref<5000x128xf32, #tpu.memory_space<vmem_shared>>) offsets(%dma_start3A_224 : memref<128xi32, #tpu.memory_space<vmem>>) semaphore(%arg25 : memref<!tpu.dma_semaphore, #tpu.memory_space<semaphore_mem>>) {add = true}
        %dma_start3A_228 = tpu.memref_slice %arg12[%mul3A_223] : memref<4992xi32, #tpu.memory_space<vmem>> -> memref<128xi32, #tpu.memory_space<vmem>>
        %dma_start3A_229 = arith.constant 0 : i32
        %dma_start3A_230 = tpu.memref_slice %arg20[%dma_start3A_229] : memref<5120xf32, #tpu.memory_space<vmem_shared>> -> memref<5120xf32, #tpu.memory_space<vmem_shared>>
        tpu.enqueue_indirect_dma source(%arg16 : memref<128xf32, #tpu.memory_space<vmem>>) target(%dma_start3A_230 : memref<5120xf32, #tpu.memory_space<vmem_shared>>) offsets(%dma_start3A_228 : memref<128xi32, #tpu.memory_space<vmem>>) semaphore(%arg29 : memref<!tpu.dma_semaphore, #tpu.memory_space<semaphore_mem>>) {add = true}
      } else {
      }
      %add3A_162 = arith.constant 2 : i32
      %add3A_163 = arith.addi %add3A_157, %add3A_162 : i32
      %lt3A_164 = arith.constant 39 : i32
      %lt3A_165 = arith.cmpi slt, %add3A_163, %lt3A_164 : i32
      %convert_element_type3A_166 = arith.extui %lt3A_165 : i1 to i32
      %cond3A_167 = arith.constant 0 : i32
      %cond3A_168 = arith.cmpi ne, %convert_element_type3A_166, %cond3A_167 : i32
      scf.if %cond3A_168 {
        %ge3A = arith.constant 4 : i32
        %ge3A_217 = arith.cmpi sge, %add3A_163, %ge3A : i32
        %convert_element_type3A_218 = arith.extui %ge3A_217 : i1 to i32
        %cond3A_219 = arith.constant 0 : i32
        %cond3A_220 = arith.cmpi ne, %convert_element_type3A_218, %cond3A_219 : i32
        scf.if %cond3A_220 {
          %dma_wait3A_227 = arith.constant 0 : i32
          %dma_wait3A_228 = tpu.memref_slice %arg12[%dma_wait3A_227] : memref<4992xi32, #tpu.memory_space<vmem>> -> memref<128xi32, #tpu.memory_space<vmem>>
          %dma_wait3A_229 = arith.constant 0 : i32
          %dma_wait3A_230 = arith.constant 0 : i32
          %dma_wait3A_231 = tpu.memref_slice %arg19[%dma_wait3A_229, %dma_wait3A_230] : memref<5000x128xf32, #tpu.memory_space<vmem_shared>> -> memref<5000x128xf32, #tpu.memory_space<vmem_shared>>
          tpu.wait_indirect_dma semaphore(%arg27 : memref<!tpu.dma_semaphore, #tpu.memory_space<semaphore_mem>>) src(%arg9 : memref<128x128xf32, #tpu.memory_space<vmem>>) dst(%dma_wait3A_231 : memref<5000x128xf32, #tpu.memory_space<vmem_shared>>)
          %dma_wait3A_232 = arith.constant 0 : i32
          %dma_wait3A_233 = tpu.memref_slice %arg12[%dma_wait3A_232] : memref<4992xi32, #tpu.memory_space<vmem>> -> memref<128xi32, #tpu.memory_space<vmem>>
          %dma_wait3A_234 = arith.constant 0 : i32
          %dma_wait3A_235 = tpu.memref_slice %arg20[%dma_wait3A_234] : memref<5120xf32, #tpu.memory_space<vmem_shared>> -> memref<5120xf32, #tpu.memory_space<vmem_shared>>
          tpu.wait_indirect_dma semaphore(%arg31 : memref<!tpu.dma_semaphore, #tpu.memory_space<semaphore_mem>>) src(%arg16 : memref<128xf32, #tpu.memory_space<vmem>>) dst(%dma_wait3A_235 : memref<5120xf32, #tpu.memory_space<vmem_shared>>)
        } else {
        }
        %mul3A_221 = arith.constant 128 : i32
        %mul3A_222 = arith.muli %add3A_163, %mul3A_221 : i32
        %dma_start3A_223 = tpu.memref_slice %arg11[%mul3A_222] : memref<4992xi32, #tpu.memory_space<vmem>> -> memref<128xi32, #tpu.memory_space<vmem>>
        %dma_start3A_224 = arith.constant 0 : i32
        %dma_start3A_225 = arith.constant 0 : i32
        %dma_start3A_226 = tpu.memref_slice %arg2[%dma_start3A_224, %dma_start3A_225] : memref<10000x128xf32, #tpu.memory_space<hbm>> -> memref<10000x128xf32, #tpu.memory_space<hbm>>
        tpu.enqueue_indirect_dma source(%dma_start3A_226 : memref<10000x128xf32, #tpu.memory_space<hbm>>) target(%arg9 : memref<128x128xf32, #tpu.memory_space<vmem>>) offsets(%dma_start3A_223 : memref<128xi32, #tpu.memory_space<vmem>>) semaphore(%arg23 : memref<!tpu.dma_semaphore, #tpu.memory_space<semaphore_mem>>)
      } else {
      }
      %mul3A_169 = arith.constant 4 : i32
      %mul3A_170 = arith.muli %mul3A_169, %scan3A_153 : i32
      %add3A_171 = arith.constant 1 : i32
      %add3A_172 = arith.addi %mul3A_170, %add3A_171 : i32
      %lt3A_173 = arith.constant 39 : i32
      %lt3A_174 = arith.cmpi slt, %add3A_172, %lt3A_173 : i32
      %convert_element_type3A_175 = arith.extui %lt3A_174 : i1 to i32
      %cond3A_176 = arith.constant 0 : i32
      %cond3A_177 = arith.cmpi ne, %convert_element_type3A_175, %cond3A_176 : i32
      scf.if %cond3A_177 {
        %dma_wait3A_217 = arith.constant 0 : i32
        %dma_wait3A_218 = tpu.memref_slice %arg11[%dma_wait3A_217] : memref<4992xi32, #tpu.memory_space<vmem>> -> memref<128xi32, #tpu.memory_space<vmem>>
        %dma_wait3A_219 = arith.constant 0 : i32
        %dma_wait3A_220 = arith.constant 0 : i32
        %dma_wait3A_221 = tpu.memref_slice %arg2[%dma_wait3A_219, %dma_wait3A_220] : memref<10000x128xf32, #tpu.memory_space<hbm>> -> memref<10000x128xf32, #tpu.memory_space<hbm>>
        tpu.wait_indirect_dma semaphore(%arg22 : memref<!tpu.dma_semaphore, #tpu.memory_space<semaphore_mem>>) src(%dma_wait3A_221 : memref<10000x128xf32, #tpu.memory_space<hbm>>) dst(%arg8 : memref<128x128xf32, #tpu.memory_space<vmem>>)
        %mul3A_222 = arith.constant 128 : i32
        %mul3A_223 = arith.muli %add3A_172, %mul3A_222 : i32
        %dma_start3A_224 = tpu.memref_slice %arg12[%mul3A_223] : memref<4992xi32, #tpu.memory_space<vmem>> -> memref<128xi32, #tpu.memory_space<vmem>>
        %dma_start3A_225 = arith.constant 0 : i32
        %dma_start3A_226 = arith.constant 0 : i32
        %dma_start3A_227 = tpu.memref_slice %arg19[%dma_start3A_225, %dma_start3A_226] : memref<5000x128xf32, #tpu.memory_space<vmem_shared>> -> memref<5000x128xf32, #tpu.memory_space<vmem_shared>>
        tpu.enqueue_indirect_dma source(%arg8 : memref<128x128xf32, #tpu.memory_space<vmem>>) target(%dma_start3A_227 : memref<5000x128xf32, #tpu.memory_space<vmem_shared>>) offsets(%dma_start3A_224 : memref<128xi32, #tpu.memory_space<vmem>>) semaphore(%arg26 : memref<!tpu.dma_semaphore, #tpu.memory_space<semaphore_mem>>) {add = true}
        %dma_start3A_228 = tpu.memref_slice %arg12[%mul3A_223] : memref<4992xi32, #tpu.memory_space<vmem>> -> memref<128xi32, #tpu.memory_space<vmem>>
        %dma_start3A_229 = arith.constant 0 : i32
        %dma_start3A_230 = tpu.memref_slice %arg20[%dma_start3A_229] : memref<5120xf32, #tpu.memory_space<vmem_shared>> -> memref<5120xf32, #tpu.memory_space<vmem_shared>>
        tpu.enqueue_indirect_dma source(%arg16 : memref<128xf32, #tpu.memory_space<vmem>>) target(%dma_start3A_230 : memref<5120xf32, #tpu.memory_space<vmem_shared>>) offsets(%dma_start3A_228 : memref<128xi32, #tpu.memory_space<vmem>>) semaphore(%arg30 : memref<!tpu.dma_semaphore, #tpu.memory_space<semaphore_mem>>) {add = true}
      } else {
      }
      %add3A_178 = arith.constant 2 : i32
      %add3A_179 = arith.addi %add3A_172, %add3A_178 : i32
      %lt3A_180 = arith.constant 39 : i32
      %lt3A_181 = arith.cmpi slt, %add3A_179, %lt3A_180 : i32
      %convert_element_type3A_182 = arith.extui %lt3A_181 : i1 to i32
      %cond3A_183 = arith.constant 0 : i32
      %cond3A_184 = arith.cmpi ne, %convert_element_type3A_182, %cond3A_183 : i32
      scf.if %cond3A_184 {
        %ge3A = arith.constant 4 : i32
        %ge3A_217 = arith.cmpi sge, %add3A_179, %ge3A : i32
        %convert_element_type3A_218 = arith.extui %ge3A_217 : i1 to i32
        %cond3A_219 = arith.constant 0 : i32
        %cond3A_220 = arith.cmpi ne, %convert_element_type3A_218, %cond3A_219 : i32
        scf.if %cond3A_220 {
          %dma_wait3A_227 = arith.constant 0 : i32
          %dma_wait3A_228 = tpu.memref_slice %arg12[%dma_wait3A_227] : memref<4992xi32, #tpu.memory_space<vmem>> -> memref<128xi32, #tpu.memory_space<vmem>>
          %dma_wait3A_229 = arith.constant 0 : i32
          %dma_wait3A_230 = arith.constant 0 : i32
          %dma_wait3A_231 = tpu.memref_slice %arg19[%dma_wait3A_229, %dma_wait3A_230] : memref<5000x128xf32, #tpu.memory_space<vmem_shared>> -> memref<5000x128xf32, #tpu.memory_space<vmem_shared>>
          tpu.wait_indirect_dma semaphore(%arg28 : memref<!tpu.dma_semaphore, #tpu.memory_space<semaphore_mem>>) src(%arg10 : memref<128x128xf32, #tpu.memory_space<vmem>>) dst(%dma_wait3A_231 : memref<5000x128xf32, #tpu.memory_space<vmem_shared>>)
          %dma_wait3A_232 = arith.constant 0 : i32
          %dma_wait3A_233 = tpu.memref_slice %arg12[%dma_wait3A_232] : memref<4992xi32, #tpu.memory_space<vmem>> -> memref<128xi32, #tpu.memory_space<vmem>>
          %dma_wait3A_234 = arith.constant 0 : i32
          %dma_wait3A_235 = tpu.memref_slice %arg20[%dma_wait3A_234] : memref<5120xf32, #tpu.memory_space<vmem_shared>> -> memref<5120xf32, #tpu.memory_space<vmem_shared>>
          tpu.wait_indirect_dma semaphore(%arg32 : memref<!tpu.dma_semaphore, #tpu.memory_space<semaphore_mem>>) src(%arg16 : memref<128xf32, #tpu.memory_space<vmem>>) dst(%dma_wait3A_235 : memref<5120xf32, #tpu.memory_space<vmem_shared>>)
        } else {
        }
        %mul3A_221 = arith.constant 128 : i32
        %mul3A_222 = arith.muli %add3A_179, %mul3A_221 : i32
        %dma_start3A_223 = tpu.memref_slice %arg11[%mul3A_222] : memref<4992xi32, #tpu.memory_space<vmem>> -> memref<128xi32, #tpu.memory_space<vmem>>
        %dma_start3A_224 = arith.constant 0 : i32
        %dma_start3A_225 = arith.constant 0 : i32
        %dma_start3A_226 = tpu.memref_slice %arg2[%dma_start3A_224, %dma_start3A_225] : memref<10000x128xf32, #tpu.memory_space<hbm>> -> memref<10000x128xf32, #tpu.memory_space<hbm>>
        tpu.enqueue_indirect_dma source(%dma_start3A_226 : memref<10000x128xf32, #tpu.memory_space<hbm>>) target(%arg10 : memref<128x128xf32, #tpu.memory_space<vmem>>) offsets(%dma_start3A_223 : memref<128xi32, #tpu.memory_space<vmem>>) semaphore(%arg24 : memref<!tpu.dma_semaphore, #tpu.memory_space<semaphore_mem>>)
      } else {
      }
      %mul3A_185 = arith.constant 4 : i32
      %mul3A_186 = arith.muli %mul3A_185, %scan3A_153 : i32
      %add3A_187 = arith.constant 2 : i32
      %add3A_188 = arith.addi %mul3A_186, %add3A_187 : i32
      %lt3A_189 = arith.constant 39 : i32
      %lt3A_190 = arith.cmpi slt, %add3A_188, %lt3A_189 : i32
      %convert_element_type3A_191 = arith.extui %lt3A_190 : i1 to i32
      %cond3A_192 = arith.constant 0 : i32
      %cond3A_193 = arith.cmpi ne, %convert_element_type3A_191, %cond3A_192 : i32
      scf.if %cond3A_193 {
        %dma_wait3A_217 = arith.constant 0 : i32
        %dma_wait3A_218 = tpu.memref_slice %arg11[%dma_wait3A_217] : memref<4992xi32, #tpu.memory_space<vmem>> -> memref<128xi32, #tpu.memory_space<vmem>>
        %dma_wait3A_219 = arith.constant 0 : i32
        %dma_wait3A_220 = arith.constant 0 : i32
        %dma_wait3A_221 = tpu.memref_slice %arg2[%dma_wait3A_219, %dma_wait3A_220] : memref<10000x128xf32, #tpu.memory_space<hbm>> -> memref<10000x128xf32, #tpu.memory_space<hbm>>
        tpu.wait_indirect_dma semaphore(%arg23 : memref<!tpu.dma_semaphore, #tpu.memory_space<semaphore_mem>>) src(%dma_wait3A_221 : memref<10000x128xf32, #tpu.memory_space<hbm>>) dst(%arg9 : memref<128x128xf32, #tpu.memory_space<vmem>>)
        %mul3A_222 = arith.constant 128 : i32
        %mul3A_223 = arith.muli %add3A_188, %mul3A_222 : i32
        %dma_start3A_224 = tpu.memref_slice %arg12[%mul3A_223] : memref<4992xi32, #tpu.memory_space<vmem>> -> memref<128xi32, #tpu.memory_space<vmem>>
        %dma_start3A_225 = arith.constant 0 : i32
        %dma_start3A_226 = arith.constant 0 : i32
        %dma_start3A_227 = tpu.memref_slice %arg19[%dma_start3A_225, %dma_start3A_226] : memref<5000x128xf32, #tpu.memory_space<vmem_shared>> -> memref<5000x128xf32, #tpu.memory_space<vmem_shared>>
        tpu.enqueue_indirect_dma source(%arg9 : memref<128x128xf32, #tpu.memory_space<vmem>>) target(%dma_start3A_227 : memref<5000x128xf32, #tpu.memory_space<vmem_shared>>) offsets(%dma_start3A_224 : memref<128xi32, #tpu.memory_space<vmem>>) semaphore(%arg27 : memref<!tpu.dma_semaphore, #tpu.memory_space<semaphore_mem>>) {add = true}
        %dma_start3A_228 = tpu.memref_slice %arg12[%mul3A_223] : memref<4992xi32, #tpu.memory_space<vmem>> -> memref<128xi32, #tpu.memory_space<vmem>>
        %dma_start3A_229 = arith.constant 0 : i32
        %dma_start3A_230 = tpu.memref_slice %arg20[%dma_start3A_229] : memref<5120xf32, #tpu.memory_space<vmem_shared>> -> memref<5120xf32, #tpu.memory_space<vmem_shared>>
        tpu.enqueue_indirect_dma source(%arg16 : memref<128xf32, #tpu.memory_space<vmem>>) target(%dma_start3A_230 : memref<5120xf32, #tpu.memory_space<vmem_shared>>) offsets(%dma_start3A_228 : memref<128xi32, #tpu.memory_space<vmem>>) semaphore(%arg31 : memref<!tpu.dma_semaphore, #tpu.memory_space<semaphore_mem>>) {add = true}
      } else {
      }
      %add3A_194 = arith.constant 2 : i32
      %add3A_195 = arith.addi %add3A_188, %add3A_194 : i32
      %lt3A_196 = arith.constant 39 : i32
      %lt3A_197 = arith.cmpi slt, %add3A_195, %lt3A_196 : i32
      %convert_element_type3A_198 = arith.extui %lt3A_197 : i1 to i32
      %cond3A_199 = arith.constant 0 : i32
      %cond3A_200 = arith.cmpi ne, %convert_element_type3A_198, %cond3A_199 : i32
      scf.if %cond3A_200 {
        %ge3A = arith.constant 4 : i32
        %ge3A_217 = arith.cmpi sge, %add3A_195, %ge3A : i32
        %convert_element_type3A_218 = arith.extui %ge3A_217 : i1 to i32
        %cond3A_219 = arith.constant 0 : i32
        %cond3A_220 = arith.cmpi ne, %convert_element_type3A_218, %cond3A_219 : i32
        scf.if %cond3A_220 {
          %dma_wait3A_227 = arith.constant 0 : i32
          %dma_wait3A_228 = tpu.memref_slice %arg12[%dma_wait3A_227] : memref<4992xi32, #tpu.memory_space<vmem>> -> memref<128xi32, #tpu.memory_space<vmem>>
          %dma_wait3A_229 = arith.constant 0 : i32
          %dma_wait3A_230 = arith.constant 0 : i32
          %dma_wait3A_231 = tpu.memref_slice %arg19[%dma_wait3A_229, %dma_wait3A_230] : memref<5000x128xf32, #tpu.memory_space<vmem_shared>> -> memref<5000x128xf32, #tpu.memory_space<vmem_shared>>
          tpu.wait_indirect_dma semaphore(%arg25 : memref<!tpu.dma_semaphore, #tpu.memory_space<semaphore_mem>>) src(%arg7 : memref<128x128xf32, #tpu.memory_space<vmem>>) dst(%dma_wait3A_231 : memref<5000x128xf32, #tpu.memory_space<vmem_shared>>)
          %dma_wait3A_232 = arith.constant 0 : i32
          %dma_wait3A_233 = tpu.memref_slice %arg12[%dma_wait3A_232] : memref<4992xi32, #tpu.memory_space<vmem>> -> memref<128xi32, #tpu.memory_space<vmem>>
          %dma_wait3A_234 = arith.constant 0 : i32
          %dma_wait3A_235 = tpu.memref_slice %arg20[%dma_wait3A_234] : memref<5120xf32, #tpu.memory_space<vmem_shared>> -> memref<5120xf32, #tpu.memory_space<vmem_shared>>
          tpu.wait_indirect_dma semaphore(%arg29 : memref<!tpu.dma_semaphore, #tpu.memory_space<semaphore_mem>>) src(%arg16 : memref<128xf32, #tpu.memory_space<vmem>>) dst(%dma_wait3A_235 : memref<5120xf32, #tpu.memory_space<vmem_shared>>)
        } else {
        }
        %mul3A_221 = arith.constant 128 : i32
        %mul3A_222 = arith.muli %add3A_195, %mul3A_221 : i32
        %dma_start3A_223 = tpu.memref_slice %arg11[%mul3A_222] : memref<4992xi32, #tpu.memory_space<vmem>> -> memref<128xi32, #tpu.memory_space<vmem>>
        %dma_start3A_224 = arith.constant 0 : i32
        %dma_start3A_225 = arith.constant 0 : i32
        %dma_start3A_226 = tpu.memref_slice %arg2[%dma_start3A_224, %dma_start3A_225] : memref<10000x128xf32, #tpu.memory_space<hbm>> -> memref<10000x128xf32, #tpu.memory_space<hbm>>
        tpu.enqueue_indirect_dma source(%dma_start3A_226 : memref<10000x128xf32, #tpu.memory_space<hbm>>) target(%arg7 : memref<128x128xf32, #tpu.memory_space<vmem>>) offsets(%dma_start3A_223 : memref<128xi32, #tpu.memory_space<vmem>>) semaphore(%arg21 : memref<!tpu.dma_semaphore, #tpu.memory_space<semaphore_mem>>)
      } else {
      }
      %mul3A_201 = arith.constant 4 : i32
      %mul3A_202 = arith.muli %mul3A_201, %scan3A_153 : i32
      %add3A_203 = arith.constant 3 : i32
      %add3A_204 = arith.addi %mul3A_202, %add3A_203 : i32
      %lt3A_205 = arith.constant 39 : i32
      %lt3A_206 = arith.cmpi slt, %add3A_204, %lt3A_205 : i32
      %convert_element_type3A_207 = arith.extui %lt3A_206 : i1 to i32
      %cond3A_208 = arith.constant 0 : i32
      %cond3A_209 = arith.cmpi ne, %convert_element_type3A_207, %cond3A_208 : i32
      scf.if %cond3A_209 {
        %dma_wait3A_217 = arith.constant 0 : i32
        %dma_wait3A_218 = tpu.memref_slice %arg11[%dma_wait3A_217] : memref<4992xi32, #tpu.memory_space<vmem>> -> memref<128xi32, #tpu.memory_space<vmem>>
        %dma_wait3A_219 = arith.constant 0 : i32
        %dma_wait3A_220 = arith.constant 0 : i32
        %dma_wait3A_221 = tpu.memref_slice %arg2[%dma_wait3A_219, %dma_wait3A_220] : memref<10000x128xf32, #tpu.memory_space<hbm>> -> memref<10000x128xf32, #tpu.memory_space<hbm>>
        tpu.wait_indirect_dma semaphore(%arg24 : memref<!tpu.dma_semaphore, #tpu.memory_space<semaphore_mem>>) src(%dma_wait3A_221 : memref<10000x128xf32, #tpu.memory_space<hbm>>) dst(%arg10 : memref<128x128xf32, #tpu.memory_space<vmem>>)
        %mul3A_222 = arith.constant 128 : i32
        %mul3A_223 = arith.muli %add3A_204, %mul3A_222 : i32
        %dma_start3A_224 = tpu.memref_slice %arg12[%mul3A_223] : memref<4992xi32, #tpu.memory_space<vmem>> -> memref<128xi32, #tpu.memory_space<vmem>>
        %dma_start3A_225 = arith.constant 0 : i32
        %dma_start3A_226 = arith.constant 0 : i32
        %dma_start3A_227 = tpu.memref_slice %arg19[%dma_start3A_225, %dma_start3A_226] : memref<5000x128xf32, #tpu.memory_space<vmem_shared>> -> memref<5000x128xf32, #tpu.memory_space<vmem_shared>>
        tpu.enqueue_indirect_dma source(%arg10 : memref<128x128xf32, #tpu.memory_space<vmem>>) target(%dma_start3A_227 : memref<5000x128xf32, #tpu.memory_space<vmem_shared>>) offsets(%dma_start3A_224 : memref<128xi32, #tpu.memory_space<vmem>>) semaphore(%arg28 : memref<!tpu.dma_semaphore, #tpu.memory_space<semaphore_mem>>) {add = true}
        %dma_start3A_228 = tpu.memref_slice %arg12[%mul3A_223] : memref<4992xi32, #tpu.memory_space<vmem>> -> memref<128xi32, #tpu.memory_space<vmem>>
        %dma_start3A_229 = arith.constant 0 : i32
        %dma_start3A_230 = tpu.memref_slice %arg20[%dma_start3A_229] : memref<5120xf32, #tpu.memory_space<vmem_shared>> -> memref<5120xf32, #tpu.memory_space<vmem_shared>>
        tpu.enqueue_indirect_dma source(%arg16 : memref<128xf32, #tpu.memory_space<vmem>>) target(%dma_start3A_230 : memref<5120xf32, #tpu.memory_space<vmem_shared>>) offsets(%dma_start3A_228 : memref<128xi32, #tpu.memory_space<vmem>>) semaphore(%arg32 : memref<!tpu.dma_semaphore, #tpu.memory_space<semaphore_mem>>) {add = true}
      } else {
      }
      %add3A_210 = arith.constant 2 : i32
      %add3A_211 = arith.addi %add3A_204, %add3A_210 : i32
      %lt3A_212 = arith.constant 39 : i32
      %lt3A_213 = arith.cmpi slt, %add3A_211, %lt3A_212 : i32
      %convert_element_type3A_214 = arith.extui %lt3A_213 : i1 to i32
      %cond3A_215 = arith.constant 0 : i32
      %cond3A_216 = arith.cmpi ne, %convert_element_type3A_214, %cond3A_215 : i32
      scf.if %cond3A_216 {
        %ge3A = arith.constant 4 : i32
        %ge3A_217 = arith.cmpi sge, %add3A_211, %ge3A : i32
        %convert_element_type3A_218 = arith.extui %ge3A_217 : i1 to i32
        %cond3A_219 = arith.constant 0 : i32
        %cond3A_220 = arith.cmpi ne, %convert_element_type3A_218, %cond3A_219 : i32
        scf.if %cond3A_220 {
          %dma_wait3A_227 = arith.constant 0 : i32
          %dma_wait3A_228 = tpu.memref_slice %arg12[%dma_wait3A_227] : memref<4992xi32, #tpu.memory_space<vmem>> -> memref<128xi32, #tpu.memory_space<vmem>>
          %dma_wait3A_229 = arith.constant 0 : i32
          %dma_wait3A_230 = arith.constant 0 : i32
          %dma_wait3A_231 = tpu.memref_slice %arg19[%dma_wait3A_229, %dma_wait3A_230] : memref<5000x128xf32, #tpu.memory_space<vmem_shared>> -> memref<5000x128xf32, #tpu.memory_space<vmem_shared>>
          tpu.wait_indirect_dma semaphore(%arg26 : memref<!tpu.dma_semaphore, #tpu.memory_space<semaphore_mem>>) src(%arg8 : memref<128x128xf32, #tpu.memory_space<vmem>>) dst(%dma_wait3A_231 : memref<5000x128xf32, #tpu.memory_space<vmem_shared>>)
          %dma_wait3A_232 = arith.constant 0 : i32
          %dma_wait3A_233 = tpu.memref_slice %arg12[%dma_wait3A_232] : memref<4992xi32, #tpu.memory_space<vmem>> -> memref<128xi32, #tpu.memory_space<vmem>>
          %dma_wait3A_234 = arith.constant 0 : i32
          %dma_wait3A_235 = tpu.memref_slice %arg20[%dma_wait3A_234] : memref<5120xf32, #tpu.memory_space<vmem_shared>> -> memref<5120xf32, #tpu.memory_space<vmem_shared>>
          tpu.wait_indirect_dma semaphore(%arg30 : memref<!tpu.dma_semaphore, #tpu.memory_space<semaphore_mem>>) src(%arg16 : memref<128xf32, #tpu.memory_space<vmem>>) dst(%dma_wait3A_235 : memref<5120xf32, #tpu.memory_space<vmem_shared>>)
        } else {
        }
        %mul3A_221 = arith.constant 128 : i32
        %mul3A_222 = arith.muli %add3A_211, %mul3A_221 : i32
        %dma_start3A_223 = tpu.memref_slice %arg11[%mul3A_222] : memref<4992xi32, #tpu.memory_space<vmem>> -> memref<128xi32, #tpu.memory_space<vmem>>
        %dma_start3A_224 = arith.constant 0 : i32
        %dma_start3A_225 = arith.constant 0 : i32
        %dma_start3A_226 = tpu.memref_slice %arg2[%dma_start3A_224, %dma_start3A_225] : memref<10000x128xf32, #tpu.memory_space<hbm>> -> memref<10000x128xf32, #tpu.memory_space<hbm>>
        tpu.enqueue_indirect_dma source(%dma_start3A_226 : memref<10000x128xf32, #tpu.memory_space<hbm>>) target(%arg8 : memref<128x128xf32, #tpu.memory_space<vmem>>) offsets(%dma_start3A_223 : memref<128xi32, #tpu.memory_space<vmem>>) semaphore(%arg22 : memref<!tpu.dma_semaphore, #tpu.memory_space<semaphore_mem>>)
      } else {
      }
    }
    %scan3A_100 = arith.constant 10 : i32
    %dma_wait3A = arith.constant 0 : i32
    %dma_wait3A_101 = tpu.memref_slice %arg12[%dma_wait3A] : memref<4992xi32, #tpu.memory_space<vmem>> -> memref<128xi32, #tpu.memory_space<vmem>>
    %dma_wait3A_102 = arith.constant 0 : i32
    %dma_wait3A_103 = arith.constant 0 : i32
    %dma_wait3A_104 = tpu.memref_slice %arg19[%dma_wait3A_102, %dma_wait3A_103] : memref<5000x128xf32, #tpu.memory_space<vmem_shared>> -> memref<5000x128xf32, #tpu.memory_space<vmem_shared>>
    tpu.wait_indirect_dma semaphore(%arg28 : memref<!tpu.dma_semaphore, #tpu.memory_space<semaphore_mem>>) src(%arg10 : memref<128x128xf32, #tpu.memory_space<vmem>>) dst(%dma_wait3A_104 : memref<5000x128xf32, #tpu.memory_space<vmem_shared>>)
    %dma_wait3A_105 = arith.constant 0 : i32
    %dma_wait3A_106 = tpu.memref_slice %arg12[%dma_wait3A_105] : memref<4992xi32, #tpu.memory_space<vmem>> -> memref<128xi32, #tpu.memory_space<vmem>>
    %dma_wait3A_107 = arith.constant 0 : i32
    %dma_wait3A_108 = tpu.memref_slice %arg20[%dma_wait3A_107] : memref<5120xf32, #tpu.memory_space<vmem_shared>> -> memref<5120xf32, #tpu.memory_space<vmem_shared>>
    tpu.wait_indirect_dma semaphore(%arg32 : memref<!tpu.dma_semaphore, #tpu.memory_space<semaphore_mem>>) src(%arg16 : memref<128xf32, #tpu.memory_space<vmem>>) dst(%dma_wait3A_108 : memref<5120xf32, #tpu.memory_space<vmem_shared>>)
    %dma_wait3A_109 = arith.constant 0 : i32
    %dma_wait3A_110 = tpu.memref_slice %arg12[%dma_wait3A_109] : memref<4992xi32, #tpu.memory_space<vmem>> -> memref<128xi32, #tpu.memory_space<vmem>>
    %dma_wait3A_111 = arith.constant 0 : i32
    %dma_wait3A_112 = arith.constant 0 : i32
    %dma_wait3A_113 = tpu.memref_slice %arg19[%dma_wait3A_111, %dma_wait3A_112] : memref<5000x128xf32, #tpu.memory_space<vmem_shared>> -> memref<5000x128xf32, #tpu.memory_space<vmem_shared>>
    tpu.wait_indirect_dma semaphore(%arg25 : memref<!tpu.dma_semaphore, #tpu.memory_space<semaphore_mem>>) src(%arg7 : memref<128x128xf32, #tpu.memory_space<vmem>>) dst(%dma_wait3A_113 : memref<5000x128xf32, #tpu.memory_space<vmem_shared>>)
    %dma_wait3A_114 = arith.constant 0 : i32
    %dma_wait3A_115 = tpu.memref_slice %arg12[%dma_wait3A_114] : memref<4992xi32, #tpu.memory_space<vmem>> -> memref<128xi32, #tpu.memory_space<vmem>>
    %dma_wait3A_116 = arith.constant 0 : i32
    %dma_wait3A_117 = tpu.memref_slice %arg20[%dma_wait3A_116] : memref<5120xf32, #tpu.memory_space<vmem_shared>> -> memref<5120xf32, #tpu.memory_space<vmem_shared>>
    tpu.wait_indirect_dma semaphore(%arg29 : memref<!tpu.dma_semaphore, #tpu.memory_space<semaphore_mem>>) src(%arg16 : memref<128xf32, #tpu.memory_space<vmem>>) dst(%dma_wait3A_117 : memref<5120xf32, #tpu.memory_space<vmem_shared>>)
    %dma_wait3A_118 = arith.constant 0 : i32
    %dma_wait3A_119 = tpu.memref_slice %arg12[%dma_wait3A_118] : memref<4992xi32, #tpu.memory_space<vmem>> -> memref<128xi32, #tpu.memory_space<vmem>>
    %dma_wait3A_120 = arith.constant 0 : i32
    %dma_wait3A_121 = arith.constant 0 : i32
    %dma_wait3A_122 = tpu.memref_slice %arg19[%dma_wait3A_120, %dma_wait3A_121] : memref<5000x128xf32, #tpu.memory_space<vmem_shared>> -> memref<5000x128xf32, #tpu.memory_space<vmem_shared>>
    tpu.wait_indirect_dma semaphore(%arg26 : memref<!tpu.dma_semaphore, #tpu.memory_space<semaphore_mem>>) src(%arg8 : memref<128x128xf32, #tpu.memory_space<vmem>>) dst(%dma_wait3A_122 : memref<5000x128xf32, #tpu.memory_space<vmem_shared>>)
    %dma_wait3A_123 = arith.constant 0 : i32
    %dma_wait3A_124 = tpu.memref_slice %arg12[%dma_wait3A_123] : memref<4992xi32, #tpu.memory_space<vmem>> -> memref<128xi32, #tpu.memory_space<vmem>>
    %dma_wait3A_125 = arith.constant 0 : i32
    %dma_wait3A_126 = tpu.memref_slice %arg20[%dma_wait3A_125] : memref<5120xf32, #tpu.memory_space<vmem_shared>> -> memref<5120xf32, #tpu.memory_space<vmem_shared>>
    tpu.wait_indirect_dma semaphore(%arg30 : memref<!tpu.dma_semaphore, #tpu.memory_space<semaphore_mem>>) src(%arg16 : memref<128xf32, #tpu.memory_space<vmem>>) dst(%dma_wait3A_126 : memref<5120xf32, #tpu.memory_space<vmem_shared>>)
    %dma_wait3A_127 = arith.constant 0 : i32
    %dma_wait3A_128 = tpu.memref_slice %arg12[%dma_wait3A_127] : memref<4992xi32, #tpu.memory_space<vmem>> -> memref<128xi32, #tpu.memory_space<vmem>>
    %dma_wait3A_129 = arith.constant 0 : i32
    %dma_wait3A_130 = arith.constant 0 : i32
    %dma_wait3A_131 = tpu.memref_slice %arg19[%dma_wait3A_129, %dma_wait3A_130] : memref<5000x128xf32, #tpu.memory_space<vmem_shared>> -> memref<5000x128xf32, #tpu.memory_space<vmem_shared>>
    tpu.wait_indirect_dma semaphore(%arg27 : memref<!tpu.dma_semaphore, #tpu.memory_space<semaphore_mem>>) src(%arg9 : memref<128x128xf32, #tpu.memory_space<vmem>>) dst(%dma_wait3A_131 : memref<5000x128xf32, #tpu.memory_space<vmem_shared>>)
    %dma_wait3A_132 = arith.constant 0 : i32
    %dma_wait3A_133 = tpu.memref_slice %arg12[%dma_wait3A_132] : memref<4992xi32, #tpu.memory_space<vmem>> -> memref<128xi32, #tpu.memory_space<vmem>>
    %dma_wait3A_134 = arith.constant 0 : i32
    %dma_wait3A_135 = tpu.memref_slice %arg20[%dma_wait3A_134] : memref<5120xf32, #tpu.memory_space<vmem_shared>> -> memref<5120xf32, #tpu.memory_space<vmem_shared>>
    tpu.wait_indirect_dma semaphore(%arg31 : memref<!tpu.dma_semaphore, #tpu.memory_space<semaphore_mem>>) src(%arg16 : memref<128xf32, #tpu.memory_space<vmem>>) dst(%dma_wait3A_135 : memref<5120xf32, #tpu.memory_space<vmem_shared>>)
    %add3A_136 = arith.constant 4992 : i32
    %add3A_137 = arith.addi %mul3A_73, %add3A_136 : i32
    "tpu.region"() ({
      %run_scoped3A = tpu.sem_alloc : memref<!tpu.dma_semaphore, #tpu.memory_space<semaphore_mem>>
      %dma_start3A_153 = tpu.memref_slice %arg3[%add3A_137] : memref<160000xi32, #tpu.memory_space<hbm>> -> memref<8xi32, #tpu.memory_space<hbm>>
      %dma_start3A_154 = tpu.memref_slice %arg3[%add3A_137] : memref<160000xi32, #tpu.memory_space<hbm>> -> memref<8xi32, #tpu.memory_space<hbm>>
      tpu.enqueue_dma source(%dma_start3A_154 : memref<8xi32, #tpu.memory_space<hbm>>) target(%arg13 : memref<8xi32, #tpu.memory_space<vmem>>) target_semaphore(%run_scoped3A : memref<!tpu.dma_semaphore, #tpu.memory_space<semaphore_mem>>)
      %dma_wait3A_155 = tpu.memref_slice %arg3[%add3A_137] : memref<160000xi32, #tpu.memory_space<hbm>> -> memref<8xi32, #tpu.memory_space<hbm>>
      %dma_wait3A_156 = tpu.memref_slice %arg3[%add3A_137] : memref<160000xi32, #tpu.memory_space<hbm>> -> memref<8xi32, #tpu.memory_space<hbm>>
      tpu.wait_dma2 semaphore(%run_scoped3A : memref<!tpu.dma_semaphore, #tpu.memory_space<semaphore_mem>>) src(%dma_wait3A_156 : memref<8xi32, #tpu.memory_space<hbm>>) dst(%arg13 : memref<8xi32, #tpu.memory_space<vmem>>)
      tpu.yield
    }) : () -> ()
    "tpu.region"() ({
      %run_scoped3A = tpu.sem_alloc : memref<!tpu.dma_semaphore, #tpu.memory_space<semaphore_mem>>
      %dma_start3A_153 = tpu.memref_slice %arg4[%add3A_137] : memref<160000xi32, #tpu.memory_space<hbm>> -> memref<8xi32, #tpu.memory_space<hbm>>
      %dma_start3A_154 = tpu.memref_slice %arg4[%add3A_137] : memref<160000xi32, #tpu.memory_space<hbm>> -> memref<8xi32, #tpu.memory_space<hbm>>
      tpu.enqueue_dma source(%dma_start3A_154 : memref<8xi32, #tpu.memory_space<hbm>>) target(%arg14 : memref<8xi32, #tpu.memory_space<vmem>>) target_semaphore(%run_scoped3A : memref<!tpu.dma_semaphore, #tpu.memory_space<semaphore_mem>>)
      %dma_wait3A_155 = tpu.memref_slice %arg4[%add3A_137] : memref<160000xi32, #tpu.memory_space<hbm>> -> memref<8xi32, #tpu.memory_space<hbm>>
      %dma_wait3A_156 = tpu.memref_slice %arg4[%add3A_137] : memref<160000xi32, #tpu.memory_space<hbm>> -> memref<8xi32, #tpu.memory_space<hbm>>
      tpu.wait_dma2 semaphore(%run_scoped3A : memref<!tpu.dma_semaphore, #tpu.memory_space<semaphore_mem>>) src(%dma_wait3A_156 : memref<8xi32, #tpu.memory_space<hbm>>) dst(%arg14 : memref<8xi32, #tpu.memory_space<vmem>>)
      tpu.yield
    }) : () -> ()
    %dma_start3A_138 = arith.constant 0 : i32
    %dma_start3A_139 = arith.constant 0 : i32
    %dma_start3A_140 = tpu.memref_slice %arg2[%dma_start3A_138, %dma_start3A_139] : memref<10000x128xf32, #tpu.memory_space<hbm>> -> memref<10000x128xf32, #tpu.memory_space<hbm>>
    tpu.enqueue_indirect_dma source(%dma_start3A_140 : memref<10000x128xf32, #tpu.memory_space<hbm>>) target(%arg15 : memref<8x128xf32, #tpu.memory_space<vmem>>) offsets(%arg13 : memref<8xi32, #tpu.memory_space<vmem>>) semaphore(%arg33 : memref<!tpu.dma_semaphore, #tpu.memory_space<semaphore_mem>>)
    %dma_wait3A_141 = arith.constant 0 : i32
    %dma_wait3A_142 = arith.constant 0 : i32
    %dma_wait3A_143 = tpu.memref_slice %arg2[%dma_wait3A_141, %dma_wait3A_142] : memref<10000x128xf32, #tpu.memory_space<hbm>> -> memref<10000x128xf32, #tpu.memory_space<hbm>>
    tpu.wait_indirect_dma semaphore(%arg33 : memref<!tpu.dma_semaphore, #tpu.memory_space<semaphore_mem>>) src(%dma_wait3A_143 : memref<10000x128xf32, #tpu.memory_space<hbm>>) dst(%arg15 : memref<8x128xf32, #tpu.memory_space<vmem>>)
    "tpu.region"() ({
      %run_scoped3A = tpu.sem_alloc : memref<!tpu.dma_semaphore, #tpu.memory_space<semaphore_mem>>
      %dma_start3A_153 = arith.constant 0 : i32
      %dma_start3A_154 = arith.constant 0 : i32
      %dma_start3A_155 = tpu.memref_slice %arg19[%dma_start3A_153, %dma_start3A_154] : memref<5000x128xf32, #tpu.memory_space<vmem_shared>> -> memref<5000x128xf32, #tpu.memory_space<vmem_shared>>
      tpu.enqueue_indirect_dma source(%arg15 : memref<8x128xf32, #tpu.memory_space<vmem>>) target(%dma_start3A_155 : memref<5000x128xf32, #tpu.memory_space<vmem_shared>>) offsets(%arg14 : memref<8xi32, #tpu.memory_space<vmem>>) semaphore(%run_scoped3A : memref<!tpu.dma_semaphore, #tpu.memory_space<semaphore_mem>>) {add = true}
      %dma_wait3A_156 = arith.constant 0 : i32
      %dma_wait3A_157 = arith.constant 0 : i32
      %dma_wait3A_158 = tpu.memref_slice %arg19[%dma_wait3A_156, %dma_wait3A_157] : memref<5000x128xf32, #tpu.memory_space<vmem_shared>> -> memref<5000x128xf32, #tpu.memory_space<vmem_shared>>
      tpu.wait_indirect_dma semaphore(%run_scoped3A : memref<!tpu.dma_semaphore, #tpu.memory_space<semaphore_mem>>) src(%arg15 : memref<8x128xf32, #tpu.memory_space<vmem>>) dst(%dma_wait3A_158 : memref<5000x128xf32, #tpu.memory_space<vmem_shared>>)
      tpu.yield
    }) : () -> ()
    "tpu.region"() ({
      %run_scoped3A = tpu.sem_alloc : memref<!tpu.dma_semaphore, #tpu.memory_space<semaphore_mem>>
      %dma_start3A_153 = arith.constant 0 : i32
      %dma_start3A_154 = tpu.memref_slice %arg16[%dma_start3A_153] : memref<128xf32, #tpu.memory_space<vmem>> -> memref<8xf32, #tpu.memory_space<vmem>>
      %dma_start3A_155 = arith.constant 0 : i32
      %dma_start3A_156 = tpu.memref_slice %arg20[%dma_start3A_155] : memref<5120xf32, #tpu.memory_space<vmem_shared>> -> memref<5120xf32, #tpu.memory_space<vmem_shared>>
      tpu.enqueue_indirect_dma source(%dma_start3A_154 : memref<8xf32, #tpu.memory_space<vmem>>) target(%dma_start3A_156 : memref<5120xf32, #tpu.memory_space<vmem_shared>>) offsets(%arg14 : memref<8xi32, #tpu.memory_space<vmem>>) semaphore(%run_scoped3A : memref<!tpu.dma_semaphore, #tpu.memory_space<semaphore_mem>>) {add = true}
      %dma_wait3A_157 = arith.constant 0 : i32
      %dma_wait3A_158 = tpu.memref_slice %arg16[%dma_wait3A_157] : memref<128xf32, #tpu.memory_space<vmem>> -> memref<8xf32, #tpu.memory_space<vmem>>
      %dma_wait3A_159 = arith.constant 0 : i32
      %dma_wait3A_160 = tpu.memref_slice %arg20[%dma_wait3A_159] : memref<5120xf32, #tpu.memory_space<vmem_shared>> -> memref<5120xf32, #tpu.memory_space<vmem_shared>>
      tpu.wait_indirect_dma semaphore(%run_scoped3A : memref<!tpu.dma_semaphore, #tpu.memory_space<semaphore_mem>>) src(%dma_wait3A_158 : memref<8xf32, #tpu.memory_space<vmem>>) dst(%dma_wait3A_160 : memref<5120xf32, #tpu.memory_space<vmem_shared>>)
      tpu.yield
    }) : () -> ()
    %barrier3A_144 = arith.constant 0 : index
    tpu.barrier barrier_id(%barrier3A_144)
    %scan3A_145 = arith.constant 0 : i32
    %scan3A_146 = arith.constant 0 : i32
    %scan3A_147 = arith.constant 8 : i32
    %scan3A_148 = arith.addi %scan3A_146, %scan3A_147 : i32
    %scan3A_149 = arith.constant 1 : i32
    scf.for %scan3A_153 = %scan3A_146 to %scan3A_148 step %scan3A_149  : i32 {
      %mul3A_154 = arith.constant 16 : i32
      %mul3A_155 = arith.muli %scan3A_153, %mul3A_154 : i32
      %add3A_156 = arith.addi %mul3A_155, %arg1 : i32
      %lt3A = arith.constant 125 : i32
      %lt3A_157 = arith.cmpi slt, %add3A_156, %lt3A : i32
      %convert_element_type3A_158 = arith.extui %lt3A_157 : i1 to i32
      %cond3A_159 = arith.constant 0 : i32
      %cond3A_160 = arith.cmpi ne, %convert_element_type3A_158, %cond3A_159 : i32
      scf.if %cond3A_160 {
        %mul3A_161 = arith.constant 40 : i32
        %mul3A_162 = arith.muli %add3A_156, %mul3A_161 : i32
        "tpu.region"() ({
          %run_scoped3A = tpu.sem_alloc : memref<!tpu.dma_semaphore, #tpu.memory_space<semaphore_mem>>
          %dma_start3A_163 = arith.constant 0 : i32
          %dma_start3A_164 = tpu.memref_slice %arg5[%arg0, %mul3A_162, %dma_start3A_163] : memref<2x5000x128xf32, #tpu.memory_space<hbm>> -> memref<1x40x128xf32, #tpu.memory_space<hbm>>
          %dma_start3A_165 = tpu.memref_squeeze %dma_start3A_164 : memref<1x40x128xf32, #tpu.memory_space<hbm>> -> memref<40x128xf32, #tpu.memory_space<hbm>>
          %dma_start3A_166 = arith.constant 0 : i32
          %dma_start3A_167 = tpu.memref_slice %arg19[%mul3A_162, %dma_start3A_166] : memref<5000x128xf32, #tpu.memory_space<vmem_shared>> -> memref<40x128xf32, #tpu.memory_space<vmem_shared>>
          tpu.enqueue_dma source(%dma_start3A_167 : memref<40x128xf32, #tpu.memory_space<vmem_shared>>) target(%dma_start3A_165 : memref<40x128xf32, #tpu.memory_space<hbm>>) target_semaphore(%run_scoped3A : memref<!tpu.dma_semaphore, #tpu.memory_space<semaphore_mem>>)
          %dma_wait3A_168 = arith.constant 0 : i32
          %dma_wait3A_169 = tpu.memref_slice %arg5[%arg0, %mul3A_162, %dma_wait3A_168] : memref<2x5000x128xf32, #tpu.memory_space<hbm>> -> memref<1x40x128xf32, #tpu.memory_space<hbm>>
          %dma_wait3A_170 = tpu.memref_squeeze %dma_wait3A_169 : memref<1x40x128xf32, #tpu.memory_space<hbm>> -> memref<40x128xf32, #tpu.memory_space<hbm>>
          %dma_wait3A_171 = arith.constant 0 : i32
          %dma_wait3A_172 = tpu.memref_slice %arg19[%mul3A_162, %dma_wait3A_171] : memref<5000x128xf32, #tpu.memory_space<vmem_shared>> -> memref<40x128xf32, #tpu.memory_space<vmem_shared>>
          tpu.wait_dma2 semaphore(%run_scoped3A : memref<!tpu.dma_semaphore, #tpu.memory_space<semaphore_mem>>) src(%dma_wait3A_172 : memref<40x128xf32, #tpu.memory_space<vmem_shared>>) dst(%dma_wait3A_170 : memref<40x128xf32, #tpu.memory_space<hbm>>)
          tpu.yield
        }) : () -> ()
      } else {
      }
    }
    %scan3A_150 = arith.constant 8 : i32
    %eq3A = arith.constant 0 : i32
    %eq3A_151 = arith.cmpi eq, %arg1, %eq3A : i32
    %convert_element_type3A = arith.extui %eq3A_151 : i1 to i32
    %cond3A = arith.constant 0 : i32
    %cond3A_152 = arith.cmpi ne, %convert_element_type3A, %cond3A : i32
    scf.if %cond3A_152 {
      %mul3A_153 = arith.constant 5120 : i32
      %mul3A_154 = arith.muli %arg0, %mul3A_153 : i32
      "tpu.region"() ({
        %run_scoped3A = tpu.sem_alloc : memref<!tpu.dma_semaphore, #tpu.memory_space<semaphore_mem>>
        %dma_start3A_155 = tpu.memref_slice %arg6[%mul3A_154] : memref<10240xf32, #tpu.memory_space<hbm>> -> memref<5120xf32, #tpu.memory_space<hbm>>
        tpu.enqueue_dma source(%arg20 : memref<5120xf32, #tpu.memory_space<vmem_shared>>) target(%dma_start3A_155 : memref<5120xf32, #tpu.memory_space<hbm>>) target_semaphore(%run_scoped3A : memref<!tpu.dma_semaphore, #tpu.memory_space<semaphore_mem>>)
        %dma_wait3A_156 = tpu.memref_slice %arg6[%mul3A_154] : memref<10240xf32, #tpu.memory_space<hbm>> -> memref<5120xf32, #tpu.memory_space<hbm>>
        tpu.wait_dma2 semaphore(%run_scoped3A : memref<!tpu.dma_semaphore, #tpu.memory_space<semaphore_mem>>) src(%arg20 : memref<5120xf32, #tpu.memory_space<vmem_shared>>) dst(%dma_wait3A_156 : memref<5120xf32, #tpu.memory_space<hbm>>)
        tpu.yield
      }) : () -> ()
    } else {
    }
    return
  }
}

#map = affine_map<(d0, d1) -> (0, 0)>
#map1 = affine_map<(d0, d1) -> (0)>
#map2 = affine_map<(d0, d1) -> (0, 0, 0)>
module attributes {stable_mosaic.version = 14 : i64} {
  func.func @seg(%arg0: i32, %arg1: i32, %arg2: memref<5000x128xf32, #tpu.memory_space<hbm>>, %arg3: memref<32000xi32, #tpu.memory_space<hbm>>, %arg4: memref<32000xi32, #tpu.memory_space<hbm>>, %arg5: memref<2x1000x128xf32, #tpu.memory_space<hbm>>, %arg6: memref<2048xf32, #tpu.memory_space<hbm>>, %arg7: memref<128x128xf32, #tpu.memory_space<vmem>>, %arg8: memref<128x128xf32, #tpu.memory_space<vmem>>, %arg9: memref<128x128xf32, #tpu.memory_space<vmem>>, %arg10: memref<128x128xf32, #tpu.memory_space<vmem>>, %arg11: memref<128x128xf32, #tpu.memory_space<vmem>>, %arg12: memref<128x128xf32, #tpu.memory_space<vmem>>, %arg13: memref<896xi32, #tpu.memory_space<vmem>>, %arg14: memref<896xi32, #tpu.memory_space<vmem>>, %arg15: memref<104xi32, #tpu.memory_space<vmem>>, %arg16: memref<104xi32, #tpu.memory_space<vmem>>, %arg17: memref<104x128xf32, #tpu.memory_space<vmem>>, %arg18: memref<128xf32, #tpu.memory_space<vmem>>, %arg19: memref<40x128xf32, #tpu.memory_space<vmem>>, %arg20: memref<128xf32, #tpu.memory_space<vmem>>, %arg21: memref<1000x128xf32, #tpu.memory_space<vmem_shared>>, %arg22: memref<1024xf32, #tpu.memory_space<vmem_shared>>, %arg23: memref<!tpu.dma_semaphore, #tpu.memory_space<semaphore_mem>>, %arg24: memref<!tpu.dma_semaphore, #tpu.memory_space<semaphore_mem>>, %arg25: memref<!tpu.dma_semaphore, #tpu.memory_space<semaphore_mem>>, %arg26: memref<!tpu.dma_semaphore, #tpu.memory_space<semaphore_mem>>, %arg27: memref<!tpu.dma_semaphore, #tpu.memory_space<semaphore_mem>>, %arg28: memref<!tpu.dma_semaphore, #tpu.memory_space<semaphore_mem>>, %arg29: memref<!tpu.dma_semaphore, #tpu.memory_space<semaphore_mem>>, %arg30: memref<!tpu.dma_semaphore, #tpu.memory_space<semaphore_mem>>, %arg31: memref<!tpu.dma_semaphore, #tpu.memory_space<semaphore_mem>>, %arg32: memref<!tpu.dma_semaphore, #tpu.memory_space<semaphore_mem>>, %arg33: memref<!tpu.dma_semaphore, #tpu.memory_space<semaphore_mem>>, %arg34: memref<!tpu.dma_semaphore, #tpu.memory_space<semaphore_mem>>, %arg35: memref<!tpu.dma_semaphore, #tpu.memory_space<semaphore_mem>>, %arg36: memref<!tpu.dma_semaphore, #tpu.memory_space<semaphore_mem>>, %arg37: memref<!tpu.dma_semaphore, #tpu.memory_space<semaphore_mem>>, %arg38: memref<!tpu.dma_semaphore, #tpu.memory_space<semaphore_mem>>, %arg39: memref<!tpu.dma_semaphore, #tpu.memory_space<semaphore_mem>>, %arg40: memref<!tpu.dma_semaphore, #tpu.memory_space<semaphore_mem>>, %arg41: memref<!tpu.dma_semaphore, #tpu.memory_space<semaphore_mem>>) attributes {dimension_semantics = [#tpu.dimension_semantics<core_parallel>, #tpu.dimension_semantics<subcore_parallel>], iteration_bounds = array<i64: 2, 16>, scalar_prefetch = 0 : i64, scratch_operands = 35 : i64, tpu.core_type = #tpu.core_type<sc_vector_subcore>, window_params = [{transform_indices = #map}, {transform_indices = #map1}, {transform_indices = #map1}, {transform_indices = #map2}, {transform_indices = #map1}]} {
    %mul3A = arith.constant 16 : i32
    %mul3A_0 = arith.muli %arg0, %mul3A : i32
    %add3A = arith.addi %mul3A_0, %arg1 : i32
    %broadcast_in_dim3A = arith.constant 0.000000e+00 : f32
    %broadcast_in_dim3A_1 = vector.broadcast %broadcast_in_dim3A : f32 to vector<16xf32>
    %broadcast_in_dim3A_2 = arith.constant 1.000000e+00 : f32
    %broadcast_in_dim3A_3 = vector.broadcast %broadcast_in_dim3A_2 : f32 to vector<16xf32>
    %scan3A = arith.constant 0 : i32
    %scan3A_4 = arith.constant 0 : i32
    %scan3A_5 = arith.constant 40 : i32
    %scan3A_6 = arith.addi %scan3A_4, %scan3A_5 : i32
    %scan3A_7 = arith.constant 1 : i32
    scf.for %scan3A_175 = %scan3A_4 to %scan3A_6 step %scan3A_7  : i32 {
      %swap3A_176 = arith.index_cast %scan3A_175 : i32 to index
      %swap3A_177 = arith.constant 0 : index
      %swap3A_178 = tpu.vector_load %arg19[%swap3A_176, %swap3A_177] {strides = array<i32>} : memref<40x128xf32, #tpu.memory_space<vmem>>, vector<1x16xf32>,
      %swap3A_179 = vector.shape_cast %swap3A_178 : vector<1x16xf32> to vector<16xf32>
      %swap3A_180 = vector.shape_cast %broadcast_in_dim3A_1 : vector<16xf32> to vector<1x16xf32>
      tpu.vector_store %arg19[%swap3A_176, %swap3A_177], %swap3A_180 {strides = array<i32>} : memref<40x128xf32, #tpu.memory_space<vmem>>, vector<1x16xf32>,
      %swap3A_181 = arith.index_cast %scan3A_175 : i32 to index
      %swap3A_182 = arith.constant 16 : index
      %swap3A_183 = tpu.vector_load %arg19[%swap3A_181, %swap3A_182] {strides = array<i32>} : memref<40x128xf32, #tpu.memory_space<vmem>>, vector<1x16xf32>,
      %swap3A_184 = vector.shape_cast %swap3A_183 : vector<1x16xf32> to vector<16xf32>
      %swap3A_185 = vector.shape_cast %broadcast_in_dim3A_1 : vector<16xf32> to vector<1x16xf32>
      tpu.vector_store %arg19[%swap3A_181, %swap3A_182], %swap3A_185 {strides = array<i32>} : memref<40x128xf32, #tpu.memory_space<vmem>>, vector<1x16xf32>,
      %swap3A_186 = arith.index_cast %scan3A_175 : i32 to index
      %swap3A_187 = arith.constant 32 : index
      %swap3A_188 = tpu.vector_load %arg19[%swap3A_186, %swap3A_187] {strides = array<i32>} : memref<40x128xf32, #tpu.memory_space<vmem>>, vector<1x16xf32>,
      %swap3A_189 = vector.shape_cast %swap3A_188 : vector<1x16xf32> to vector<16xf32>
      %swap3A_190 = vector.shape_cast %broadcast_in_dim3A_1 : vector<16xf32> to vector<1x16xf32>
      tpu.vector_store %arg19[%swap3A_186, %swap3A_187], %swap3A_190 {strides = array<i32>} : memref<40x128xf32, #tpu.memory_space<vmem>>, vector<1x16xf32>,
      %swap3A_191 = arith.index_cast %scan3A_175 : i32 to index
      %swap3A_192 = arith.constant 48 : index
      %swap3A_193 = tpu.vector_load %arg19[%swap3A_191, %swap3A_192] {strides = array<i32>} : memref<40x128xf32, #tpu.memory_space<vmem>>, vector<1x16xf32>,
      %swap3A_194 = vector.shape_cast %swap3A_193 : vector<1x16xf32> to vector<16xf32>
      %swap3A_195 = vector.shape_cast %broadcast_in_dim3A_1 : vector<16xf32> to vector<1x16xf32>
      tpu.vector_store %arg19[%swap3A_191, %swap3A_192], %swap3A_195 {strides = array<i32>} : memref<40x128xf32, #tpu.memory_space<vmem>>, vector<1x16xf32>,
      %swap3A_196 = arith.index_cast %scan3A_175 : i32 to index
      %swap3A_197 = arith.constant 64 : index
      %swap3A_198 = tpu.vector_load %arg19[%swap3A_196, %swap3A_197] {strides = array<i32>} : memref<40x128xf32, #tpu.memory_space<vmem>>, vector<1x16xf32>,
      %swap3A_199 = vector.shape_cast %swap3A_198 : vector<1x16xf32> to vector<16xf32>
      %swap3A_200 = vector.shape_cast %broadcast_in_dim3A_1 : vector<16xf32> to vector<1x16xf32>
      tpu.vector_store %arg19[%swap3A_196, %swap3A_197], %swap3A_200 {strides = array<i32>} : memref<40x128xf32, #tpu.memory_space<vmem>>, vector<1x16xf32>,
      %swap3A_201 = arith.index_cast %scan3A_175 : i32 to index
      %swap3A_202 = arith.constant 80 : index
      %swap3A_203 = tpu.vector_load %arg19[%swap3A_201, %swap3A_202] {strides = array<i32>} : memref<40x128xf32, #tpu.memory_space<vmem>>, vector<1x16xf32>,
      %swap3A_204 = vector.shape_cast %swap3A_203 : vector<1x16xf32> to vector<16xf32>
      %swap3A_205 = vector.shape_cast %broadcast_in_dim3A_1 : vector<16xf32> to vector<1x16xf32>
      tpu.vector_store %arg19[%swap3A_201, %swap3A_202], %swap3A_205 {strides = array<i32>} : memref<40x128xf32, #tpu.memory_space<vmem>>, vector<1x16xf32>,
      %swap3A_206 = arith.index_cast %scan3A_175 : i32 to index
      %swap3A_207 = arith.constant 96 : index
      %swap3A_208 = tpu.vector_load %arg19[%swap3A_206, %swap3A_207] {strides = array<i32>} : memref<40x128xf32, #tpu.memory_space<vmem>>, vector<1x16xf32>,
      %swap3A_209 = vector.shape_cast %swap3A_208 : vector<1x16xf32> to vector<16xf32>
      %swap3A_210 = vector.shape_cast %broadcast_in_dim3A_1 : vector<16xf32> to vector<1x16xf32>
      tpu.vector_store %arg19[%swap3A_206, %swap3A_207], %swap3A_210 {strides = array<i32>} : memref<40x128xf32, #tpu.memory_space<vmem>>, vector<1x16xf32>,
      %swap3A_211 = arith.index_cast %scan3A_175 : i32 to index
      %swap3A_212 = arith.constant 112 : index
      %swap3A_213 = tpu.vector_load %arg19[%swap3A_211, %swap3A_212] {strides = array<i32>} : memref<40x128xf32, #tpu.memory_space<vmem>>, vector<1x16xf32>,
      %swap3A_214 = vector.shape_cast %swap3A_213 : vector<1x16xf32> to vector<16xf32>
      %swap3A_215 = vector.shape_cast %broadcast_in_dim3A_1 : vector<16xf32> to vector<1x16xf32>
      tpu.vector_store %arg19[%swap3A_211, %swap3A_212], %swap3A_215 {strides = array<i32>} : memref<40x128xf32, #tpu.memory_space<vmem>>, vector<1x16xf32>,
    }
    %scan3A_8 = arith.constant 40 : i32
    %swap3A = arith.constant 0 : index
    %swap3A_9 = tpu.vector_load %arg20[%swap3A] {strides = array<i32>} : memref<128xf32, #tpu.memory_space<vmem>>, vector<16xf32>,
    %swap3A_10 = vector.shape_cast %swap3A_9 : vector<16xf32> to vector<16xf32>
    %swap3A_11 = vector.shape_cast %broadcast_in_dim3A_1 : vector<16xf32> to vector<16xf32>
    tpu.vector_store %arg20[%swap3A], %swap3A_11 {strides = array<i32>} : memref<128xf32, #tpu.memory_space<vmem>>, vector<16xf32>,
    %swap3A_12 = arith.constant 16 : index
    %swap3A_13 = tpu.vector_load %arg20[%swap3A_12] {strides = array<i32>} : memref<128xf32, #tpu.memory_space<vmem>>, vector<16xf32>,
    %swap3A_14 = vector.shape_cast %swap3A_13 : vector<16xf32> to vector<16xf32>
    %swap3A_15 = vector.shape_cast %broadcast_in_dim3A_1 : vector<16xf32> to vector<16xf32>
    tpu.vector_store %arg20[%swap3A_12], %swap3A_15 {strides = array<i32>} : memref<128xf32, #tpu.memory_space<vmem>>, vector<16xf32>,
    %swap3A_16 = arith.constant 32 : index
    %swap3A_17 = tpu.vector_load %arg20[%swap3A_16] {strides = array<i32>} : memref<128xf32, #tpu.memory_space<vmem>>, vector<16xf32>,
    %swap3A_18 = vector.shape_cast %swap3A_17 : vector<16xf32> to vector<16xf32>
    %swap3A_19 = vector.shape_cast %broadcast_in_dim3A_1 : vector<16xf32> to vector<16xf32>
    tpu.vector_store %arg20[%swap3A_16], %swap3A_19 {strides = array<i32>} : memref<128xf32, #tpu.memory_space<vmem>>, vector<16xf32>,
    %swap3A_20 = arith.constant 48 : index
    %swap3A_21 = tpu.vector_load %arg20[%swap3A_20] {strides = array<i32>} : memref<128xf32, #tpu.memory_space<vmem>>, vector<16xf32>,
    %swap3A_22 = vector.shape_cast %swap3A_21 : vector<16xf32> to vector<16xf32>
    %swap3A_23 = vector.shape_cast %broadcast_in_dim3A_1 : vector<16xf32> to vector<16xf32>
    tpu.vector_store %arg20[%swap3A_20], %swap3A_23 {strides = array<i32>} : memref<128xf32, #tpu.memory_space<vmem>>, vector<16xf32>,
    %swap3A_24 = arith.constant 64 : index
    %swap3A_25 = tpu.vector_load %arg20[%swap3A_24] {strides = array<i32>} : memref<128xf32, #tpu.memory_space<vmem>>, vector<16xf32>,
    %swap3A_26 = vector.shape_cast %swap3A_25 : vector<16xf32> to vector<16xf32>
    %swap3A_27 = vector.shape_cast %broadcast_in_dim3A_1 : vector<16xf32> to vector<16xf32>
    tpu.vector_store %arg20[%swap3A_24], %swap3A_27 {strides = array<i32>} : memref<128xf32, #tpu.memory_space<vmem>>, vector<16xf32>,
    %swap3A_28 = arith.constant 80 : index
    %swap3A_29 = tpu.vector_load %arg20[%swap3A_28] {strides = array<i32>} : memref<128xf32, #tpu.memory_space<vmem>>, vector<16xf32>,
    %swap3A_30 = vector.shape_cast %swap3A_29 : vector<16xf32> to vector<16xf32>
    %swap3A_31 = vector.shape_cast %broadcast_in_dim3A_1 : vector<16xf32> to vector<16xf32>
    tpu.vector_store %arg20[%swap3A_28], %swap3A_31 {strides = array<i32>} : memref<128xf32, #tpu.memory_space<vmem>>, vector<16xf32>,
    %swap3A_32 = arith.constant 96 : index
    %swap3A_33 = tpu.vector_load %arg20[%swap3A_32] {strides = array<i32>} : memref<128xf32, #tpu.memory_space<vmem>>, vector<16xf32>,
    %swap3A_34 = vector.shape_cast %swap3A_33 : vector<16xf32> to vector<16xf32>
    %swap3A_35 = vector.shape_cast %broadcast_in_dim3A_1 : vector<16xf32> to vector<16xf32>
    tpu.vector_store %arg20[%swap3A_32], %swap3A_35 {strides = array<i32>} : memref<128xf32, #tpu.memory_space<vmem>>, vector<16xf32>,
    %swap3A_36 = arith.constant 112 : index
    %swap3A_37 = tpu.vector_load %arg20[%swap3A_36] {strides = array<i32>} : memref<128xf32, #tpu.memory_space<vmem>>, vector<16xf32>,
    %swap3A_38 = vector.shape_cast %swap3A_37 : vector<16xf32> to vector<16xf32>
    %swap3A_39 = vector.shape_cast %broadcast_in_dim3A_1 : vector<16xf32> to vector<16xf32>
    tpu.vector_store %arg20[%swap3A_36], %swap3A_39 {strides = array<i32>} : memref<128xf32, #tpu.memory_space<vmem>>, vector<16xf32>,
    %swap3A_40 = arith.constant 0 : index
    %swap3A_41 = tpu.vector_load %arg18[%swap3A_40] {strides = array<i32>} : memref<128xf32, #tpu.memory_space<vmem>>, vector<16xf32>,
    %swap3A_42 = vector.shape_cast %swap3A_41 : vector<16xf32> to vector<16xf32>
    %swap3A_43 = vector.shape_cast %broadcast_in_dim3A_3 : vector<16xf32> to vector<16xf32>
    tpu.vector_store %arg18[%swap3A_40], %swap3A_43 {strides = array<i32>} : memref<128xf32, #tpu.memory_space<vmem>>, vector<16xf32>,
    %swap3A_44 = arith.constant 16 : index
    %swap3A_45 = tpu.vector_load %arg18[%swap3A_44] {strides = array<i32>} : memref<128xf32, #tpu.memory_space<vmem>>, vector<16xf32>,
    %swap3A_46 = vector.shape_cast %swap3A_45 : vector<16xf32> to vector<16xf32>
    %swap3A_47 = vector.shape_cast %broadcast_in_dim3A_3 : vector<16xf32> to vector<16xf32>
    tpu.vector_store %arg18[%swap3A_44], %swap3A_47 {strides = array<i32>} : memref<128xf32, #tpu.memory_space<vmem>>, vector<16xf32>,
    %swap3A_48 = arith.constant 32 : index
    %swap3A_49 = tpu.vector_load %arg18[%swap3A_48] {strides = array<i32>} : memref<128xf32, #tpu.memory_space<vmem>>, vector<16xf32>,
    %swap3A_50 = vector.shape_cast %swap3A_49 : vector<16xf32> to vector<16xf32>
    %swap3A_51 = vector.shape_cast %broadcast_in_dim3A_3 : vector<16xf32> to vector<16xf32>
    tpu.vector_store %arg18[%swap3A_48], %swap3A_51 {strides = array<i32>} : memref<128xf32, #tpu.memory_space<vmem>>, vector<16xf32>,
    %swap3A_52 = arith.constant 48 : index
    %swap3A_53 = tpu.vector_load %arg18[%swap3A_52] {strides = array<i32>} : memref<128xf32, #tpu.memory_space<vmem>>, vector<16xf32>,
    %swap3A_54 = vector.shape_cast %swap3A_53 : vector<16xf32> to vector<16xf32>
    %swap3A_55 = vector.shape_cast %broadcast_in_dim3A_3 : vector<16xf32> to vector<16xf32>
    tpu.vector_store %arg18[%swap3A_52], %swap3A_55 {strides = array<i32>} : memref<128xf32, #tpu.memory_space<vmem>>, vector<16xf32>,
    %swap3A_56 = arith.constant 64 : index
    %swap3A_57 = tpu.vector_load %arg18[%swap3A_56] {strides = array<i32>} : memref<128xf32, #tpu.memory_space<vmem>>, vector<16xf32>,
    %swap3A_58 = vector.shape_cast %swap3A_57 : vector<16xf32> to vector<16xf32>
    %swap3A_59 = vector.shape_cast %broadcast_in_dim3A_3 : vector<16xf32> to vector<16xf32>
    tpu.vector_store %arg18[%swap3A_56], %swap3A_59 {strides = array<i32>} : memref<128xf32, #tpu.memory_space<vmem>>, vector<16xf32>,
    %swap3A_60 = arith.constant 80 : index
    %swap3A_61 = tpu.vector_load %arg18[%swap3A_60] {strides = array<i32>} : memref<128xf32, #tpu.memory_space<vmem>>, vector<16xf32>,
    %swap3A_62 = vector.shape_cast %swap3A_61 : vector<16xf32> to vector<16xf32>
    %swap3A_63 = vector.shape_cast %broadcast_in_dim3A_3 : vector<16xf32> to vector<16xf32>
    tpu.vector_store %arg18[%swap3A_60], %swap3A_63 {strides = array<i32>} : memref<128xf32, #tpu.memory_space<vmem>>, vector<16xf32>,
    %swap3A_64 = arith.constant 96 : index
    %swap3A_65 = tpu.vector_load %arg18[%swap3A_64] {strides = array<i32>} : memref<128xf32, #tpu.memory_space<vmem>>, vector<16xf32>,
    %swap3A_66 = vector.shape_cast %swap3A_65 : vector<16xf32> to vector<16xf32>
    %swap3A_67 = vector.shape_cast %broadcast_in_dim3A_3 : vector<16xf32> to vector<16xf32>
    tpu.vector_store %arg18[%swap3A_64], %swap3A_67 {strides = array<i32>} : memref<128xf32, #tpu.memory_space<vmem>>, vector<16xf32>,
    %swap3A_68 = arith.constant 112 : index
    %swap3A_69 = tpu.vector_load %arg18[%swap3A_68] {strides = array<i32>} : memref<128xf32, #tpu.memory_space<vmem>>, vector<16xf32>,
    %swap3A_70 = vector.shape_cast %swap3A_69 : vector<16xf32> to vector<16xf32>
    %swap3A_71 = vector.shape_cast %broadcast_in_dim3A_3 : vector<16xf32> to vector<16xf32>
    tpu.vector_store %arg18[%swap3A_68], %swap3A_71 {strides = array<i32>} : memref<128xf32, #tpu.memory_space<vmem>>, vector<16xf32>,
    %mul3A_72 = arith.constant 1000 : i32
    %mul3A_73 = arith.muli %add3A, %mul3A_72 : i32
    "tpu.region"() ({
      %run_scoped3A = tpu.sem_alloc : memref<!tpu.dma_semaphore, #tpu.memory_space<semaphore_mem>>
      %dma_start3A_175 = tpu.memref_slice %arg3[%mul3A_73] : memref<32000xi32, #tpu.memory_space<hbm>> -> memref<896xi32, #tpu.memory_space<hbm>>
      %dma_start3A_176 = tpu.memref_slice %arg3[%mul3A_73] : memref<32000xi32, #tpu.memory_space<hbm>> -> memref<896xi32, #tpu.memory_space<hbm>>
      tpu.enqueue_dma source(%dma_start3A_176 : memref<896xi32, #tpu.memory_space<hbm>>) target(%arg13 : memref<896xi32, #tpu.memory_space<vmem>>) target_semaphore(%run_scoped3A : memref<!tpu.dma_semaphore, #tpu.memory_space<semaphore_mem>>)
      %dma_wait3A_177 = tpu.memref_slice %arg3[%mul3A_73] : memref<32000xi32, #tpu.memory_space<hbm>> -> memref<896xi32, #tpu.memory_space<hbm>>
      %dma_wait3A_178 = tpu.memref_slice %arg3[%mul3A_73] : memref<32000xi32, #tpu.memory_space<hbm>> -> memref<896xi32, #tpu.memory_space<hbm>>
      tpu.wait_dma2 semaphore(%run_scoped3A : memref<!tpu.dma_semaphore, #tpu.memory_space<semaphore_mem>>) src(%dma_wait3A_178 : memref<896xi32, #tpu.memory_space<hbm>>) dst(%arg13 : memref<896xi32, #tpu.memory_space<vmem>>)
      tpu.yield
    }) : () -> ()
    "tpu.region"() ({
      %run_scoped3A = tpu.sem_alloc : memref<!tpu.dma_semaphore, #tpu.memory_space<semaphore_mem>>
      %dma_start3A_175 = tpu.memref_slice %arg4[%mul3A_73] : memref<32000xi32, #tpu.memory_space<hbm>> -> memref<896xi32, #tpu.memory_space<hbm>>
      %dma_start3A_176 = tpu.memref_slice %arg4[%mul3A_73] : memref<32000xi32, #tpu.memory_space<hbm>> -> memref<896xi32, #tpu.memory_space<hbm>>
      tpu.enqueue_dma source(%dma_start3A_176 : memref<896xi32, #tpu.memory_space<hbm>>) target(%arg14 : memref<896xi32, #tpu.memory_space<vmem>>) target_semaphore(%run_scoped3A : memref<!tpu.dma_semaphore, #tpu.memory_space<semaphore_mem>>)
      %dma_wait3A_177 = tpu.memref_slice %arg4[%mul3A_73] : memref<32000xi32, #tpu.memory_space<hbm>> -> memref<896xi32, #tpu.memory_space<hbm>>
      %dma_wait3A_178 = tpu.memref_slice %arg4[%mul3A_73] : memref<32000xi32, #tpu.memory_space<hbm>> -> memref<896xi32, #tpu.memory_space<hbm>>
      tpu.wait_dma2 semaphore(%run_scoped3A : memref<!tpu.dma_semaphore, #tpu.memory_space<semaphore_mem>>) src(%dma_wait3A_178 : memref<896xi32, #tpu.memory_space<hbm>>) dst(%arg14 : memref<896xi32, #tpu.memory_space<vmem>>)
      tpu.yield
    }) : () -> ()
    %dma_start3A = arith.constant 0 : i32
    %dma_start3A_74 = tpu.memref_slice %arg13[%dma_start3A] : memref<896xi32, #tpu.memory_space<vmem>> -> memref<128xi32, #tpu.memory_space<vmem>>
    %dma_start3A_75 = arith.constant 0 : i32
    %dma_start3A_76 = arith.constant 0 : i32
    %dma_start3A_77 = tpu.memref_slice %arg2[%dma_start3A_75, %dma_start3A_76] : memref<5000x128xf32, #tpu.memory_space<hbm>> -> memref<5000x128xf32, #tpu.memory_space<hbm>>
    tpu.enqueue_indirect_dma source(%dma_start3A_77 : memref<5000x128xf32, #tpu.memory_space<hbm>>) target(%arg7 : memref<128x128xf32, #tpu.memory_space<vmem>>) offsets(%dma_start3A_74 : memref<128xi32, #tpu.memory_space<vmem>>) semaphore(%arg23 : memref<!tpu.dma_semaphore, #tpu.memory_space<semaphore_mem>>)
    %dma_start3A_78 = arith.constant 128 : i32
    %dma_start3A_79 = tpu.memref_slice %arg13[%dma_start3A_78] : memref<896xi32, #tpu.memory_space<vmem>> -> memref<128xi32, #tpu.memory_space<vmem>>
    %dma_start3A_80 = arith.constant 0 : i32
    %dma_start3A_81 = arith.constant 0 : i32
    %dma_start3A_82 = tpu.memref_slice %arg2[%dma_start3A_80, %dma_start3A_81] : memref<5000x128xf32, #tpu.memory_space<hbm>> -> memref<5000x128xf32, #tpu.memory_space<hbm>>
    tpu.enqueue_indirect_dma source(%dma_start3A_82 : memref<5000x128xf32, #tpu.memory_space<hbm>>) target(%arg8 : memref<128x128xf32, #tpu.memory_space<vmem>>) offsets(%dma_start3A_79 : memref<128xi32, #tpu.memory_space<vmem>>) semaphore(%arg24 : memref<!tpu.dma_semaphore, #tpu.memory_space<semaphore_mem>>)
    %scan3A_83 = arith.constant 0 : i32
    %scan3A_84 = arith.constant 0 : i32
    %scan3A_85 = arith.constant 2 : i32
    %scan3A_86 = arith.addi %scan3A_84, %scan3A_85 : i32
    %scan3A_87 = arith.constant 1 : i32
    scf.for %scan3A_175 = %scan3A_84 to %scan3A_86 step %scan3A_87  : i32 {
      %mul3A_176 = arith.constant 16 : i32
      %mul3A_177 = arith.muli %scan3A_175, %mul3A_176 : i32
      %add3A_178 = arith.addi %mul3A_177, %arg1 : i32
      %lt3A_179 = arith.constant 25 : i32
      %lt3A_180 = arith.cmpi slt, %add3A_178, %lt3A_179 : i32
      %convert_element_type3A_181 = arith.extui %lt3A_180 : i1 to i32
      %cond3A_182 = arith.constant 0 : i32
      %cond3A_183 = arith.cmpi ne, %convert_element_type3A_181, %cond3A_182 : i32
      scf.if %cond3A_183 {
        %mul3A_184 = arith.constant 40 : i32
        %mul3A_185 = arith.muli %add3A_178, %mul3A_184 : i32
        "tpu.region"() ({
          %run_scoped3A = tpu.sem_alloc : memref<!tpu.dma_semaphore, #tpu.memory_space<semaphore_mem>>
          %dma_start3A_186 = arith.constant 0 : i32
          %dma_start3A_187 = tpu.memref_slice %arg21[%mul3A_185, %dma_start3A_186] : memref<1000x128xf32, #tpu.memory_space<vmem_shared>> -> memref<40x128xf32, #tpu.memory_space<vmem_shared>>
          %dma_start3A_188 = arith.constant 0 : i32
          %dma_start3A_189 = tpu.memref_slice %arg21[%mul3A_185, %dma_start3A_188] : memref<1000x128xf32, #tpu.memory_space<vmem_shared>> -> memref<40x128xf32, #tpu.memory_space<vmem_shared>>
          tpu.enqueue_dma source(%arg19 : memref<40x128xf32, #tpu.memory_space<vmem>>) target(%dma_start3A_189 : memref<40x128xf32, #tpu.memory_space<vmem_shared>>) target_semaphore(%run_scoped3A : memref<!tpu.dma_semaphore, #tpu.memory_space<semaphore_mem>>)
          %dma_wait3A_190 = arith.constant 0 : i32
          %dma_wait3A_191 = tpu.memref_slice %arg21[%mul3A_185, %dma_wait3A_190] : memref<1000x128xf32, #tpu.memory_space<vmem_shared>> -> memref<40x128xf32, #tpu.memory_space<vmem_shared>>
          %dma_wait3A_192 = arith.constant 0 : i32
          %dma_wait3A_193 = tpu.memref_slice %arg21[%mul3A_185, %dma_wait3A_192] : memref<1000x128xf32, #tpu.memory_space<vmem_shared>> -> memref<40x128xf32, #tpu.memory_space<vmem_shared>>
          tpu.wait_dma2 semaphore(%run_scoped3A : memref<!tpu.dma_semaphore, #tpu.memory_space<semaphore_mem>>) src(%arg19 : memref<40x128xf32, #tpu.memory_space<vmem>>) dst(%dma_wait3A_193 : memref<40x128xf32, #tpu.memory_space<vmem_shared>>)
          tpu.yield
        }) : () -> ()
      } else {
      }
    }
    %scan3A_88 = arith.constant 2 : i32
    %scan3A_89 = arith.constant 0 : i32
    %scan3A_90 = arith.constant 0 : i32
    %mul3A_91 = arith.constant 16 : i32
    %mul3A_92 = arith.muli %scan3A_90, %mul3A_91 : i32
    %add3A_93 = arith.addi %mul3A_92, %arg1 : i32
    %lt3A = arith.constant 8 : i32
    %lt3A_94 = arith.cmpi slt, %add3A_93, %lt3A : i32
    %convert_element_type3A = arith.extui %lt3A_94 : i1 to i32
    %cond3A = arith.constant 0 : i32
    %cond3A_95 = arith.cmpi ne, %convert_element_type3A, %cond3A : i32
    scf.if %cond3A_95 {
      %mul3A_175 = arith.constant 128 : i32
      %mul3A_176 = arith.muli %add3A_93, %mul3A_175 : i32
      "tpu.region"() ({
        %run_scoped3A = tpu.sem_alloc : memref<!tpu.dma_semaphore, #tpu.memory_space<semaphore_mem>>
        %dma_start3A_177 = tpu.memref_slice %arg22[%mul3A_176] : memref<1024xf32, #tpu.memory_space<vmem_shared>> -> memref<128xf32, #tpu.memory_space<vmem_shared>>
        %dma_start3A_178 = tpu.memref_slice %arg22[%mul3A_176] : memref<1024xf32, #tpu.memory_space<vmem_shared>> -> memref<128xf32, #tpu.memory_space<vmem_shared>>
        tpu.enqueue_dma source(%arg20 : memref<128xf32, #tpu.memory_space<vmem>>) target(%dma_start3A_178 : memref<128xf32, #tpu.memory_space<vmem_shared>>) target_semaphore(%run_scoped3A : memref<!tpu.dma_semaphore, #tpu.memory_space<semaphore_mem>>)
        %dma_wait3A_179 = tpu.memref_slice %arg22[%mul3A_176] : memref<1024xf32, #tpu.memory_space<vmem_shared>> -> memref<128xf32, #tpu.memory_space<vmem_shared>>
        %dma_wait3A_180 = tpu.memref_slice %arg22[%mul3A_176] : memref<1024xf32, #tpu.memory_space<vmem_shared>> -> memref<128xf32, #tpu.memory_space<vmem_shared>>
        tpu.wait_dma2 semaphore(%run_scoped3A : memref<!tpu.dma_semaphore, #tpu.memory_space<semaphore_mem>>) src(%arg20 : memref<128xf32, #tpu.memory_space<vmem>>) dst(%dma_wait3A_180 : memref<128xf32, #tpu.memory_space<vmem_shared>>)
        tpu.yield
      }) : () -> ()
    } else {
    }
    %scan3A_96 = arith.constant 1 : i32
    %barrier3A = arith.constant 0 : index
    tpu.barrier barrier_id(%barrier3A)
    %scan3A_97 = arith.constant 0 : i32
    %scan3A_98 = arith.constant 0 : i32
    %scan3A_99 = arith.constant 2 : i32
    %scan3A_100 = arith.addi %scan3A_98, %scan3A_99 : i32
    %scan3A_101 = arith.constant 1 : i32
    scf.for %scan3A_175 = %scan3A_98 to %scan3A_100 step %scan3A_101  : i32 {
      %mul3A_176 = arith.constant 6 : i32
      %mul3A_177 = arith.muli %mul3A_176, %scan3A_175 : i32
      %add3A_178 = arith.constant 0 : i32
      %add3A_179 = arith.addi %mul3A_177, %add3A_178 : i32
      %lt3A_180 = arith.constant 7 : i32
      %lt3A_181 = arith.cmpi slt, %add3A_179, %lt3A_180 : i32
      %convert_element_type3A_182 = arith.extui %lt3A_181 : i1 to i32
      %cond3A_183 = arith.constant 0 : i32
      %cond3A_184 = arith.cmpi ne, %convert_element_type3A_182, %cond3A_183 : i32
      scf.if %cond3A_184 {
        %dma_wait3A_272 = arith.constant 0 : i32
        %dma_wait3A_273 = tpu.memref_slice %arg13[%dma_wait3A_272] : memref<896xi32, #tpu.memory_space<vmem>> -> memref<128xi32, #tpu.memory_space<vmem>>
        %dma_wait3A_274 = arith.constant 0 : i32
        %dma_wait3A_275 = arith.constant 0 : i32
        %dma_wait3A_276 = tpu.memref_slice %arg2[%dma_wait3A_274, %dma_wait3A_275] : memref<5000x128xf32, #tpu.memory_space<hbm>> -> memref<5000x128xf32, #tpu.memory_space<hbm>>
        tpu.wait_indirect_dma semaphore(%arg23 : memref<!tpu.dma_semaphore, #tpu.memory_space<semaphore_mem>>) src(%dma_wait3A_276 : memref<5000x128xf32, #tpu.memory_space<hbm>>) dst(%arg7 : memref<128x128xf32, #tpu.memory_space<vmem>>)
        %mul3A_277 = arith.constant 128 : i32
        %mul3A_278 = arith.muli %add3A_179, %mul3A_277 : i32
        %dma_start3A_279 = tpu.memref_slice %arg14[%mul3A_278] : memref<896xi32, #tpu.memory_space<vmem>> -> memref<128xi32, #tpu.memory_space<vmem>>
        %dma_start3A_280 = arith.constant 0 : i32
        %dma_start3A_281 = arith.constant 0 : i32
        %dma_start3A_282 = tpu.memref_slice %arg21[%dma_start3A_280, %dma_start3A_281] : memref<1000x128xf32, #tpu.memory_space<vmem_shared>> -> memref<1000x128xf32, #tpu.memory_space<vmem_shared>>
        tpu.enqueue_indirect_dma source(%arg7 : memref<128x128xf32, #tpu.memory_space<vmem>>) target(%dma_start3A_282 : memref<1000x128xf32, #tpu.memory_space<vmem_shared>>) offsets(%dma_start3A_279 : memref<128xi32, #tpu.memory_space<vmem>>) semaphore(%arg29 : memref<!tpu.dma_semaphore, #tpu.memory_space<semaphore_mem>>) {add = true}
        %dma_start3A_283 = tpu.memref_slice %arg14[%mul3A_278] : memref<896xi32, #tpu.memory_space<vmem>> -> memref<128xi32, #tpu.memory_space<vmem>>
        %dma_start3A_284 = arith.constant 0 : i32
        %dma_start3A_285 = tpu.memref_slice %arg22[%dma_start3A_284] : memref<1024xf32, #tpu.memory_space<vmem_shared>> -> memref<1024xf32, #tpu.memory_space<vmem_shared>>
        tpu.enqueue_indirect_dma source(%arg18 : memref<128xf32, #tpu.memory_space<vmem>>) target(%dma_start3A_285 : memref<1024xf32, #tpu.memory_space<vmem_shared>>) offsets(%dma_start3A_283 : memref<128xi32, #tpu.memory_space<vmem>>) semaphore(%arg35 : memref<!tpu.dma_semaphore, #tpu.memory_space<semaphore_mem>>) {add = true}
      } else {
      }
      %add3A_185 = arith.constant 2 : i32
      %add3A_186 = arith.addi %add3A_179, %add3A_185 : i32
      %lt3A_187 = arith.constant 7 : i32
      %lt3A_188 = arith.cmpi slt, %add3A_186, %lt3A_187 : i32
      %convert_element_type3A_189 = arith.extui %lt3A_188 : i1 to i32
      %cond3A_190 = arith.constant 0 : i32
      %cond3A_191 = arith.cmpi ne, %convert_element_type3A_189, %cond3A_190 : i32
      scf.if %cond3A_191 {
        %ge3A = arith.constant 6 : i32
        %ge3A_272 = arith.cmpi sge, %add3A_186, %ge3A : i32
        %convert_element_type3A_273 = arith.extui %ge3A_272 : i1 to i32
        %cond3A_274 = arith.constant 0 : i32
        %cond3A_275 = arith.cmpi ne, %convert_element_type3A_273, %cond3A_274 : i32
        scf.if %cond3A_275 {
          %dma_wait3A_282 = arith.constant 0 : i32
          %dma_wait3A_283 = tpu.memref_slice %arg14[%dma_wait3A_282] : memref<896xi32, #tpu.memory_space<vmem>> -> memref<128xi32, #tpu.memory_space<vmem>>
          %dma_wait3A_284 = arith.constant 0 : i32
          %dma_wait3A_285 = arith.constant 0 : i32
          %dma_wait3A_286 = tpu.memref_slice %arg21[%dma_wait3A_284, %dma_wait3A_285] : memref<1000x128xf32, #tpu.memory_space<vmem_shared>> -> memref<1000x128xf32, #tpu.memory_space<vmem_shared>>
          tpu.wait_indirect_dma semaphore(%arg31 : memref<!tpu.dma_semaphore, #tpu.memory_space<semaphore_mem>>) src(%arg9 : memref<128x128xf32, #tpu.memory_space<vmem>>) dst(%dma_wait3A_286 : memref<1000x128xf32, #tpu.memory_space<vmem_shared>>)
          %dma_wait3A_287 = arith.constant 0 : i32
          %dma_wait3A_288 = tpu.memref_slice %arg14[%dma_wait3A_287] : memref<896xi32, #tpu.memory_space<vmem>> -> memref<128xi32, #tpu.memory_space<vmem>>
          %dma_wait3A_289 = arith.constant 0 : i32
          %dma_wait3A_290 = tpu.memref_slice %arg22[%dma_wait3A_289] : memref<1024xf32, #tpu.memory_space<vmem_shared>> -> memref<1024xf32, #tpu.memory_space<vmem_shared>>
          tpu.wait_indirect_dma semaphore(%arg37 : memref<!tpu.dma_semaphore, #tpu.memory_space<semaphore_mem>>) src(%arg18 : memref<128xf32, #tpu.memory_space<vmem>>) dst(%dma_wait3A_290 : memref<1024xf32, #tpu.memory_space<vmem_shared>>)
        } else {
        }
        %mul3A_276 = arith.constant 128 : i32
        %mul3A_277 = arith.muli %add3A_186, %mul3A_276 : i32
        %dma_start3A_278 = tpu.memref_slice %arg13[%mul3A_277] : memref<896xi32, #tpu.memory_space<vmem>> -> memref<128xi32, #tpu.memory_space<vmem>>
        %dma_start3A_279 = arith.constant 0 : i32
        %dma_start3A_280 = arith.constant 0 : i32
        %dma_start3A_281 = tpu.memref_slice %arg2[%dma_start3A_279, %dma_start3A_280] : memref<5000x128xf32, #tpu.memory_space<hbm>> -> memref<5000x128xf32, #tpu.memory_space<hbm>>
        tpu.enqueue_indirect_dma source(%dma_start3A_281 : memref<5000x128xf32, #tpu.memory_space<hbm>>) target(%arg9 : memref<128x128xf32, #tpu.memory_space<vmem>>) offsets(%dma_start3A_278 : memref<128xi32, #tpu.memory_space<vmem>>) semaphore(%arg25 : memref<!tpu.dma_semaphore, #tpu.memory_space<semaphore_mem>>)
      } else {
      }
      %mul3A_192 = arith.constant 6 : i32
      %mul3A_193 = arith.muli %mul3A_192, %scan3A_175 : i32
      %add3A_194 = arith.constant 1 : i32
      %add3A_195 = arith.addi %mul3A_193, %add3A_194 : i32
      %lt3A_196 = arith.constant 7 : i32
      %lt3A_197 = arith.cmpi slt, %add3A_195, %lt3A_196 : i32
      %convert_element_type3A_198 = arith.extui %lt3A_197 : i1 to i32
      %cond3A_199 = arith.constant 0 : i32
      %cond3A_200 = arith.cmpi ne, %convert_element_type3A_198, %cond3A_199 : i32
      scf.if %cond3A_200 {
        %dma_wait3A_272 = arith.constant 0 : i32
        %dma_wait3A_273 = tpu.memref_slice %arg13[%dma_wait3A_272] : memref<896xi32, #tpu.memory_space<vmem>> -> memref<128xi32, #tpu.memory_space<vmem>>
        %dma_wait3A_274 = arith.constant 0 : i32
        %dma_wait3A_275 = arith.constant 0 : i32
        %dma_wait3A_276 = tpu.memref_slice %arg2[%dma_wait3A_274, %dma_wait3A_275] : memref<5000x128xf32, #tpu.memory_space<hbm>> -> memref<5000x128xf32, #tpu.memory_space<hbm>>
        tpu.wait_indirect_dma semaphore(%arg24 : memref<!tpu.dma_semaphore, #tpu.memory_space<semaphore_mem>>) src(%dma_wait3A_276 : memref<5000x128xf32, #tpu.memory_space<hbm>>) dst(%arg8 : memref<128x128xf32, #tpu.memory_space<vmem>>)
        %mul3A_277 = arith.constant 128 : i32
        %mul3A_278 = arith.muli %add3A_195, %mul3A_277 : i32
        %dma_start3A_279 = tpu.memref_slice %arg14[%mul3A_278] : memref<896xi32, #tpu.memory_space<vmem>> -> memref<128xi32, #tpu.memory_space<vmem>>
        %dma_start3A_280 = arith.constant 0 : i32
        %dma_start3A_281 = arith.constant 0 : i32
        %dma_start3A_282 = tpu.memref_slice %arg21[%dma_start3A_280, %dma_start3A_281] : memref<1000x128xf32, #tpu.memory_space<vmem_shared>> -> memref<1000x128xf32, #tpu.memory_space<vmem_shared>>
        tpu.enqueue_indirect_dma source(%arg8 : memref<128x128xf32, #tpu.memory_space<vmem>>) target(%dma_start3A_282 : memref<1000x128xf32, #tpu.memory_space<vmem_shared>>) offsets(%dma_start3A_279 : memref<128xi32, #tpu.memory_space<vmem>>) semaphore(%arg30 : memref<!tpu.dma_semaphore, #tpu.memory_space<semaphore_mem>>) {add = true}
        %dma_start3A_283 = tpu.memref_slice %arg14[%mul3A_278] : memref<896xi32, #tpu.memory_space<vmem>> -> memref<128xi32, #tpu.memory_space<vmem>>
        %dma_start3A_284 = arith.constant 0 : i32
        %dma_start3A_285 = tpu.memref_slice %arg22[%dma_start3A_284] : memref<1024xf32, #tpu.memory_space<vmem_shared>> -> memref<1024xf32, #tpu.memory_space<vmem_shared>>
        tpu.enqueue_indirect_dma source(%arg18 : memref<128xf32, #tpu.memory_space<vmem>>) target(%dma_start3A_285 : memref<1024xf32, #tpu.memory_space<vmem_shared>>) offsets(%dma_start3A_283 : memref<128xi32, #tpu.memory_space<vmem>>) semaphore(%arg36 : memref<!tpu.dma_semaphore, #tpu.memory_space<semaphore_mem>>) {add = true}
      } else {
      }
      %add3A_201 = arith.constant 2 : i32
      %add3A_202 = arith.addi %add3A_195, %add3A_201 : i32
      %lt3A_203 = arith.constant 7 : i32
      %lt3A_204 = arith.cmpi slt, %add3A_202, %lt3A_203 : i32
      %convert_element_type3A_205 = arith.extui %lt3A_204 : i1 to i32
      %cond3A_206 = arith.constant 0 : i32
      %cond3A_207 = arith.cmpi ne, %convert_element_type3A_205, %cond3A_206 : i32
      scf.if %cond3A_207 {
        %ge3A = arith.constant 6 : i32
        %ge3A_272 = arith.cmpi sge, %add3A_202, %ge3A : i32
        %convert_element_type3A_273 = arith.extui %ge3A_272 : i1 to i32
        %cond3A_274 = arith.constant 0 : i32
        %cond3A_275 = arith.cmpi ne, %convert_element_type3A_273, %cond3A_274 : i32
        scf.if %cond3A_275 {
          %dma_wait3A_282 = arith.constant 0 : i32
          %dma_wait3A_283 = tpu.memref_slice %arg14[%dma_wait3A_282] : memref<896xi32, #tpu.memory_space<vmem>> -> memref<128xi32, #tpu.memory_space<vmem>>
          %dma_wait3A_284 = arith.constant 0 : i32
          %dma_wait3A_285 = arith.constant 0 : i32
          %dma_wait3A_286 = tpu.memref_slice %arg21[%dma_wait3A_284, %dma_wait3A_285] : memref<1000x128xf32, #tpu.memory_space<vmem_shared>> -> memref<1000x128xf32, #tpu.memory_space<vmem_shared>>
          tpu.wait_indirect_dma semaphore(%arg32 : memref<!tpu.dma_semaphore, #tpu.memory_space<semaphore_mem>>) src(%arg10 : memref<128x128xf32, #tpu.memory_space<vmem>>) dst(%dma_wait3A_286 : memref<1000x128xf32, #tpu.memory_space<vmem_shared>>)
          %dma_wait3A_287 = arith.constant 0 : i32
          %dma_wait3A_288 = tpu.memref_slice %arg14[%dma_wait3A_287] : memref<896xi32, #tpu.memory_space<vmem>> -> memref<128xi32, #tpu.memory_space<vmem>>
          %dma_wait3A_289 = arith.constant 0 : i32
          %dma_wait3A_290 = tpu.memref_slice %arg22[%dma_wait3A_289] : memref<1024xf32, #tpu.memory_space<vmem_shared>> -> memref<1024xf32, #tpu.memory_space<vmem_shared>>
          tpu.wait_indirect_dma semaphore(%arg38 : memref<!tpu.dma_semaphore, #tpu.memory_space<semaphore_mem>>) src(%arg18 : memref<128xf32, #tpu.memory_space<vmem>>) dst(%dma_wait3A_290 : memref<1024xf32, #tpu.memory_space<vmem_shared>>)
        } else {
        }
        %mul3A_276 = arith.constant 128 : i32
        %mul3A_277 = arith.muli %add3A_202, %mul3A_276 : i32
        %dma_start3A_278 = tpu.memref_slice %arg13[%mul3A_277] : memref<896xi32, #tpu.memory_space<vmem>> -> memref<128xi32, #tpu.memory_space<vmem>>
        %dma_start3A_279 = arith.constant 0 : i32
        %dma_start3A_280 = arith.constant 0 : i32
        %dma_start3A_281 = tpu.memref_slice %arg2[%dma_start3A_279, %dma_start3A_280] : memref<5000x128xf32, #tpu.memory_space<hbm>> -> memref<5000x128xf32, #tpu.memory_space<hbm>>
        tpu.enqueue_indirect_dma source(%dma_start3A_281 : memref<5000x128xf32, #tpu.memory_space<hbm>>) target(%arg10 : memref<128x128xf32, #tpu.memory_space<vmem>>) offsets(%dma_start3A_278 : memref<128xi32, #tpu.memory_space<vmem>>) semaphore(%arg26 : memref<!tpu.dma_semaphore, #tpu.memory_space<semaphore_mem>>)
      } else {
      }
      %mul3A_208 = arith.constant 6 : i32
      %mul3A_209 = arith.muli %mul3A_208, %scan3A_175 : i32
      %add3A_210 = arith.constant 2 : i32
      %add3A_211 = arith.addi %mul3A_209, %add3A_210 : i32
      %lt3A_212 = arith.constant 7 : i32
      %lt3A_213 = arith.cmpi slt, %add3A_211, %lt3A_212 : i32
      %convert_element_type3A_214 = arith.extui %lt3A_213 : i1 to i32
      %cond3A_215 = arith.constant 0 : i32
      %cond3A_216 = arith.cmpi ne, %convert_element_type3A_214, %cond3A_215 : i32
      scf.if %cond3A_216 {
        %dma_wait3A_272 = arith.constant 0 : i32
        %dma_wait3A_273 = tpu.memref_slice %arg13[%dma_wait3A_272] : memref<896xi32, #tpu.memory_space<vmem>> -> memref<128xi32, #tpu.memory_space<vmem>>
        %dma_wait3A_274 = arith.constant 0 : i32
        %dma_wait3A_275 = arith.constant 0 : i32
        %dma_wait3A_276 = tpu.memref_slice %arg2[%dma_wait3A_274, %dma_wait3A_275] : memref<5000x128xf32, #tpu.memory_space<hbm>> -> memref<5000x128xf32, #tpu.memory_space<hbm>>
        tpu.wait_indirect_dma semaphore(%arg25 : memref<!tpu.dma_semaphore, #tpu.memory_space<semaphore_mem>>) src(%dma_wait3A_276 : memref<5000x128xf32, #tpu.memory_space<hbm>>) dst(%arg9 : memref<128x128xf32, #tpu.memory_space<vmem>>)
        %mul3A_277 = arith.constant 128 : i32
        %mul3A_278 = arith.muli %add3A_211, %mul3A_277 : i32
        %dma_start3A_279 = tpu.memref_slice %arg14[%mul3A_278] : memref<896xi32, #tpu.memory_space<vmem>> -> memref<128xi32, #tpu.memory_space<vmem>>
        %dma_start3A_280 = arith.constant 0 : i32
        %dma_start3A_281 = arith.constant 0 : i32
        %dma_start3A_282 = tpu.memref_slice %arg21[%dma_start3A_280, %dma_start3A_281] : memref<1000x128xf32, #tpu.memory_space<vmem_shared>> -> memref<1000x128xf32, #tpu.memory_space<vmem_shared>>
        tpu.enqueue_indirect_dma source(%arg9 : memref<128x128xf32, #tpu.memory_space<vmem>>) target(%dma_start3A_282 : memref<1000x128xf32, #tpu.memory_space<vmem_shared>>) offsets(%dma_start3A_279 : memref<128xi32, #tpu.memory_space<vmem>>) semaphore(%arg31 : memref<!tpu.dma_semaphore, #tpu.memory_space<semaphore_mem>>) {add = true}
        %dma_start3A_283 = tpu.memref_slice %arg14[%mul3A_278] : memref<896xi32, #tpu.memory_space<vmem>> -> memref<128xi32, #tpu.memory_space<vmem>>
        %dma_start3A_284 = arith.constant 0 : i32
        %dma_start3A_285 = tpu.memref_slice %arg22[%dma_start3A_284] : memref<1024xf32, #tpu.memory_space<vmem_shared>> -> memref<1024xf32, #tpu.memory_space<vmem_shared>>
        tpu.enqueue_indirect_dma source(%arg18 : memref<128xf32, #tpu.memory_space<vmem>>) target(%dma_start3A_285 : memref<1024xf32, #tpu.memory_space<vmem_shared>>) offsets(%dma_start3A_283 : memref<128xi32, #tpu.memory_space<vmem>>) semaphore(%arg37 : memref<!tpu.dma_semaphore, #tpu.memory_space<semaphore_mem>>) {add = true}
      } else {
      }
      %add3A_217 = arith.constant 2 : i32
      %add3A_218 = arith.addi %add3A_211, %add3A_217 : i32
      %lt3A_219 = arith.constant 7 : i32
      %lt3A_220 = arith.cmpi slt, %add3A_218, %lt3A_219 : i32
      %convert_element_type3A_221 = arith.extui %lt3A_220 : i1 to i32
      %cond3A_222 = arith.constant 0 : i32
      %cond3A_223 = arith.cmpi ne, %convert_element_type3A_221, %cond3A_222 : i32
      scf.if %cond3A_223 {
        %ge3A = arith.constant 6 : i32
        %ge3A_272 = arith.cmpi sge, %add3A_218, %ge3A : i32
        %convert_element_type3A_273 = arith.extui %ge3A_272 : i1 to i32
        %cond3A_274 = arith.constant 0 : i32
        %cond3A_275 = arith.cmpi ne, %convert_element_type3A_273, %cond3A_274 : i32
        scf.if %cond3A_275 {
          %dma_wait3A_282 = arith.constant 0 : i32
          %dma_wait3A_283 = tpu.memref_slice %arg14[%dma_wait3A_282] : memref<896xi32, #tpu.memory_space<vmem>> -> memref<128xi32, #tpu.memory_space<vmem>>
          %dma_wait3A_284 = arith.constant 0 : i32
          %dma_wait3A_285 = arith.constant 0 : i32
          %dma_wait3A_286 = tpu.memref_slice %arg21[%dma_wait3A_284, %dma_wait3A_285] : memref<1000x128xf32, #tpu.memory_space<vmem_shared>> -> memref<1000x128xf32, #tpu.memory_space<vmem_shared>>
          tpu.wait_indirect_dma semaphore(%arg33 : memref<!tpu.dma_semaphore, #tpu.memory_space<semaphore_mem>>) src(%arg11 : memref<128x128xf32, #tpu.memory_space<vmem>>) dst(%dma_wait3A_286 : memref<1000x128xf32, #tpu.memory_space<vmem_shared>>)
          %dma_wait3A_287 = arith.constant 0 : i32
          %dma_wait3A_288 = tpu.memref_slice %arg14[%dma_wait3A_287] : memref<896xi32, #tpu.memory_space<vmem>> -> memref<128xi32, #tpu.memory_space<vmem>>
          %dma_wait3A_289 = arith.constant 0 : i32
          %dma_wait3A_290 = tpu.memref_slice %arg22[%dma_wait3A_289] : memref<1024xf32, #tpu.memory_space<vmem_shared>> -> memref<1024xf32, #tpu.memory_space<vmem_shared>>
          tpu.wait_indirect_dma semaphore(%arg39 : memref<!tpu.dma_semaphore, #tpu.memory_space<semaphore_mem>>) src(%arg18 : memref<128xf32, #tpu.memory_space<vmem>>) dst(%dma_wait3A_290 : memref<1024xf32, #tpu.memory_space<vmem_shared>>)
        } else {
        }
        %mul3A_276 = arith.constant 128 : i32
        %mul3A_277 = arith.muli %add3A_218, %mul3A_276 : i32
        %dma_start3A_278 = tpu.memref_slice %arg13[%mul3A_277] : memref<896xi32, #tpu.memory_space<vmem>> -> memref<128xi32, #tpu.memory_space<vmem>>
        %dma_start3A_279 = arith.constant 0 : i32
        %dma_start3A_280 = arith.constant 0 : i32
        %dma_start3A_281 = tpu.memref_slice %arg2[%dma_start3A_279, %dma_start3A_280] : memref<5000x128xf32, #tpu.memory_space<hbm>> -> memref<5000x128xf32, #tpu.memory_space<hbm>>
        tpu.enqueue_indirect_dma source(%dma_start3A_281 : memref<5000x128xf32, #tpu.memory_space<hbm>>) target(%arg11 : memref<128x128xf32, #tpu.memory_space<vmem>>) offsets(%dma_start3A_278 : memref<128xi32, #tpu.memory_space<vmem>>) semaphore(%arg27 : memref<!tpu.dma_semaphore, #tpu.memory_space<semaphore_mem>>)
      } else {
      }
      %mul3A_224 = arith.constant 6 : i32
      %mul3A_225 = arith.muli %mul3A_224, %scan3A_175 : i32
      %add3A_226 = arith.constant 3 : i32
      %add3A_227 = arith.addi %mul3A_225, %add3A_226 : i32
      %lt3A_228 = arith.constant 7 : i32
      %lt3A_229 = arith.cmpi slt, %add3A_227, %lt3A_228 : i32
      %convert_element_type3A_230 = arith.extui %lt3A_229 : i1 to i32
      %cond3A_231 = arith.constant 0 : i32
      %cond3A_232 = arith.cmpi ne, %convert_element_type3A_230, %cond3A_231 : i32
      scf.if %cond3A_232 {
        %dma_wait3A_272 = arith.constant 0 : i32
        %dma_wait3A_273 = tpu.memref_slice %arg13[%dma_wait3A_272] : memref<896xi32, #tpu.memory_space<vmem>> -> memref<128xi32, #tpu.memory_space<vmem>>
        %dma_wait3A_274 = arith.constant 0 : i32
        %dma_wait3A_275 = arith.constant 0 : i32
        %dma_wait3A_276 = tpu.memref_slice %arg2[%dma_wait3A_274, %dma_wait3A_275] : memref<5000x128xf32, #tpu.memory_space<hbm>> -> memref<5000x128xf32, #tpu.memory_space<hbm>>
        tpu.wait_indirect_dma semaphore(%arg26 : memref<!tpu.dma_semaphore, #tpu.memory_space<semaphore_mem>>) src(%dma_wait3A_276 : memref<5000x128xf32, #tpu.memory_space<hbm>>) dst(%arg10 : memref<128x128xf32, #tpu.memory_space<vmem>>)
        %mul3A_277 = arith.constant 128 : i32
        %mul3A_278 = arith.muli %add3A_227, %mul3A_277 : i32
        %dma_start3A_279 = tpu.memref_slice %arg14[%mul3A_278] : memref<896xi32, #tpu.memory_space<vmem>> -> memref<128xi32, #tpu.memory_space<vmem>>
        %dma_start3A_280 = arith.constant 0 : i32
        %dma_start3A_281 = arith.constant 0 : i32
        %dma_start3A_282 = tpu.memref_slice %arg21[%dma_start3A_280, %dma_start3A_281] : memref<1000x128xf32, #tpu.memory_space<vmem_shared>> -> memref<1000x128xf32, #tpu.memory_space<vmem_shared>>
        tpu.enqueue_indirect_dma source(%arg10 : memref<128x128xf32, #tpu.memory_space<vmem>>) target(%dma_start3A_282 : memref<1000x128xf32, #tpu.memory_space<vmem_shared>>) offsets(%dma_start3A_279 : memref<128xi32, #tpu.memory_space<vmem>>) semaphore(%arg32 : memref<!tpu.dma_semaphore, #tpu.memory_space<semaphore_mem>>) {add = true}
        %dma_start3A_283 = tpu.memref_slice %arg14[%mul3A_278] : memref<896xi32, #tpu.memory_space<vmem>> -> memref<128xi32, #tpu.memory_space<vmem>>
        %dma_start3A_284 = arith.constant 0 : i32
        %dma_start3A_285 = tpu.memref_slice %arg22[%dma_start3A_284] : memref<1024xf32, #tpu.memory_space<vmem_shared>> -> memref<1024xf32, #tpu.memory_space<vmem_shared>>
        tpu.enqueue_indirect_dma source(%arg18 : memref<128xf32, #tpu.memory_space<vmem>>) target(%dma_start3A_285 : memref<1024xf32, #tpu.memory_space<vmem_shared>>) offsets(%dma_start3A_283 : memref<128xi32, #tpu.memory_space<vmem>>) semaphore(%arg38 : memref<!tpu.dma_semaphore, #tpu.memory_space<semaphore_mem>>) {add = true}
      } else {
      }
      %add3A_233 = arith.constant 2 : i32
      %add3A_234 = arith.addi %add3A_227, %add3A_233 : i32
      %lt3A_235 = arith.constant 7 : i32
      %lt3A_236 = arith.cmpi slt, %add3A_234, %lt3A_235 : i32
      %convert_element_type3A_237 = arith.extui %lt3A_236 : i1 to i32
      %cond3A_238 = arith.constant 0 : i32
      %cond3A_239 = arith.cmpi ne, %convert_element_type3A_237, %cond3A_238 : i32
      scf.if %cond3A_239 {
        %ge3A = arith.constant 6 : i32
        %ge3A_272 = arith.cmpi sge, %add3A_234, %ge3A : i32
        %convert_element_type3A_273 = arith.extui %ge3A_272 : i1 to i32
        %cond3A_274 = arith.constant 0 : i32
        %cond3A_275 = arith.cmpi ne, %convert_element_type3A_273, %cond3A_274 : i32
        scf.if %cond3A_275 {
          %dma_wait3A_282 = arith.constant 0 : i32
          %dma_wait3A_283 = tpu.memref_slice %arg14[%dma_wait3A_282] : memref<896xi32, #tpu.memory_space<vmem>> -> memref<128xi32, #tpu.memory_space<vmem>>
          %dma_wait3A_284 = arith.constant 0 : i32
          %dma_wait3A_285 = arith.constant 0 : i32
          %dma_wait3A_286 = tpu.memref_slice %arg21[%dma_wait3A_284, %dma_wait3A_285] : memref<1000x128xf32, #tpu.memory_space<vmem_shared>> -> memref<1000x128xf32, #tpu.memory_space<vmem_shared>>
          tpu.wait_indirect_dma semaphore(%arg34 : memref<!tpu.dma_semaphore, #tpu.memory_space<semaphore_mem>>) src(%arg12 : memref<128x128xf32, #tpu.memory_space<vmem>>) dst(%dma_wait3A_286 : memref<1000x128xf32, #tpu.memory_space<vmem_shared>>)
          %dma_wait3A_287 = arith.constant 0 : i32
          %dma_wait3A_288 = tpu.memref_slice %arg14[%dma_wait3A_287] : memref<896xi32, #tpu.memory_space<vmem>> -> memref<128xi32, #tpu.memory_space<vmem>>
          %dma_wait3A_289 = arith.constant 0 : i32
          %dma_wait3A_290 = tpu.memref_slice %arg22[%dma_wait3A_289] : memref<1024xf32, #tpu.memory_space<vmem_shared>> -> memref<1024xf32, #tpu.memory_space<vmem_shared>>
          tpu.wait_indirect_dma semaphore(%arg40 : memref<!tpu.dma_semaphore, #tpu.memory_space<semaphore_mem>>) src(%arg18 : memref<128xf32, #tpu.memory_space<vmem>>) dst(%dma_wait3A_290 : memref<1024xf32, #tpu.memory_space<vmem_shared>>)
        } else {
        }
        %mul3A_276 = arith.constant 128 : i32
        %mul3A_277 = arith.muli %add3A_234, %mul3A_276 : i32
        %dma_start3A_278 = tpu.memref_slice %arg13[%mul3A_277] : memref<896xi32, #tpu.memory_space<vmem>> -> memref<128xi32, #tpu.memory_space<vmem>>
        %dma_start3A_279 = arith.constant 0 : i32
        %dma_start3A_280 = arith.constant 0 : i32
        %dma_start3A_281 = tpu.memref_slice %arg2[%dma_start3A_279, %dma_start3A_280] : memref<5000x128xf32, #tpu.memory_space<hbm>> -> memref<5000x128xf32, #tpu.memory_space<hbm>>
        tpu.enqueue_indirect_dma source(%dma_start3A_281 : memref<5000x128xf32, #tpu.memory_space<hbm>>) target(%arg12 : memref<128x128xf32, #tpu.memory_space<vmem>>) offsets(%dma_start3A_278 : memref<128xi32, #tpu.memory_space<vmem>>) semaphore(%arg28 : memref<!tpu.dma_semaphore, #tpu.memory_space<semaphore_mem>>)
      } else {
      }
      %mul3A_240 = arith.constant 6 : i32
      %mul3A_241 = arith.muli %mul3A_240, %scan3A_175 : i32
      %add3A_242 = arith.constant 4 : i32
      %add3A_243 = arith.addi %mul3A_241, %add3A_242 : i32
      %lt3A_244 = arith.constant 7 : i32
      %lt3A_245 = arith.cmpi slt, %add3A_243, %lt3A_244 : i32
      %convert_element_type3A_246 = arith.extui %lt3A_245 : i1 to i32
      %cond3A_247 = arith.constant 0 : i32
      %cond3A_248 = arith.cmpi ne, %convert_element_type3A_246, %cond3A_247 : i32
      scf.if %cond3A_248 {
        %dma_wait3A_272 = arith.constant 0 : i32
        %dma_wait3A_273 = tpu.memref_slice %arg13[%dma_wait3A_272] : memref<896xi32, #tpu.memory_space<vmem>> -> memref<128xi32, #tpu.memory_space<vmem>>
        %dma_wait3A_274 = arith.constant 0 : i32
        %dma_wait3A_275 = arith.constant 0 : i32
        %dma_wait3A_276 = tpu.memref_slice %arg2[%dma_wait3A_274, %dma_wait3A_275] : memref<5000x128xf32, #tpu.memory_space<hbm>> -> memref<5000x128xf32, #tpu.memory_space<hbm>>
        tpu.wait_indirect_dma semaphore(%arg27 : memref<!tpu.dma_semaphore, #tpu.memory_space<semaphore_mem>>) src(%dma_wait3A_276 : memref<5000x128xf32, #tpu.memory_space<hbm>>) dst(%arg11 : memref<128x128xf32, #tpu.memory_space<vmem>>)
        %mul3A_277 = arith.constant 128 : i32
        %mul3A_278 = arith.muli %add3A_243, %mul3A_277 : i32
        %dma_start3A_279 = tpu.memref_slice %arg14[%mul3A_278] : memref<896xi32, #tpu.memory_space<vmem>> -> memref<128xi32, #tpu.memory_space<vmem>>
        %dma_start3A_280 = arith.constant 0 : i32
        %dma_start3A_281 = arith.constant 0 : i32
        %dma_start3A_282 = tpu.memref_slice %arg21[%dma_start3A_280, %dma_start3A_281] : memref<1000x128xf32, #tpu.memory_space<vmem_shared>> -> memref<1000x128xf32, #tpu.memory_space<vmem_shared>>
        tpu.enqueue_indirect_dma source(%arg11 : memref<128x128xf32, #tpu.memory_space<vmem>>) target(%dma_start3A_282 : memref<1000x128xf32, #tpu.memory_space<vmem_shared>>) offsets(%dma_start3A_279 : memref<128xi32, #tpu.memory_space<vmem>>) semaphore(%arg33 : memref<!tpu.dma_semaphore, #tpu.memory_space<semaphore_mem>>) {add = true}
        %dma_start3A_283 = tpu.memref_slice %arg14[%mul3A_278] : memref<896xi32, #tpu.memory_space<vmem>> -> memref<128xi32, #tpu.memory_space<vmem>>
        %dma_start3A_284 = arith.constant 0 : i32
        %dma_start3A_285 = tpu.memref_slice %arg22[%dma_start3A_284] : memref<1024xf32, #tpu.memory_space<vmem_shared>> -> memref<1024xf32, #tpu.memory_space<vmem_shared>>
        tpu.enqueue_indirect_dma source(%arg18 : memref<128xf32, #tpu.memory_space<vmem>>) target(%dma_start3A_285 : memref<1024xf32, #tpu.memory_space<vmem_shared>>) offsets(%dma_start3A_283 : memref<128xi32, #tpu.memory_space<vmem>>) semaphore(%arg39 : memref<!tpu.dma_semaphore, #tpu.memory_space<semaphore_mem>>) {add = true}
      } else {
      }
      %add3A_249 = arith.constant 2 : i32
      %add3A_250 = arith.addi %add3A_243, %add3A_249 : i32
      %lt3A_251 = arith.constant 7 : i32
      %lt3A_252 = arith.cmpi slt, %add3A_250, %lt3A_251 : i32
      %convert_element_type3A_253 = arith.extui %lt3A_252 : i1 to i32
      %cond3A_254 = arith.constant 0 : i32
      %cond3A_255 = arith.cmpi ne, %convert_element_type3A_253, %cond3A_254 : i32
      scf.if %cond3A_255 {
        %ge3A = arith.constant 6 : i32
        %ge3A_272 = arith.cmpi sge, %add3A_250, %ge3A : i32
        %convert_element_type3A_273 = arith.extui %ge3A_272 : i1 to i32
        %cond3A_274 = arith.constant 0 : i32
        %cond3A_275 = arith.cmpi ne, %convert_element_type3A_273, %cond3A_274 : i32
        scf.if %cond3A_275 {
          %dma_wait3A_282 = arith.constant 0 : i32
          %dma_wait3A_283 = tpu.memref_slice %arg14[%dma_wait3A_282] : memref<896xi32, #tpu.memory_space<vmem>> -> memref<128xi32, #tpu.memory_space<vmem>>
          %dma_wait3A_284 = arith.constant 0 : i32
          %dma_wait3A_285 = arith.constant 0 : i32
          %dma_wait3A_286 = tpu.memref_slice %arg21[%dma_wait3A_284, %dma_wait3A_285] : memref<1000x128xf32, #tpu.memory_space<vmem_shared>> -> memref<1000x128xf32, #tpu.memory_space<vmem_shared>>
          tpu.wait_indirect_dma semaphore(%arg29 : memref<!tpu.dma_semaphore, #tpu.memory_space<semaphore_mem>>) src(%arg7 : memref<128x128xf32, #tpu.memory_space<vmem>>) dst(%dma_wait3A_286 : memref<1000x128xf32, #tpu.memory_space<vmem_shared>>)
          %dma_wait3A_287 = arith.constant 0 : i32
          %dma_wait3A_288 = tpu.memref_slice %arg14[%dma_wait3A_287] : memref<896xi32, #tpu.memory_space<vmem>> -> memref<128xi32, #tpu.memory_space<vmem>>
          %dma_wait3A_289 = arith.constant 0 : i32
          %dma_wait3A_290 = tpu.memref_slice %arg22[%dma_wait3A_289] : memref<1024xf32, #tpu.memory_space<vmem_shared>> -> memref<1024xf32, #tpu.memory_space<vmem_shared>>
          tpu.wait_indirect_dma semaphore(%arg35 : memref<!tpu.dma_semaphore, #tpu.memory_space<semaphore_mem>>) src(%arg18 : memref<128xf32, #tpu.memory_space<vmem>>) dst(%dma_wait3A_290 : memref<1024xf32, #tpu.memory_space<vmem_shared>>)
        } else {
        }
        %mul3A_276 = arith.constant 128 : i32
        %mul3A_277 = arith.muli %add3A_250, %mul3A_276 : i32
        %dma_start3A_278 = tpu.memref_slice %arg13[%mul3A_277] : memref<896xi32, #tpu.memory_space<vmem>> -> memref<128xi32, #tpu.memory_space<vmem>>
        %dma_start3A_279 = arith.constant 0 : i32
        %dma_start3A_280 = arith.constant 0 : i32
        %dma_start3A_281 = tpu.memref_slice %arg2[%dma_start3A_279, %dma_start3A_280] : memref<5000x128xf32, #tpu.memory_space<hbm>> -> memref<5000x128xf32, #tpu.memory_space<hbm>>
        tpu.enqueue_indirect_dma source(%dma_start3A_281 : memref<5000x128xf32, #tpu.memory_space<hbm>>) target(%arg7 : memref<128x128xf32, #tpu.memory_space<vmem>>) offsets(%dma_start3A_278 : memref<128xi32, #tpu.memory_space<vmem>>) semaphore(%arg23 : memref<!tpu.dma_semaphore, #tpu.memory_space<semaphore_mem>>)
      } else {
      }
      %mul3A_256 = arith.constant 6 : i32
      %mul3A_257 = arith.muli %mul3A_256, %scan3A_175 : i32
      %add3A_258 = arith.constant 5 : i32
      %add3A_259 = arith.addi %mul3A_257, %add3A_258 : i32
      %lt3A_260 = arith.constant 7 : i32
      %lt3A_261 = arith.cmpi slt, %add3A_259, %lt3A_260 : i32
      %convert_element_type3A_262 = arith.extui %lt3A_261 : i1 to i32
      %cond3A_263 = arith.constant 0 : i32
      %cond3A_264 = arith.cmpi ne, %convert_element_type3A_262, %cond3A_263 : i32
      scf.if %cond3A_264 {
        %dma_wait3A_272 = arith.constant 0 : i32
        %dma_wait3A_273 = tpu.memref_slice %arg13[%dma_wait3A_272] : memref<896xi32, #tpu.memory_space<vmem>> -> memref<128xi32, #tpu.memory_space<vmem>>
        %dma_wait3A_274 = arith.constant 0 : i32
        %dma_wait3A_275 = arith.constant 0 : i32
        %dma_wait3A_276 = tpu.memref_slice %arg2[%dma_wait3A_274, %dma_wait3A_275] : memref<5000x128xf32, #tpu.memory_space<hbm>> -> memref<5000x128xf32, #tpu.memory_space<hbm>>
        tpu.wait_indirect_dma semaphore(%arg28 : memref<!tpu.dma_semaphore, #tpu.memory_space<semaphore_mem>>) src(%dma_wait3A_276 : memref<5000x128xf32, #tpu.memory_space<hbm>>) dst(%arg12 : memref<128x128xf32, #tpu.memory_space<vmem>>)
        %mul3A_277 = arith.constant 128 : i32
        %mul3A_278 = arith.muli %add3A_259, %mul3A_277 : i32
        %dma_start3A_279 = tpu.memref_slice %arg14[%mul3A_278] : memref<896xi32, #tpu.memory_space<vmem>> -> memref<128xi32, #tpu.memory_space<vmem>>
        %dma_start3A_280 = arith.constant 0 : i32
        %dma_start3A_281 = arith.constant 0 : i32
        %dma_start3A_282 = tpu.memref_slice %arg21[%dma_start3A_280, %dma_start3A_281] : memref<1000x128xf32, #tpu.memory_space<vmem_shared>> -> memref<1000x128xf32, #tpu.memory_space<vmem_shared>>
        tpu.enqueue_indirect_dma source(%arg12 : memref<128x128xf32, #tpu.memory_space<vmem>>) target(%dma_start3A_282 : memref<1000x128xf32, #tpu.memory_space<vmem_shared>>) offsets(%dma_start3A_279 : memref<128xi32, #tpu.memory_space<vmem>>) semaphore(%arg34 : memref<!tpu.dma_semaphore, #tpu.memory_space<semaphore_mem>>) {add = true}
        %dma_start3A_283 = tpu.memref_slice %arg14[%mul3A_278] : memref<896xi32, #tpu.memory_space<vmem>> -> memref<128xi32, #tpu.memory_space<vmem>>
        %dma_start3A_284 = arith.constant 0 : i32
        %dma_start3A_285 = tpu.memref_slice %arg22[%dma_start3A_284] : memref<1024xf32, #tpu.memory_space<vmem_shared>> -> memref<1024xf32, #tpu.memory_space<vmem_shared>>
        tpu.enqueue_indirect_dma source(%arg18 : memref<128xf32, #tpu.memory_space<vmem>>) target(%dma_start3A_285 : memref<1024xf32, #tpu.memory_space<vmem_shared>>) offsets(%dma_start3A_283 : memref<128xi32, #tpu.memory_space<vmem>>) semaphore(%arg40 : memref<!tpu.dma_semaphore, #tpu.memory_space<semaphore_mem>>) {add = true}
      } else {
      }
      %add3A_265 = arith.constant 2 : i32
      %add3A_266 = arith.addi %add3A_259, %add3A_265 : i32
      %lt3A_267 = arith.constant 7 : i32
      %lt3A_268 = arith.cmpi slt, %add3A_266, %lt3A_267 : i32
      %convert_element_type3A_269 = arith.extui %lt3A_268 : i1 to i32
      %cond3A_270 = arith.constant 0 : i32
      %cond3A_271 = arith.cmpi ne, %convert_element_type3A_269, %cond3A_270 : i32
      scf.if %cond3A_271 {
        %ge3A = arith.constant 6 : i32
        %ge3A_272 = arith.cmpi sge, %add3A_266, %ge3A : i32
        %convert_element_type3A_273 = arith.extui %ge3A_272 : i1 to i32
        %cond3A_274 = arith.constant 0 : i32
        %cond3A_275 = arith.cmpi ne, %convert_element_type3A_273, %cond3A_274 : i32
        scf.if %cond3A_275 {
          %dma_wait3A_282 = arith.constant 0 : i32
          %dma_wait3A_283 = tpu.memref_slice %arg14[%dma_wait3A_282] : memref<896xi32, #tpu.memory_space<vmem>> -> memref<128xi32, #tpu.memory_space<vmem>>
          %dma_wait3A_284 = arith.constant 0 : i32
          %dma_wait3A_285 = arith.constant 0 : i32
          %dma_wait3A_286 = tpu.memref_slice %arg21[%dma_wait3A_284, %dma_wait3A_285] : memref<1000x128xf32, #tpu.memory_space<vmem_shared>> -> memref<1000x128xf32, #tpu.memory_space<vmem_shared>>
          tpu.wait_indirect_dma semaphore(%arg30 : memref<!tpu.dma_semaphore, #tpu.memory_space<semaphore_mem>>) src(%arg8 : memref<128x128xf32, #tpu.memory_space<vmem>>) dst(%dma_wait3A_286 : memref<1000x128xf32, #tpu.memory_space<vmem_shared>>)
          %dma_wait3A_287 = arith.constant 0 : i32
          %dma_wait3A_288 = tpu.memref_slice %arg14[%dma_wait3A_287] : memref<896xi32, #tpu.memory_space<vmem>> -> memref<128xi32, #tpu.memory_space<vmem>>
          %dma_wait3A_289 = arith.constant 0 : i32
          %dma_wait3A_290 = tpu.memref_slice %arg22[%dma_wait3A_289] : memref<1024xf32, #tpu.memory_space<vmem_shared>> -> memref<1024xf32, #tpu.memory_space<vmem_shared>>
          tpu.wait_indirect_dma semaphore(%arg36 : memref<!tpu.dma_semaphore, #tpu.memory_space<semaphore_mem>>) src(%arg18 : memref<128xf32, #tpu.memory_space<vmem>>) dst(%dma_wait3A_290 : memref<1024xf32, #tpu.memory_space<vmem_shared>>)
        } else {
        }
        %mul3A_276 = arith.constant 128 : i32
        %mul3A_277 = arith.muli %add3A_266, %mul3A_276 : i32
        %dma_start3A_278 = tpu.memref_slice %arg13[%mul3A_277] : memref<896xi32, #tpu.memory_space<vmem>> -> memref<128xi32, #tpu.memory_space<vmem>>
        %dma_start3A_279 = arith.constant 0 : i32
        %dma_start3A_280 = arith.constant 0 : i32
        %dma_start3A_281 = tpu.memref_slice %arg2[%dma_start3A_279, %dma_start3A_280] : memref<5000x128xf32, #tpu.memory_space<hbm>> -> memref<5000x128xf32, #tpu.memory_space<hbm>>
        tpu.enqueue_indirect_dma source(%dma_start3A_281 : memref<5000x128xf32, #tpu.memory_space<hbm>>) target(%arg8 : memref<128x128xf32, #tpu.memory_space<vmem>>) offsets(%dma_start3A_278 : memref<128xi32, #tpu.memory_space<vmem>>) semaphore(%arg24 : memref<!tpu.dma_semaphore, #tpu.memory_space<semaphore_mem>>)
      } else {
      }
    }
    %scan3A_102 = arith.constant 2 : i32
    %dma_wait3A = arith.constant 0 : i32
    %dma_wait3A_103 = tpu.memref_slice %arg14[%dma_wait3A] : memref<896xi32, #tpu.memory_space<vmem>> -> memref<128xi32, #tpu.memory_space<vmem>>
    %dma_wait3A_104 = arith.constant 0 : i32
    %dma_wait3A_105 = arith.constant 0 : i32
    %dma_wait3A_106 = tpu.memref_slice %arg21[%dma_wait3A_104, %dma_wait3A_105] : memref<1000x128xf32, #tpu.memory_space<vmem_shared>> -> memref<1000x128xf32, #tpu.memory_space<vmem_shared>>
    tpu.wait_indirect_dma semaphore(%arg30 : memref<!tpu.dma_semaphore, #tpu.memory_space<semaphore_mem>>) src(%arg8 : memref<128x128xf32, #tpu.memory_space<vmem>>) dst(%dma_wait3A_106 : memref<1000x128xf32, #tpu.memory_space<vmem_shared>>)
    %dma_wait3A_107 = arith.constant 0 : i32
    %dma_wait3A_108 = tpu.memref_slice %arg14[%dma_wait3A_107] : memref<896xi32, #tpu.memory_space<vmem>> -> memref<128xi32, #tpu.memory_space<vmem>>
    %dma_wait3A_109 = arith.constant 0 : i32
    %dma_wait3A_110 = tpu.memref_slice %arg22[%dma_wait3A_109] : memref<1024xf32, #tpu.memory_space<vmem_shared>> -> memref<1024xf32, #tpu.memory_space<vmem_shared>>
    tpu.wait_indirect_dma semaphore(%arg36 : memref<!tpu.dma_semaphore, #tpu.memory_space<semaphore_mem>>) src(%arg18 : memref<128xf32, #tpu.memory_space<vmem>>) dst(%dma_wait3A_110 : memref<1024xf32, #tpu.memory_space<vmem_shared>>)
    %dma_wait3A_111 = arith.constant 0 : i32
    %dma_wait3A_112 = tpu.memref_slice %arg14[%dma_wait3A_111] : memref<896xi32, #tpu.memory_space<vmem>> -> memref<128xi32, #tpu.memory_space<vmem>>
    %dma_wait3A_113 = arith.constant 0 : i32
    %dma_wait3A_114 = arith.constant 0 : i32
    %dma_wait3A_115 = tpu.memref_slice %arg21[%dma_wait3A_113, %dma_wait3A_114] : memref<1000x128xf32, #tpu.memory_space<vmem_shared>> -> memref<1000x128xf32, #tpu.memory_space<vmem_shared>>
    tpu.wait_indirect_dma semaphore(%arg31 : memref<!tpu.dma_semaphore, #tpu.memory_space<semaphore_mem>>) src(%arg9 : memref<128x128xf32, #tpu.memory_space<vmem>>) dst(%dma_wait3A_115 : memref<1000x128xf32, #tpu.memory_space<vmem_shared>>)
    %dma_wait3A_116 = arith.constant 0 : i32
    %dma_wait3A_117 = tpu.memref_slice %arg14[%dma_wait3A_116] : memref<896xi32, #tpu.memory_space<vmem>> -> memref<128xi32, #tpu.memory_space<vmem>>
    %dma_wait3A_118 = arith.constant 0 : i32
    %dma_wait3A_119 = tpu.memref_slice %arg22[%dma_wait3A_118] : memref<1024xf32, #tpu.memory_space<vmem_shared>> -> memref<1024xf32, #tpu.memory_space<vmem_shared>>
    tpu.wait_indirect_dma semaphore(%arg37 : memref<!tpu.dma_semaphore, #tpu.memory_space<semaphore_mem>>) src(%arg18 : memref<128xf32, #tpu.memory_space<vmem>>) dst(%dma_wait3A_119 : memref<1024xf32, #tpu.memory_space<vmem_shared>>)
    %dma_wait3A_120 = arith.constant 0 : i32
    %dma_wait3A_121 = tpu.memref_slice %arg14[%dma_wait3A_120] : memref<896xi32, #tpu.memory_space<vmem>> -> memref<128xi32, #tpu.memory_space<vmem>>
    %dma_wait3A_122 = arith.constant 0 : i32
    %dma_wait3A_123 = arith.constant 0 : i32
    %dma_wait3A_124 = tpu.memref_slice %arg21[%dma_wait3A_122, %dma_wait3A_123] : memref<1000x128xf32, #tpu.memory_space<vmem_shared>> -> memref<1000x128xf32, #tpu.memory_space<vmem_shared>>
    tpu.wait_indirect_dma semaphore(%arg32 : memref<!tpu.dma_semaphore, #tpu.memory_space<semaphore_mem>>) src(%arg10 : memref<128x128xf32, #tpu.memory_space<vmem>>) dst(%dma_wait3A_124 : memref<1000x128xf32, #tpu.memory_space<vmem_shared>>)
    %dma_wait3A_125 = arith.constant 0 : i32
    %dma_wait3A_126 = tpu.memref_slice %arg14[%dma_wait3A_125] : memref<896xi32, #tpu.memory_space<vmem>> -> memref<128xi32, #tpu.memory_space<vmem>>
    %dma_wait3A_127 = arith.constant 0 : i32
    %dma_wait3A_128 = tpu.memref_slice %arg22[%dma_wait3A_127] : memref<1024xf32, #tpu.memory_space<vmem_shared>> -> memref<1024xf32, #tpu.memory_space<vmem_shared>>
    tpu.wait_indirect_dma semaphore(%arg38 : memref<!tpu.dma_semaphore, #tpu.memory_space<semaphore_mem>>) src(%arg18 : memref<128xf32, #tpu.memory_space<vmem>>) dst(%dma_wait3A_128 : memref<1024xf32, #tpu.memory_space<vmem_shared>>)
    %dma_wait3A_129 = arith.constant 0 : i32
    %dma_wait3A_130 = tpu.memref_slice %arg14[%dma_wait3A_129] : memref<896xi32, #tpu.memory_space<vmem>> -> memref<128xi32, #tpu.memory_space<vmem>>
    %dma_wait3A_131 = arith.constant 0 : i32
    %dma_wait3A_132 = arith.constant 0 : i32
    %dma_wait3A_133 = tpu.memref_slice %arg21[%dma_wait3A_131, %dma_wait3A_132] : memref<1000x128xf32, #tpu.memory_space<vmem_shared>> -> memref<1000x128xf32, #tpu.memory_space<vmem_shared>>
    tpu.wait_indirect_dma semaphore(%arg33 : memref<!tpu.dma_semaphore, #tpu.memory_space<semaphore_mem>>) src(%arg11 : memref<128x128xf32, #tpu.memory_space<vmem>>) dst(%dma_wait3A_133 : memref<1000x128xf32, #tpu.memory_space<vmem_shared>>)
    %dma_wait3A_134 = arith.constant 0 : i32
    %dma_wait3A_135 = tpu.memref_slice %arg14[%dma_wait3A_134] : memref<896xi32, #tpu.memory_space<vmem>> -> memref<128xi32, #tpu.memory_space<vmem>>
    %dma_wait3A_136 = arith.constant 0 : i32
    %dma_wait3A_137 = tpu.memref_slice %arg22[%dma_wait3A_136] : memref<1024xf32, #tpu.memory_space<vmem_shared>> -> memref<1024xf32, #tpu.memory_space<vmem_shared>>
    tpu.wait_indirect_dma semaphore(%arg39 : memref<!tpu.dma_semaphore, #tpu.memory_space<semaphore_mem>>) src(%arg18 : memref<128xf32, #tpu.memory_space<vmem>>) dst(%dma_wait3A_137 : memref<1024xf32, #tpu.memory_space<vmem_shared>>)
    %dma_wait3A_138 = arith.constant 0 : i32
    %dma_wait3A_139 = tpu.memref_slice %arg14[%dma_wait3A_138] : memref<896xi32, #tpu.memory_space<vmem>> -> memref<128xi32, #tpu.memory_space<vmem>>
    %dma_wait3A_140 = arith.constant 0 : i32
    %dma_wait3A_141 = arith.constant 0 : i32
    %dma_wait3A_142 = tpu.memref_slice %arg21[%dma_wait3A_140, %dma_wait3A_141] : memref<1000x128xf32, #tpu.memory_space<vmem_shared>> -> memref<1000x128xf32, #tpu.memory_space<vmem_shared>>
    tpu.wait_indirect_dma semaphore(%arg34 : memref<!tpu.dma_semaphore, #tpu.memory_space<semaphore_mem>>) src(%arg12 : memref<128x128xf32, #tpu.memory_space<vmem>>) dst(%dma_wait3A_142 : memref<1000x128xf32, #tpu.memory_space<vmem_shared>>)
    %dma_wait3A_143 = arith.constant 0 : i32
    %dma_wait3A_144 = tpu.memref_slice %arg14[%dma_wait3A_143] : memref<896xi32, #tpu.memory_space<vmem>> -> memref<128xi32, #tpu.memory_space<vmem>>
    %dma_wait3A_145 = arith.constant 0 : i32
    %dma_wait3A_146 = tpu.memref_slice %arg22[%dma_wait3A_145] : memref<1024xf32, #tpu.memory_space<vmem_shared>> -> memref<1024xf32, #tpu.memory_space<vmem_shared>>
    tpu.wait_indirect_dma semaphore(%arg40 : memref<!tpu.dma_semaphore, #tpu.memory_space<semaphore_mem>>) src(%arg18 : memref<128xf32, #tpu.memory_space<vmem>>) dst(%dma_wait3A_146 : memref<1024xf32, #tpu.memory_space<vmem_shared>>)
    %dma_wait3A_147 = arith.constant 0 : i32
    %dma_wait3A_148 = tpu.memref_slice %arg14[%dma_wait3A_147] : memref<896xi32, #tpu.memory_space<vmem>> -> memref<128xi32, #tpu.memory_space<vmem>>
    %dma_wait3A_149 = arith.constant 0 : i32
    %dma_wait3A_150 = arith.constant 0 : i32
    %dma_wait3A_151 = tpu.memref_slice %arg21[%dma_wait3A_149, %dma_wait3A_150] : memref<1000x128xf32, #tpu.memory_space<vmem_shared>> -> memref<1000x128xf32, #tpu.memory_space<vmem_shared>>
    tpu.wait_indirect_dma semaphore(%arg29 : memref<!tpu.dma_semaphore, #tpu.memory_space<semaphore_mem>>) src(%arg7 : memref<128x128xf32, #tpu.memory_space<vmem>>) dst(%dma_wait3A_151 : memref<1000x128xf32, #tpu.memory_space<vmem_shared>>)
    %dma_wait3A_152 = arith.constant 0 : i32
    %dma_wait3A_153 = tpu.memref_slice %arg14[%dma_wait3A_152] : memref<896xi32, #tpu.memory_space<vmem>> -> memref<128xi32, #tpu.memory_space<vmem>>
    %dma_wait3A_154 = arith.constant 0 : i32
    %dma_wait3A_155 = tpu.memref_slice %arg22[%dma_wait3A_154] : memref<1024xf32, #tpu.memory_space<vmem_shared>> -> memref<1024xf32, #tpu.memory_space<vmem_shared>>
    tpu.wait_indirect_dma semaphore(%arg35 : memref<!tpu.dma_semaphore, #tpu.memory_space<semaphore_mem>>) src(%arg18 : memref<128xf32, #tpu.memory_space<vmem>>) dst(%dma_wait3A_155 : memref<1024xf32, #tpu.memory_space<vmem_shared>>)
    %add3A_156 = arith.constant 896 : i32
    %add3A_157 = arith.addi %mul3A_73, %add3A_156 : i32
    "tpu.region"() ({
      %run_scoped3A = tpu.sem_alloc : memref<!tpu.dma_semaphore, #tpu.memory_space<semaphore_mem>>
      %dma_start3A_175 = tpu.memref_slice %arg3[%add3A_157] : memref<32000xi32, #tpu.memory_space<hbm>> -> memref<104xi32, #tpu.memory_space<hbm>>
      %dma_start3A_176 = tpu.memref_slice %arg3[%add3A_157] : memref<32000xi32, #tpu.memory_space<hbm>> -> memref<104xi32, #tpu.memory_space<hbm>>
      tpu.enqueue_dma source(%dma_start3A_176 : memref<104xi32, #tpu.memory_space<hbm>>) target(%arg15 : memref<104xi32, #tpu.memory_space<vmem>>) target_semaphore(%run_scoped3A : memref<!tpu.dma_semaphore, #tpu.memory_space<semaphore_mem>>)
      %dma_wait3A_177 = tpu.memref_slice %arg3[%add3A_157] : memref<32000xi32, #tpu.memory_space<hbm>> -> memref<104xi32, #tpu.memory_space<hbm>>
      %dma_wait3A_178 = tpu.memref_slice %arg3[%add3A_157] : memref<32000xi32, #tpu.memory_space<hbm>> -> memref<104xi32, #tpu.memory_space<hbm>>
      tpu.wait_dma2 semaphore(%run_scoped3A : memref<!tpu.dma_semaphore, #tpu.memory_space<semaphore_mem>>) src(%dma_wait3A_178 : memref<104xi32, #tpu.memory_space<hbm>>) dst(%arg15 : memref<104xi32, #tpu.memory_space<vmem>>)
      tpu.yield
    }) : () -> ()
    "tpu.region"() ({
      %run_scoped3A = tpu.sem_alloc : memref<!tpu.dma_semaphore, #tpu.memory_space<semaphore_mem>>
      %dma_start3A_175 = tpu.memref_slice %arg4[%add3A_157] : memref<32000xi32, #tpu.memory_space<hbm>> -> memref<104xi32, #tpu.memory_space<hbm>>
      %dma_start3A_176 = tpu.memref_slice %arg4[%add3A_157] : memref<32000xi32, #tpu.memory_space<hbm>> -> memref<104xi32, #tpu.memory_space<hbm>>
      tpu.enqueue_dma source(%dma_start3A_176 : memref<104xi32, #tpu.memory_space<hbm>>) target(%arg16 : memref<104xi32, #tpu.memory_space<vmem>>) target_semaphore(%run_scoped3A : memref<!tpu.dma_semaphore, #tpu.memory_space<semaphore_mem>>)
      %dma_wait3A_177 = tpu.memref_slice %arg4[%add3A_157] : memref<32000xi32, #tpu.memory_space<hbm>> -> memref<104xi32, #tpu.memory_space<hbm>>
      %dma_wait3A_178 = tpu.memref_slice %arg4[%add3A_157] : memref<32000xi32, #tpu.memory_space<hbm>> -> memref<104xi32, #tpu.memory_space<hbm>>
      tpu.wait_dma2 semaphore(%run_scoped3A : memref<!tpu.dma_semaphore, #tpu.memory_space<semaphore_mem>>) src(%dma_wait3A_178 : memref<104xi32, #tpu.memory_space<hbm>>) dst(%arg16 : memref<104xi32, #tpu.memory_space<vmem>>)
      tpu.yield
    }) : () -> ()
    %dma_start3A_158 = arith.constant 0 : i32
    %dma_start3A_159 = arith.constant 0 : i32
    %dma_start3A_160 = tpu.memref_slice %arg2[%dma_start3A_158, %dma_start3A_159] : memref<5000x128xf32, #tpu.memory_space<hbm>> -> memref<5000x128xf32, #tpu.memory_space<hbm>>
    tpu.enqueue_indirect_dma source(%dma_start3A_160 : memref<5000x128xf32, #tpu.memory_space<hbm>>) target(%arg17 : memref<104x128xf32, #tpu.memory_space<vmem>>) offsets(%arg15 : memref<104xi32, #tpu.memory_space<vmem>>) semaphore(%arg41 : memref<!tpu.dma_semaphore, #tpu.memory_space<semaphore_mem>>)
    %dma_wait3A_161 = arith.constant 0 : i32
    %dma_wait3A_162 = arith.constant 0 : i32
    %dma_wait3A_163 = tpu.memref_slice %arg2[%dma_wait3A_161, %dma_wait3A_162] : memref<5000x128xf32, #tpu.memory_space<hbm>> -> memref<5000x128xf32, #tpu.memory_space<hbm>>
    tpu.wait_indirect_dma semaphore(%arg41 : memref<!tpu.dma_semaphore, #tpu.memory_space<semaphore_mem>>) src(%dma_wait3A_163 : memref<5000x128xf32, #tpu.memory_space<hbm>>) dst(%arg17 : memref<104x128xf32, #tpu.memory_space<vmem>>)
    "tpu.region"() ({
      %run_scoped3A = tpu.sem_alloc : memref<!tpu.dma_semaphore, #tpu.memory_space<semaphore_mem>>
      %dma_start3A_175 = arith.constant 0 : i32
      %dma_start3A_176 = arith.constant 0 : i32
      %dma_start3A_177 = tpu.memref_slice %arg21[%dma_start3A_175, %dma_start3A_176] : memref<1000x128xf32, #tpu.memory_space<vmem_shared>> -> memref<1000x128xf32, #tpu.memory_space<vmem_shared>>
      tpu.enqueue_indirect_dma source(%arg17 : memref<104x128xf32, #tpu.memory_space<vmem>>) target(%dma_start3A_177 : memref<1000x128xf32, #tpu.memory_space<vmem_shared>>) offsets(%arg16 : memref<104xi32, #tpu.memory_space<vmem>>) semaphore(%run_scoped3A : memref<!tpu.dma_semaphore, #tpu.memory_space<semaphore_mem>>) {add = true}
      %dma_wait3A_178 = arith.constant 0 : i32
      %dma_wait3A_179 = arith.constant 0 : i32
      %dma_wait3A_180 = tpu.memref_slice %arg21[%dma_wait3A_178, %dma_wait3A_179] : memref<1000x128xf32, #tpu.memory_space<vmem_shared>> -> memref<1000x128xf32, #tpu.memory_space<vmem_shared>>
      tpu.wait_indirect_dma semaphore(%run_scoped3A : memref<!tpu.dma_semaphore, #tpu.memory_space<semaphore_mem>>) src(%arg17 : memref<104x128xf32, #tpu.memory_space<vmem>>) dst(%dma_wait3A_180 : memref<1000x128xf32, #tpu.memory_space<vmem_shared>>)
      tpu.yield
    }) : () -> ()
    "tpu.region"() ({
      %run_scoped3A = tpu.sem_alloc : memref<!tpu.dma_semaphore, #tpu.memory_space<semaphore_mem>>
      %dma_start3A_175 = arith.constant 0 : i32
      %dma_start3A_176 = tpu.memref_slice %arg18[%dma_start3A_175] : memref<128xf32, #tpu.memory_space<vmem>> -> memref<104xf32, #tpu.memory_space<vmem>>
      %dma_start3A_177 = arith.constant 0 : i32
      %dma_start3A_178 = tpu.memref_slice %arg22[%dma_start3A_177] : memref<1024xf32, #tpu.memory_space<vmem_shared>> -> memref<1024xf32, #tpu.memory_space<vmem_shared>>
      tpu.enqueue_indirect_dma source(%dma_start3A_176 : memref<104xf32, #tpu.memory_space<vmem>>) target(%dma_start3A_178 : memref<1024xf32, #tpu.memory_space<vmem_shared>>) offsets(%arg16 : memref<104xi32, #tpu.memory_space<vmem>>) semaphore(%run_scoped3A : memref<!tpu.dma_semaphore, #tpu.memory_space<semaphore_mem>>) {add = true}
      %dma_wait3A_179 = arith.constant 0 : i32
      %dma_wait3A_180 = tpu.memref_slice %arg18[%dma_wait3A_179] : memref<128xf32, #tpu.memory_space<vmem>> -> memref<104xf32, #tpu.memory_space<vmem>>
      %dma_wait3A_181 = arith.constant 0 : i32
      %dma_wait3A_182 = tpu.memref_slice %arg22[%dma_wait3A_181] : memref<1024xf32, #tpu.memory_space<vmem_shared>> -> memref<1024xf32, #tpu.memory_space<vmem_shared>>
      tpu.wait_indirect_dma semaphore(%run_scoped3A : memref<!tpu.dma_semaphore, #tpu.memory_space<semaphore_mem>>) src(%dma_wait3A_180 : memref<104xf32, #tpu.memory_space<vmem>>) dst(%dma_wait3A_182 : memref<1024xf32, #tpu.memory_space<vmem_shared>>)
      tpu.yield
    }) : () -> ()
    %barrier3A_164 = arith.constant 0 : index
    tpu.barrier barrier_id(%barrier3A_164)
    %scan3A_165 = arith.constant 0 : i32
    %scan3A_166 = arith.constant 0 : i32
    %scan3A_167 = arith.constant 2 : i32
    %scan3A_168 = arith.addi %scan3A_166, %scan3A_167 : i32
    %scan3A_169 = arith.constant 1 : i32
    scf.for %scan3A_175 = %scan3A_166 to %scan3A_168 step %scan3A_169  : i32 {
      %mul3A_176 = arith.constant 16 : i32
      %mul3A_177 = arith.muli %scan3A_175, %mul3A_176 : i32
      %add3A_178 = arith.addi %mul3A_177, %arg1 : i32
      %lt3A_179 = arith.constant 25 : i32
      %lt3A_180 = arith.cmpi slt, %add3A_178, %lt3A_179 : i32
      %convert_element_type3A_181 = arith.extui %lt3A_180 : i1 to i32
      %cond3A_182 = arith.constant 0 : i32
      %cond3A_183 = arith.cmpi ne, %convert_element_type3A_181, %cond3A_182 : i32
      scf.if %cond3A_183 {
        %mul3A_184 = arith.constant 40 : i32
        %mul3A_185 = arith.muli %add3A_178, %mul3A_184 : i32
        "tpu.region"() ({
          %run_scoped3A = tpu.sem_alloc : memref<!tpu.dma_semaphore, #tpu.memory_space<semaphore_mem>>
          %dma_start3A_186 = arith.constant 0 : i32
          %dma_start3A_187 = tpu.memref_slice %arg5[%arg0, %mul3A_185, %dma_start3A_186] : memref<2x1000x128xf32, #tpu.memory_space<hbm>> -> memref<1x40x128xf32, #tpu.memory_space<hbm>>
          %dma_start3A_188 = tpu.memref_squeeze %dma_start3A_187 : memref<1x40x128xf32, #tpu.memory_space<hbm>> -> memref<40x128xf32, #tpu.memory_space<hbm>>
          %dma_start3A_189 = arith.constant 0 : i32
          %dma_start3A_190 = tpu.memref_slice %arg21[%mul3A_185, %dma_start3A_189] : memref<1000x128xf32, #tpu.memory_space<vmem_shared>> -> memref<40x128xf32, #tpu.memory_space<vmem_shared>>
          tpu.enqueue_dma source(%dma_start3A_190 : memref<40x128xf32, #tpu.memory_space<vmem_shared>>) target(%dma_start3A_188 : memref<40x128xf32, #tpu.memory_space<hbm>>) target_semaphore(%run_scoped3A : memref<!tpu.dma_semaphore, #tpu.memory_space<semaphore_mem>>)
          %dma_wait3A_191 = arith.constant 0 : i32
          %dma_wait3A_192 = tpu.memref_slice %arg5[%arg0, %mul3A_185, %dma_wait3A_191] : memref<2x1000x128xf32, #tpu.memory_space<hbm>> -> memref<1x40x128xf32, #tpu.memory_space<hbm>>
          %dma_wait3A_193 = tpu.memref_squeeze %dma_wait3A_192 : memref<1x40x128xf32, #tpu.memory_space<hbm>> -> memref<40x128xf32, #tpu.memory_space<hbm>>
          %dma_wait3A_194 = arith.constant 0 : i32
          %dma_wait3A_195 = tpu.memref_slice %arg21[%mul3A_185, %dma_wait3A_194] : memref<1000x128xf32, #tpu.memory_space<vmem_shared>> -> memref<40x128xf32, #tpu.memory_space<vmem_shared>>
          tpu.wait_dma2 semaphore(%run_scoped3A : memref<!tpu.dma_semaphore, #tpu.memory_space<semaphore_mem>>) src(%dma_wait3A_195 : memref<40x128xf32, #tpu.memory_space<vmem_shared>>) dst(%dma_wait3A_193 : memref<40x128xf32, #tpu.memory_space<hbm>>)
          tpu.yield
        }) : () -> ()
      } else {
      }
    }
    %scan3A_170 = arith.constant 2 : i32
    %eq3A = arith.constant 0 : i32
    %eq3A_171 = arith.cmpi eq, %arg1, %eq3A : i32
    %convert_element_type3A_172 = arith.extui %eq3A_171 : i1 to i32
    %cond3A_173 = arith.constant 0 : i32
    %cond3A_174 = arith.cmpi ne, %convert_element_type3A_172, %cond3A_173 : i32
    scf.if %cond3A_174 {
      %mul3A_175 = arith.constant 1024 : i32
      %mul3A_176 = arith.muli %arg0, %mul3A_175 : i32
      "tpu.region"() ({
        %run_scoped3A = tpu.sem_alloc : memref<!tpu.dma_semaphore, #tpu.memory_space<semaphore_mem>>
        %dma_start3A_177 = tpu.memref_slice %arg6[%mul3A_176] : memref<2048xf32, #tpu.memory_space<hbm>> -> memref<1024xf32, #tpu.memory_space<hbm>>
        tpu.enqueue_dma source(%arg22 : memref<1024xf32, #tpu.memory_space<vmem_shared>>) target(%dma_start3A_177 : memref<1024xf32, #tpu.memory_space<hbm>>) target_semaphore(%run_scoped3A : memref<!tpu.dma_semaphore, #tpu.memory_space<semaphore_mem>>)
        %dma_wait3A_178 = tpu.memref_slice %arg6[%mul3A_176] : memref<2048xf32, #tpu.memory_space<hbm>> -> memref<1024xf32, #tpu.memory_space<hbm>>
        tpu.wait_dma2 semaphore(%run_scoped3A : memref<!tpu.dma_semaphore, #tpu.memory_space<semaphore_mem>>) src(%arg22 : memref<1024xf32, #tpu.memory_space<vmem_shared>>) dst(%dma_wait3A_178 : memref<1024xf32, #tpu.memory_space<hbm>>)
        tpu.yield
      }) : () -> ()
    } else {
    }
    return
  }
}

module attributes {stable_mosaic.version = 14 : i64} {
  func.func @body(%arg0: i32, %arg1: memref<5000x128xf32, #tpu.memory_space<vmem>>, %arg2: memref<128x128xf32, #tpu.memory_space<vmem>>, %arg3: memref<1x128xf32, #tpu.memory_space<vmem>>, %arg4: memref<5000x128xf32, #tpu.memory_space<vmem>>) attributes {dimension_semantics = [#tpu.dimension_semantics<arbitrary>], iteration_bounds = array<i64: 1>, scalar_prefetch = 0 : i64, scratch_operands = 0 : i64, tpu.core_type = #tpu.core_type<tc>, window_params = [{transform_indices = @transform_0, window_bounds = array<i64: 5000, 128>}, {pipeline_mode = #tpu.pipeline_mode<synchronous>, transform_indices = @transform_1, window_bounds = array<i64: 128, 128>}, {pipeline_mode = #tpu.pipeline_mode<synchronous>, transform_indices = @transform_2, window_bounds = array<i64: 1, 128>}, {transform_indices = @transform_3, window_bounds = array<i64: 5000, 128>}]} {
    %get3A = arith.constant 0 : index
    %get3A_0 = arith.constant 0 : index
    %get3A_1 = vector.load %arg1[%get3A, %get3A_0] : memref<5000x128xf32, #tpu.memory_space<vmem>>, vector<5000x128xf32>
    %get3A_2 = arith.constant 0 : index
    %get3A_3 = arith.constant 0 : index
    %get3A_4 = vector.load %arg2[%get3A_2, %get3A_3] : memref<128x128xf32, #tpu.memory_space<vmem>>, vector<128x128xf32>
    %dot_general3A = arith.constant dense<0.000000e+00> : vector<5000x128xf32>
    %dot_general3A_5 = tpu.matmul %get3A_1, %get3A_4, %dot_general3A {dimension_numbers = #tpu.dot_dimension_numbers<[1], [0], [0], [1], [0, 0, 1, 1], [], []>, transpose_lhs_hint = false} : vector<5000x128xf32>, vector<128x128xf32>, vector<5000x128xf32> -> vector<5000x128xf32>
    %get3A_6 = arith.constant 0 : index
    %get3A_7 = arith.constant 0 : index
    %get3A_8 = vector.load %arg3[%get3A_6, %get3A_7] : memref<1x128xf32, #tpu.memory_space<vmem>>, vector<1x128xf32>
    %add3A = vector.broadcast %get3A_8 : vector<1x128xf32> to vector<5000x128xf32>
    %add3A_9 = arith.addf %dot_general3A_5, %add3A : vector<5000x128xf32>
    %swap3A = arith.constant 0 : index
    %swap3A_10 = arith.constant 0 : index
    %swap3A_11 = vector.load %arg4[%swap3A, %swap3A_10] : memref<5000x128xf32, #tpu.memory_space<vmem>>, vector<5000x128xf32>
    tpu.vector_store %arg4[%swap3A, %swap3A_10], %add3A_9 {strides = array<i32>} : memref<5000x128xf32, #tpu.memory_space<vmem>>, vector<5000x128xf32>,
    return
  }
  func.func @transform_0(%arg0: i32) -> (i32, i32) {
    %c0_i32 = arith.constant 0 : i32
    %c0_i32_0 = arith.constant 0 : i32
    return %arg0, %c0_i32 : i32, i32
  }
  func.func @transform_1(%arg0: i32) -> (i32, i32) {
    %c0_i32 = arith.constant 0 : i32
    %c0_i32_0 = arith.constant 0 : i32
    %c0_i32_1 = arith.constant 0 : i32
    return %c0_i32, %c0_i32_0 : i32, i32
  }
  func.func @transform_2(%arg0: i32) -> (i32, i32) {
    %c0_i32 = arith.constant 0 : i32
    %c0_i32_0 = arith.constant 0 : i32
    %c0_i32_1 = arith.constant 0 : i32
    return %c0_i32, %c0_i32_0 : i32, i32
  }
  func.func @transform_3(%arg0: i32) -> (i32, i32) {
    %c0_i32 = arith.constant 0 : i32
    %c0_i32_0 = arith.constant 0 : i32
    return %arg0, %c0_i32 : i32, i32
  }
}

module attributes {stable_mosaic.version = 14 : i64} {
  func.func @body(%arg0: i32, %arg1: memref<5000x128xf32, #tpu.memory_space<vmem>>, %arg2: memref<2x5000x128xf32, #tpu.memory_space<vmem>>, %arg3: memref<2x5000x1xf32, #tpu.memory_space<vmem>>, %arg4: memref<128x128xf32, #tpu.memory_space<vmem>>, %arg5: memref<5000x128xf32, #tpu.memory_space<vmem>>) attributes {dimension_semantics = [#tpu.dimension_semantics<arbitrary>], iteration_bounds = array<i64: 1>, scalar_prefetch = 0 : i64, scratch_operands = 0 : i64, tpu.core_type = #tpu.core_type<tc>, window_params = [{transform_indices = @transform_0, window_bounds = array<i64: 5000, 128>}, {transform_indices = @transform_1, window_bounds = array<i64: 2, 5000, 128>}, {transform_indices = @transform_2, window_bounds = array<i64: 2, 5000, 1>}, {pipeline_mode = #tpu.pipeline_mode<synchronous>, transform_indices = @transform_3, window_bounds = array<i64: 128, 128>}, {transform_indices = @transform_4, window_bounds = array<i64: 5000, 128>}]} {
    %get3A = arith.constant 0 : index
    %get3A_0 = arith.constant 0 : index
    %get3A_1 = arith.constant 0 : index
    %get3A_2 = vector.load %arg2[%get3A, %get3A_0, %get3A_1] : memref<2x5000x128xf32, #tpu.memory_space<vmem>>, vector<1x5000x128xf32>
    %get3A_3 = vector.shape_cast %get3A_2 : vector<1x5000x128xf32> to vector<5000x128xf32>
    %get3A_4 = arith.constant 1 : index
    %get3A_5 = arith.constant 0 : index
    %get3A_6 = arith.constant 0 : index
    %get3A_7 = vector.load %arg2[%get3A_4, %get3A_5, %get3A_6] : memref<2x5000x128xf32, #tpu.memory_space<vmem>>, vector<1x5000x128xf32>
    %get3A_8 = vector.shape_cast %get3A_7 : vector<1x5000x128xf32> to vector<5000x128xf32>
    %add3A = arith.addf %get3A_3, %get3A_8 : vector<5000x128xf32>
    %get3A_9 = arith.constant 0 : index
    %get3A_10 = arith.constant 0 : index
    %get3A_11 = arith.constant 0 : index
    %get3A_12 = vector.load %arg3[%get3A_9, %get3A_10, %get3A_11] : memref<2x5000x1xf32, #tpu.memory_space<vmem>>, vector<1x5000x1xf32>
    %get3A_13 = vector.shape_cast %get3A_12 : vector<1x5000x1xf32> to vector<5000x1xf32>
    %get3A_14 = arith.constant 1 : index
    %get3A_15 = arith.constant 0 : index
    %get3A_16 = arith.constant 0 : index
    %get3A_17 = vector.load %arg3[%get3A_14, %get3A_15, %get3A_16] : memref<2x5000x1xf32, #tpu.memory_space<vmem>>, vector<1x5000x1xf32>
    %get3A_18 = vector.shape_cast %get3A_17 : vector<1x5000x1xf32> to vector<5000x1xf32>
    %add3A_19 = arith.addf %get3A_13, %get3A_18 : vector<5000x1xf32>
    %max3A = arith.constant 1.000000e+00 : f32
    %max3A_20 = vector.broadcast %max3A : f32 to vector<5000x1xf32>
    %max3A_21 = arith.maximumf %add3A_19, %max3A_20 : vector<5000x1xf32>
    %div3A = vector.broadcast %max3A_21 : vector<5000x1xf32> to vector<5000x128xf32>
    %div3A_22 = arith.divf %add3A, %div3A : vector<5000x128xf32>
    %get3A_23 = arith.constant 0 : index
    %get3A_24 = arith.constant 0 : index
    %get3A_25 = vector.load %arg1[%get3A_23, %get3A_24] : memref<5000x128xf32, #tpu.memory_space<vmem>>, vector<5000x128xf32>
    %get3A_26 = arith.constant 0 : index
    %get3A_27 = arith.constant 0 : index
    %get3A_28 = vector.load %arg4[%get3A_26, %get3A_27] : memref<128x128xf32, #tpu.memory_space<vmem>>, vector<128x128xf32>
    %dot_general3A = arith.constant dense<0.000000e+00> : vector<5000x128xf32>
    %dot_general3A_29 = tpu.matmul %div3A_22, %get3A_28, %dot_general3A {dimension_numbers = #tpu.dot_dimension_numbers<[1], [0], [0], [1], [0, 0, 1, 1], [], []>, transpose_lhs_hint = false} : vector<5000x128xf32>, vector<128x128xf32>, vector<5000x128xf32> -> vector<5000x128xf32>
    %add3A_30 = arith.addf %get3A_25, %dot_general3A_29 : vector<5000x128xf32>
    %tanh3A = math.tanh %add3A_30 : vector<5000x128xf32>
    %swap3A = arith.constant 0 : index
    %swap3A_31 = arith.constant 0 : index
    %swap3A_32 = vector.load %arg5[%swap3A, %swap3A_31] : memref<5000x128xf32, #tpu.memory_space<vmem>>, vector<5000x128xf32>
    tpu.vector_store %arg5[%swap3A, %swap3A_31], %tanh3A {strides = array<i32>} : memref<5000x128xf32, #tpu.memory_space<vmem>>, vector<5000x128xf32>,
    return
  }
  func.func @transform_0(%arg0: i32) -> (i32, i32) {
    %c0_i32 = arith.constant 0 : i32
    %c0_i32_0 = arith.constant 0 : i32
    return %arg0, %c0_i32 : i32, i32
  }
  func.func @transform_1(%arg0: i32) -> (i32, i32, i32) {
    %c0_i32 = arith.constant 0 : i32
    %c0_i32_0 = arith.constant 0 : i32
    %c0_i32_1 = arith.constant 0 : i32
    return %c0_i32, %arg0, %c0_i32_0 : i32, i32, i32
  }
  func.func @transform_2(%arg0: i32) -> (i32, i32, i32) {
    %c0_i32 = arith.constant 0 : i32
    %c0_i32_0 = arith.constant 0 : i32
    %c0_i32_1 = arith.constant 0 : i32
    return %c0_i32, %arg0, %c0_i32_0 : i32, i32, i32
  }
  func.func @transform_3(%arg0: i32) -> (i32, i32) {
    %c0_i32 = arith.constant 0 : i32
    %c0_i32_0 = arith.constant 0 : i32
    %c0_i32_1 = arith.constant 0 : i32
    return %c0_i32, %c0_i32_0 : i32, i32
  }
  func.func @transform_4(%arg0: i32) -> (i32, i32) {
    %c0_i32 = arith.constant 0 : i32
    %c0_i32_0 = arith.constant 0 : i32
    return %arg0, %c0_i32 : i32, i32
  }
}

module attributes {stable_mosaic.version = 14 : i64} {
  func.func @body(%arg0: i32, %arg1: memref<1000x128xf32, #tpu.memory_space<vmem>>, %arg2: memref<128x64xf32, #tpu.memory_space<vmem>>, %arg3: memref<1x64xf32, #tpu.memory_space<vmem>>, %arg4: memref<1000x64xf32, #tpu.memory_space<vmem>>) attributes {dimension_semantics = [#tpu.dimension_semantics<arbitrary>], iteration_bounds = array<i64: 1>, scalar_prefetch = 0 : i64, scratch_operands = 0 : i64, tpu.core_type = #tpu.core_type<tc>, window_params = [{transform_indices = @transform_0, window_bounds = array<i64: 1000, 128>}, {pipeline_mode = #tpu.pipeline_mode<synchronous>, transform_indices = @transform_1, window_bounds = array<i64: 128, 64>}, {pipeline_mode = #tpu.pipeline_mode<synchronous>, transform_indices = @transform_2, window_bounds = array<i64: 1, 64>}, {transform_indices = @transform_3, window_bounds = array<i64: 1000, 64>}]} {
    %get3A = arith.constant 0 : index
    %get3A_0 = arith.constant 0 : index
    %get3A_1 = vector.load %arg1[%get3A, %get3A_0] : memref<1000x128xf32, #tpu.memory_space<vmem>>, vector<1000x128xf32>
    %get3A_2 = arith.constant 0 : index
    %get3A_3 = arith.constant 0 : index
    %get3A_4 = vector.load %arg2[%get3A_2, %get3A_3] : memref<128x64xf32, #tpu.memory_space<vmem>>, vector<128x64xf32>
    %dot_general3A = arith.constant dense<0.000000e+00> : vector<1000x64xf32>
    %dot_general3A_5 = tpu.matmul %get3A_1, %get3A_4, %dot_general3A {dimension_numbers = #tpu.dot_dimension_numbers<[1], [0], [0], [1], [0, 0, 1, 1], [], []>, transpose_lhs_hint = false} : vector<1000x128xf32>, vector<128x64xf32>, vector<1000x64xf32> -> vector<1000x64xf32>
    %get3A_6 = arith.constant 0 : index
    %get3A_7 = arith.constant 0 : index
    %get3A_8 = vector.load %arg3[%get3A_6, %get3A_7] : memref<1x64xf32, #tpu.memory_space<vmem>>, vector<1x64xf32>
    %add3A = vector.broadcast %get3A_8 : vector<1x64xf32> to vector<1000x64xf32>
    %add3A_9 = arith.addf %dot_general3A_5, %add3A : vector<1000x64xf32>
    %swap3A = arith.constant 0 : index
    %swap3A_10 = arith.constant 0 : index
    %swap3A_11 = vector.load %arg4[%swap3A, %swap3A_10] : memref<1000x64xf32, #tpu.memory_space<vmem>>, vector<1000x64xf32>
    tpu.vector_store %arg4[%swap3A, %swap3A_10], %add3A_9 {strides = array<i32>} : memref<1000x64xf32, #tpu.memory_space<vmem>>, vector<1000x64xf32>,
    return
  }
  func.func @transform_0(%arg0: i32) -> (i32, i32) {
    %c0_i32 = arith.constant 0 : i32
    %c0_i32_0 = arith.constant 0 : i32
    return %arg0, %c0_i32 : i32, i32
  }
  func.func @transform_1(%arg0: i32) -> (i32, i32) {
    %c0_i32 = arith.constant 0 : i32
    %c0_i32_0 = arith.constant 0 : i32
    %c0_i32_1 = arith.constant 0 : i32
    return %c0_i32, %c0_i32_0 : i32, i32
  }
  func.func @transform_2(%arg0: i32) -> (i32, i32) {
    %c0_i32 = arith.constant 0 : i32
    %c0_i32_0 = arith.constant 0 : i32
    %c0_i32_1 = arith.constant 0 : i32
    return %c0_i32, %c0_i32_0 : i32, i32
  }
  func.func @transform_3(%arg0: i32) -> (i32, i32) {
    %c0_i32 = arith.constant 0 : i32
    %c0_i32_0 = arith.constant 0 : i32
    return %arg0, %c0_i32 : i32, i32
  }
}

module attributes {stable_mosaic.version = 14 : i64} {
  func.func @body(%arg0: i32, %arg1: memref<1000x64xf32, #tpu.memory_space<vmem>>, %arg2: memref<2x1000x128xf32, #tpu.memory_space<vmem>>, %arg3: memref<2x1000x1xf32, #tpu.memory_space<vmem>>, %arg4: memref<128x64xf32, #tpu.memory_space<vmem>>, %arg5: memref<1000x64xf32, #tpu.memory_space<vmem>>) attributes {dimension_semantics = [#tpu.dimension_semantics<arbitrary>], iteration_bounds = array<i64: 1>, scalar_prefetch = 0 : i64, scratch_operands = 0 : i64, tpu.core_type = #tpu.core_type<tc>, window_params = [{transform_indices = @transform_0, window_bounds = array<i64: 1000, 64>}, {transform_indices = @transform_1, window_bounds = array<i64: 2, 1000, 128>}, {transform_indices = @transform_2, window_bounds = array<i64: 2, 1000, 1>}, {pipeline_mode = #tpu.pipeline_mode<synchronous>, transform_indices = @transform_3, window_bounds = array<i64: 128, 64>}, {transform_indices = @transform_4, window_bounds = array<i64: 1000, 64>}]} {
    %get3A = arith.constant 0 : index
    %get3A_0 = arith.constant 0 : index
    %get3A_1 = arith.constant 0 : index
    %get3A_2 = vector.load %arg2[%get3A, %get3A_0, %get3A_1] : memref<2x1000x128xf32, #tpu.memory_space<vmem>>, vector<1x1000x128xf32>
    %get3A_3 = vector.shape_cast %get3A_2 : vector<1x1000x128xf32> to vector<1000x128xf32>
    %get3A_4 = arith.constant 1 : index
    %get3A_5 = arith.constant 0 : index
    %get3A_6 = arith.constant 0 : index
    %get3A_7 = vector.load %arg2[%get3A_4, %get3A_5, %get3A_6] : memref<2x1000x128xf32, #tpu.memory_space<vmem>>, vector<1x1000x128xf32>
    %get3A_8 = vector.shape_cast %get3A_7 : vector<1x1000x128xf32> to vector<1000x128xf32>
    %add3A = arith.addf %get3A_3, %get3A_8 : vector<1000x128xf32>
    %get3A_9 = arith.constant 0 : index
    %get3A_10 = arith.constant 0 : index
    %get3A_11 = arith.constant 0 : index
    %get3A_12 = vector.load %arg3[%get3A_9, %get3A_10, %get3A_11] : memref<2x1000x1xf32, #tpu.memory_space<vmem>>, vector<1x1000x1xf32>
    %get3A_13 = vector.shape_cast %get3A_12 : vector<1x1000x1xf32> to vector<1000x1xf32>
    %get3A_14 = arith.constant 1 : index
    %get3A_15 = arith.constant 0 : index
    %get3A_16 = arith.constant 0 : index
    %get3A_17 = vector.load %arg3[%get3A_14, %get3A_15, %get3A_16] : memref<2x1000x1xf32, #tpu.memory_space<vmem>>, vector<1x1000x1xf32>
    %get3A_18 = vector.shape_cast %get3A_17 : vector<1x1000x1xf32> to vector<1000x1xf32>
    %add3A_19 = arith.addf %get3A_13, %get3A_18 : vector<1000x1xf32>
    %max3A = arith.constant 1.000000e+00 : f32
    %max3A_20 = vector.broadcast %max3A : f32 to vector<1000x1xf32>
    %max3A_21 = arith.maximumf %add3A_19, %max3A_20 : vector<1000x1xf32>
    %div3A = vector.broadcast %max3A_21 : vector<1000x1xf32> to vector<1000x128xf32>
    %div3A_22 = arith.divf %add3A, %div3A : vector<1000x128xf32>
    %get3A_23 = arith.constant 0 : index
    %get3A_24 = arith.constant 0 : index
    %get3A_25 = vector.load %arg1[%get3A_23, %get3A_24] : memref<1000x64xf32, #tpu.memory_space<vmem>>, vector<1000x64xf32>
    %get3A_26 = arith.constant 0 : index
    %get3A_27 = arith.constant 0 : index
    %get3A_28 = vector.load %arg4[%get3A_26, %get3A_27] : memref<128x64xf32, #tpu.memory_space<vmem>>, vector<128x64xf32>
    %dot_general3A = arith.constant dense<0.000000e+00> : vector<1000x64xf32>
    %dot_general3A_29 = tpu.matmul %div3A_22, %get3A_28, %dot_general3A {dimension_numbers = #tpu.dot_dimension_numbers<[1], [0], [0], [1], [0, 0, 1, 1], [], []>, transpose_lhs_hint = false} : vector<1000x128xf32>, vector<128x64xf32>, vector<1000x64xf32> -> vector<1000x64xf32>
    %add3A_30 = arith.addf %get3A_25, %dot_general3A_29 : vector<1000x64xf32>
    %swap3A = arith.constant 0 : index
    %swap3A_31 = arith.constant 0 : index
    %swap3A_32 = vector.load %arg5[%swap3A, %swap3A_31] : memref<1000x64xf32, #tpu.memory_space<vmem>>, vector<1000x64xf32>
    tpu.vector_store %arg5[%swap3A, %swap3A_31], %add3A_30 {strides = array<i32>} : memref<1000x64xf32, #tpu.memory_space<vmem>>, vector<1000x64xf32>,
    return
  }
  func.func @transform_0(%arg0: i32) -> (i32, i32) {
    %c0_i32 = arith.constant 0 : i32
    %c0_i32_0 = arith.constant 0 : i32
    return %arg0, %c0_i32 : i32, i32
  }
  func.func @transform_1(%arg0: i32) -> (i32, i32, i32) {
    %c0_i32 = arith.constant 0 : i32
    %c0_i32_0 = arith.constant 0 : i32
    %c0_i32_1 = arith.constant 0 : i32
    return %c0_i32, %arg0, %c0_i32_0 : i32, i32, i32
  }
  func.func @transform_2(%arg0: i32) -> (i32, i32, i32) {
    %c0_i32 = arith.constant 0 : i32
    %c0_i32_0 = arith.constant 0 : i32
    %c0_i32_1 = arith.constant 0 : i32
    return %c0_i32, %arg0, %c0_i32_0 : i32, i32, i32
  }
  func.func @transform_3(%arg0: i32) -> (i32, i32) {
    %c0_i32 = arith.constant 0 : i32
    %c0_i32_0 = arith.constant 0 : i32
    %c0_i32_1 = arith.constant 0 : i32
    return %c0_i32, %c0_i32_0 : i32, i32
  }
  func.func @transform_4(%arg0: i32) -> (i32, i32) {
    %c0_i32 = arith.constant 0 : i32
    %c0_i32_0 = arith.constant 0 : i32
    return %arg0, %c0_i32 : i32, i32
  }
}

</mosaic_0001>

<sc_bundles>
// kernel: kernel.11.cloned.1.call-start
scs
__scs_entry_jumppad:
0x0: {  	(pc) =	sbr.rel $0x88, $3  }
0x1: {  	(tag) =	ssettag $0x0;
	lr =	simm.s32 $0x1  }
0x2: {  	[smem:$0x3F96] =	sst lr;
	_ =	strace $0xD0000000  }
0x3: {  	_ = 	snop  }
0x4: {  	_ = 	snop  }
0x5: {  	_ = 	snop  }
0x6: {  	_ = 	snop  }
0x7: {  	_ = 	snop  }
__scs_overlays_trampoline_lowered:
0x8: {  	[smem:$0x3FA5] =	sst s0  }
0x9: {  	[smem:$0x3FA6] =	sst s1  }
0xa: {  	[smem:$0x3FA7] =	sst s2  }
0xb: {  	[smem:$0x3FA8] =	sst s3  }
0xc: {  	[smem:$0x3FA9] =	sst s4  }
0xd: {  	[smem:$0x3FAA] =	sst s5  }
0xe: {  	[smem:$0x3FAB] =	sst s6  }
0xf: {  	[smem:$0x3FAC] =	sst s7  }
0x10: {  	[smem:$0x3FAD] =	sst s8  }
0x11: {  	[smem:$0x3FAE] =	sst s9;
	s0 =	simm.s32 @!p0 $0x0  }
0x12: {  	s1 =	sld [smem:$0x3F94];
	s0 =	simm.s32 @p0 $0x1  }
0x13: {  	[smem:$0x3FAF] =	sst s0;
	s0 =	simm.s32 @!p1 $0x0  }
0x14: {  	s2 =	sld [smem:$0x3F93];
	s0 =	simm.s32 @p1 $0x1  }
0x15: {  	[smem:$0x3FB0] =	sst s0;
	s0 =	simm.s32 @!p2 $0x0  }
0x16: {  	s3 =	sld [smem:$0x3FDB];
	s0 =	simm.s32 @p2 $0x1  }
0x17: {  	s4 =	simm.s32 $0x1BF5;
	[smem:$0x3FB2] =	sst s0  }
0x18: {  	s0 =	sld [smem:$0x3F95];
	_ =	swait.ge [sflag:s4], $0x0  }
0x19: {  	s7 =	sld [smem:$0x3F96]  }
0x1a: {  	s8 =	sadd.s32 $0xFFFFE003, lr  }
0x1b: {  	s9 =	sadd.s32 $0xFFFFFEF7, lr;
	s5 =	simm.s32 $0xFFFFFFFF;
	p2 =	slt.u32 s8, $0xFFFFF086  }
0x1c: {  	p1 =	slt.u32 s9, $0xF7A;
	s5 =	simm.s32 @!p2 $0x0  }
0x1d: {  	s5 =	simm.s32 @p1 $0x1;
	p0 =	seq.s32 s7, s2  }
0x1e: {  	s7 =	smul.u32 @!p0 $0xF7A, s2;
	p2 =	seq.s32 @!p0 s5, $0x0  }
0x1f: {  	s9 =	smul.u32 $0xF7A, s1;
	s8 =	simm.s32 @!p0 $0x1BF5;
	p2 =	por !p2, p0  }
0x20: {  	[sflag:s8] =	ssyncset.s32 @!p0 $0xFFFFF086;
	s6 =	sadd.s32 @!p0 s3, s7;
	s7 =	simm.s32 @!p0 $0x108  }
0x21: {  	s3 =	sadd.s32 s3, s9;
	s6 =	sadd.s32 @!p0 $0x88, s6;
	s7 =	simm.s32 @p2 $0x1082  }
0x22: {  	[simem:s7], [sflag:s8] =	dma.local @!p0 [hbm:s6], $0xF7A  }
0x23: {  	s9 =	sor.u32 $0xD0000000, s2;
	s6 =	simm.s32 $0x108;
	_ =	swait.ge @!p0 [sflag:s8], $0x0  }
0x24: {  	s3 =	sadd.s32 $0x88, s3;
	s6 =	simm.s32 @!p1 $0x1082;
	[sflag:s4] =	ssyncset.s32 $0xFFFFF086  }
0x25: {  	[simem:s6], [sflag:s4] =	dma.local [hbm:s3], $0xF7A  }
0x26: {  	[smem:$0x3F96] =	sst s1;
	(tag) =	ssettag s2;
	_ =	strace s9  }
0x27: {  	s1 =	sld [smem:$0x3FA6]  }
0x28: {  	s2 =	sld [smem:$0x3FA7]  }
0x29: {  	s4 =	sld [smem:$0x3FA9]  }
0x2a: {  	p0 =	seq.s32 s5, $0x0;
	s5 =	sld [smem:$0x3FAA]  }
0x2b: {  	s6 =	sld [smem:$0x3FAB]  }
0x2c: {  	s7 =	sld [smem:$0x3FAC]  }
0x2d: {  	s3 =	simm.s32 $0x108;
	s8 =	sld [smem:$0x3FAD]  }
0x2e: {  	s3 =	simm.s32 @!p0 $0x1082;
	s9 =	sld [smem:$0x3FAE]  }
0x2f: {  	lr =	sadd.s32 s0, s3;
	s0 =	sld [smem:$0x3FA5]  }
0x30: {  	s3 =	sld [smem:$0x3FA8]  }
0x31: {  	[smem:$0x3FB1] =	sst s10  }
0x32: {  	s10 =	sld [smem:$0x3FAF];
	_ =	sdelay $0x3  }
0x33: {  	p0 =	seq.s32 s10, $0x1;
	s10 =	sld [smem:$0x3FB1];
	_ =	sdelay $0x3  }
0x34: {  	[smem:$0x3FB1] =	sst s10  }
0x35: {  	s10 =	sld [smem:$0x3FB0];
	_ =	sdelay $0x3  }
0x36: {  	p1 =	seq.s32 s10, $0x1;
	s10 =	sld [smem:$0x3FB1];
	_ =	sdelay $0x3  }
0x37: {  	[smem:$0x3FB1] =	sst s10  }
0x38: {  	s10 =	sld [smem:$0x3FB2]  }
0x39: {  	_ = 	snop;
	(pc) =	sbr.ind lr, $3  }
0x3a: {  	_ = 	snop  }
0x3b: {  	_ = 	snop  }
0x3c: {  	p2 =	seq.s32 s10, $0x1;
	s10 =	sld [smem:$0x3FB1]  }
0x3d: {  	_ =	shalt  }
0x3e: {  	_ =	shalt  }
0x3f: {  	_ =	shalt  }
0x40: {  	_ =	shalt  }
0x41: {  	_ =	shalt  }
0x42: {  	_ =	shalt  }
0x43: {  	_ =	shalt  }
0x44: {  	_ =	shalt  }
0x45: {  	_ =	shalt  }
0x46: {  	_ =	shalt  }
0x47: {  	_ =	shalt  }
0x48: {  	_ =	shalt  }
0x49: {  	_ =	shalt  }
0x4a: {  	_ =	shalt  }
0x4b: {  	_ =	shalt  }
0x4c: {  	_ =	shalt  }
0x4d: {  	_ =	shalt  }
0x4e: {  	_ =	shalt  }
0x4f: {  	_ =	shalt  }
0x50: {  	_ =	shalt  }
0x51: {  	_ =	shalt  }
0x52: {  	_ =	shalt  }
0x53: {  	_ =	shalt  }
0x54: {  	_ =	shalt  }
0x55: {  	_ =	shalt  }
0x56: {  	_ =	shalt  }
0x57: {  	_ =	shalt  }
0x58: {  	_ =	shalt  }
0x59: {  	_ =	shalt  }
0x5a: {  	_ =	shalt  }
0x5b: {  	_ =	shalt  }
0x5c: {  	_ =	shalt  }
0x5d: {  	_ =	shalt  }
0x5e: {  	_ =	shalt  }
0x5f: {  	_ =	shalt  }
0x60: {  	_ =	shalt  }
0x61: {  	_ =	shalt  }
0x62: {  	_ =	shalt  }
0x63: {  	_ =	shalt  }
0x64: {  	_ =	shalt  }
0x65: {  	_ =	shalt  }
0x66: {  	_ =	shalt  }
0x67: {  	_ =	shalt  }
0x68: {  	_ =	shalt  }
0x69: {  	_ =	shalt  }
0x6a: {  	_ =	shalt  }
0x6b: {  	_ =	shalt  }
0x6c: {  	_ =	shalt  }
0x6d: {  	_ =	shalt  }
0x6e: {  	_ =	shalt  }
0x6f: {  	_ =	shalt  }
0x70: {  	_ =	shalt  }
0x71: {  	_ =	shalt  }
0x72: {  	_ =	shalt  }
0x73: {  	_ =	shalt  }
0x74: {  	_ =	shalt  }
0x75: {  	_ =	shalt  }
0x76: {  	_ =	shalt  }
0x77: {  	_ =	shalt  }
0x78: {  	_ =	shalt  }
0x79: {  	_ =	shalt  }
0x7a: {  	_ =	shalt  }
0x7b: {  	_ =	shalt  }
0x7c: {  	_ =	shalt  }
0x7d: {  	_ =	shalt  }
0x7e: {  	_ =	shalt  }
0x7f: {  	_ =	shalt  }
0x80: {  	_ =	shalt  }
0x81: {  	_ =	shalt  }
0x82: {  	_ =	shalt  }
0x83: {  	_ =	shalt  }
0x84: {  	_ =	shalt  }
0x85: {  	_ =	shalt  }
0x86: {  	_ =	shalt  }
0x87: {  	_ =	shalt  }
.Lfunc_end0:
.L_simem_size_0:
called_computation.1_lowered:
.L_overlay_start_0:
0x88: {  	s2 =	sld [smem:$0x3FD9]  }
0x89: {  	s3 =	sld [smem:$0x3FFE];
	_ =	sdelay $0x1  }
0x8a: {  	s1 =	srdreg.scid  }
0x8b: {  	s0 =	sand.u32 $0x1, s1  }
0x8c: {  	s17 =	sshll.u32 s0, $0xA;
	s2 =	sadd.s32 s3, s2  }
0x8d: {  	s2 =	sadd.s32 s2, s17  }
0x8e: {  	[smem:$0x3FBD] =	sst s2  }
0x8f: {  	_ = 	snop  }
0x90: {  	s2 =	sld [smem:$0x3FC6]  }
0x91: {  	s18 =	sld [smem:$0x3FC5]  }
0x92: {  	s4 =	sld [smem:$0x3FD0];
	(tm) =	ssettm $0x1  }
0x93: {  	s5 =	sld [smem:$0x3FFB];
	_ =	sdelay $0x3  }
0x94: {  	_ =	strace s5  }
0x95: {  	s5 =	sld [smem:$0x3FFC];
	_ =	sdelay $0x3  }
0x96: {  	_ =	strace s5  }
0x97: {  	s5 =	sld [smem:$0x3FFD];
	_ =	sdelay $0x3  }
0x98: {  	_ =	strace s5  }
0x99: {  	_ =	strace $0x8FFFFFFF  }
0x9a: {  	s19 =	sld [smem:$0x3FDB];
	_ =	sdelay $0x1  }
0x9b: {  	s6 =	simm.s32 $_scs_section_size  }
0x9c: {  	s7 =	simm.s32 $_size__tile_overlayer_lowered;
	s8 =	simm.s32 $_tile_overlayer_lowered  }
0x9d: {  	s22 =	simm.s32 $0x1BFF;
	s21 =	sshll.u32 s8, $0x1;
	s5 =	sadd.s32 s6, s19  }
0x9e: {  	s9 =	simm.s32 $0x0;
	s20 =	sshll.u32 s7, $0x1;
	s7 =	sadd.s32 s21, s5  }
0x9f: {  	[timem:s9], [sflag:s22] =	dma.local [hbm:s7], s20  }
0xa0: {  	_ =	swait.ge [sflag:s22], s20  }
0xa1: {  	s6 =	ssub.s32 $0x0, s20;
	[sflag:s22] =	ssyncset.done $0x0  }
0xa2: {  	[sflag:s22] =	ssyncadd.s32 s6;
	_ =	sdelay $0x1  }
0xa3: {  	s23 =	simm.s32 $0x1B8B  }
0xa4: {  	_ =	swait.ge [sflag:s23], $0x1  }
0xa5: {  	[sflag:s23] =	ssyncset.done $0x0  }
0xa6: {  	s25 =	simm.s32 $0x1B8E;
	s24 =	sld [smem:$0x3FFE];
	[sflag:s23] =	ssyncadd.s32 $0xFFFFFFFF  }
0xa7: {  	s26 =	simm.s32 $execute0_lowered;
	[smem:$0x3FD2] =	sst s25  }
0xa8: {  	s7 =	sshll.u32 s26, $0x1;
	_ =	strace $0x80000049;
	[dreg:$0x1] =	wrdreg $0xFFFFFFFF  }
0xa9: {  	s28 =	simm.s32 $_size_execute0_lowered;
	s5 =	sadd.s32 s5, s7;
	[dreg:$0x0] =	wrdreg $0x0  }
0xaa: {  	s7 =	sshll.u32 s28, $0x1;
	[dreg:$0x2] =	wrdreg s5  }
0xab: {  	[dreg:$0x3] =	wrdreg s7  }
0xac: {  	[dreg:$0x4] =	wrdreg $0xC0  }
0xad: {  	_ =	task [dreg:s9], $0x5FFFF  }
0xae: {  	[dreg:$0x1] =	wrdreg $0xFFFFFFFF  }
0xaf: {  	[dreg:$0x0] =	wrdreg $0x60  }
0xb0: {  	[dreg:$0x2] =	wrdreg s24  }
0xb1: {  	[dreg:$0x3] =	wrdreg s2  }
0xb2: {  	[dreg:$0x4] =	wrdreg s18  }
0xb3: {  	[dreg:$0x5] =	wrdreg s4  }
0xb4: {  	[dreg:$0x6] =	wrdreg $0x1D1000  }
0xb5: {  	[dreg:$0x7] =	wrdreg $0x1F0400  }
0xb6: {  	[dreg:$0x8] =	wrdreg $0x9  }
0xb7: {  	_ =	task.clear_ibuf [dreg:s9], $0x9FFFF;
	_ =	strace $0x90000049  }
0xb8: {  	s29 =	simm.s32 $0x9;
	_ =	strace $0x8000004B  }
0xb9: {  	_ =	swait.ge [sflag:s29], $0x1  }
0xba: {  	[sflag:s29] =	ssyncadd.s32 $0xFFFFFFFF  }
0xbb: {  	_ =	strace $0x9000004B  }
0xbc: {  	_ =	sfence  }
0xbd: {  	s30 =	sld [smem:$0x0];
	_ =	sdelay $0x2  }
0xbe: {  	s31 =	sshll.u32 s1, $0xD;
	s1 =	sshrl.u32 s1, $0x2  }
0xbf: {  	s3 =	sand.u32 $0x4000, s31;
	s1 =	sadd.s32 s1, s30  }
0xc0: {  	s0 =	sor.u32 s3, s0;
	s1 =	sshll.u32 s1, $0x11  }
0xc1: {  	s0 =	sor.u32 s1, s0  }
0xc2: {  	s0 =	sadd.s32 $0x8F2B, s0  }
0xc3: {  	[sflag:s0] =	ssyncadd.remote.s32 $0x1  }
0xc4: {  	_ =	sfence.sel $0xFFFF  }
0xc5: {  	[dreg:$0x0] =	wrdreg $0xFFFFFFFF;
	(pc) =	sbr.abs _section_cstart, $3  }
0xc6: {  	[dreg:$0x1] =	wrdreg $0xFFFFFFFF  }
0xc7: {  	_ =	task.clear_ibuf [dreg:s9], $0x2FFFF;
	_ =	strace $0x9FFFFFFF  }
0xc8: {  	(tm) =	ssettm $0x7FFFFFFF  }
0xc9: {  	_ =	shalt  }
tec
execute0_lowered:
.L_overlay_start_1:
0x0: {  	(tag) =	ssettag $0x1  }
0x1: {  	s0 =	rddreg [dreg:$0x0]  }
0x2: {  	s1 =	rddreg [dreg:$0x1]  }
0x3: {  	s6 =	rddreg [dreg:$0x2]  }
0x4: {  	s7 =	rddreg [dreg:$0x3]  }
0x5: {  	s3 =	srdreg.scid;
	s2 =	rddreg [dreg:$0x4]  }
0x6: {  	s16 =	stileid.u32;
	s4 =	simm.s32 $0x0;
	s28 =	simm.s32 $0xF  }
0x7: {  	s30 =	simm.s32 $0xA;
	s8 =	sand.u32 $0x1, s3;
	s3 =	rddreg [dreg:$0x5]  }
0x8: {  	s31 =	simm.s32 $0x11;
	[smem:$0x7FF] =	sst s4;
	s13 =	smul.u32 $0x5000, s16  }
0x9: {  	s12 =	sshll.u32 s16, $0x7;
	s20 =	smul.u32 $0x1400, s16;
	s5 =	sshll.u32 s8, $0x4  }
0xa: {  	s9 =	ssub.s32 $0x2, s8;
	_ =	strace $0x8000004A;
	s17 =	smul.u32 $0x1F400, s8  }
0xb: {  	s12 =	sadd.s32 s12, s3;
	s21 =	sshll.u32 s8, $0x7;
	s8 =	simm.s32 $0x13  }
0xc: {  	s5 =	sor.u32 s16, s5;
	s11 =	sshrl.u32 s9, $0x1;
	[dreg:$0x9] =	wrdreg s12  }
0xd: {  	s22 =	sshrl.u32 s13, $0x2;
	s12 =	simm.s32 $0x18780;
	s10 =	smul.u32 $0x3E8, s5  }
0xe: {  	s5 =	sadd.s32 $0x2600, s0;
	s0 =	sadd.s32 $0x16000, s0;
	s9 =	ssub.s32 s9, s11  }
0xf: {  	s13 =	sadd.s32 s22, s2;
	s24 =	smax.u32 s9, $0x1;
	s10 =	sshrl.u32 s10, $0x3  }
0x10: {  	s22 =	simm.s32 $0x9;
	[dreg:$0xd] =	wrdreg s24;
	s14 =	sadd.s32 s1, s10  }
0x11: {  	s9 =	simm.s32 $0x7;
	s15 =	sadd.s32 s6, s10;
	[dreg:$0x7] =	wrdreg s14  }
0x12: {  	s24 =	simm.s32 $0x1;
	s10 =	sadd.s32 $0x70, s10;
	[dreg:$0x8] =	wrdreg s15  }
0x13: {  	s15 =	sor.u32 $0x10, s16;
	s1 =	sadd.s32 s1, s10;
	s19 =	sadd.s32 s6, s10  }
0x14: {  	s6 =	sadd.s32 s7, s21;
	s18 =	smul.u32 $0x5000, s15;
	[dreg:$0xa] =	wrdreg s1  }
0x15: {  	s10 =	simm.s32 $0xD;
	[dreg:$0xb] =	wrdreg s19;
	s23 =	smul.u32 $0x1400, s15  }
0x16: {  	[dreg:$0xc] =	wrdreg s6;
	s1 =	sadd.s32 s17, s20;
	p0 =	sgt.u32 s15, $0x18  }
0x17: {  	s20 =	simm.s32 $0x80;
	s15 =	simm.s32 $0x8;
	s6 =	simm.s32 $0x12  }
0x18: {  	s19 =	simm.s32 $0x0;
	s1 =	sshrl.u32 s1, $0x3;
	p1 =	sgt.u32 @!p0 s16, $0x7  }
0x19: {  	p2 =	sne.s32 @!p0 s16, $0x0;
	s16 =	simm.s32 $0xE;
	s25 =	sshrl.u32 s18, $0x2  }
0x1a: {  	s26 =	sadd.s32 s17, s23;
	s1 =	sadd.s32 s0, s1;
	s18 =	simm.s32 $0x14  }
0x1b: {  	p1 =	por p1, p0;
	p2 =	por p2, p0;
	s23 =	simm.s32 $0xB  }
0x1c: {  	s17 =	simm.s32 $0x68;
	s14 =	sadd.s32 s25, s2;
	s29 =	sshrl.u32 s26, $0x3  }
0x1d: {  	[dreg:$0xe] =	wrdreg s1;
	s25 =	simm.s32 $0x1BC00;
	s0 =	sadd.s32 s0, s29  }
0x1e: {  	v0 =	vimm.f32 $0.0e+00;
	v1 =	vimm.f32 $1.000000000e+00;
	s26 =	simm.s32 $0xC;
	[dreg:$0xf] =	wrdreg s0;
	s0 =	simm.s32 $0x10  }
.LBB2_1:
0x1f: {  	s29 =	simm.s32 $0x0;
	s21 =	simm.s32 $0x200  }
.LBB2_2:
0x20: {  	p3 =	sne.s32 s21, $0x4E00;
	[tilespmem:s29+$0x1BCF0] =	vst v0  }
0x21: {  	[tilespmem:s29+$0x1BC80] =	vst v0  }
0x22: {  	[tilespmem:s29+$0x1BC90] =	vst v0  }
.Ltmp0:
0x23: {  	[tilespmem:s29+$0x1BCA0] =	vst v0;
	(pc) =	sbr.rel @p3 .LBB2_2-.Ltmp0, $4  }
0x24: {  	[tilespmem:s29+$0x1BCB0] =	vst v0  }
0x25: {  	[tilespmem:s29+$0x1BCC0] =	vst v0  }
0x26: {  	[tilespmem:s29+$0x1BCD0] =	vst v0  }
0x27: {  	[tilespmem:s29+$0x1BCE0] =	vst v0;
	s29 =	sshra.s32 s21, $0x2;
	s21 =	sadd.s32 $0x200, s21  }
0x28: {  	[tilespmem:s29+$0x1BCF0] =	vst v0  }
0x29: {  	[tilespmem:s29+$0x1BC80] =	vst v0  }
0x2a: {  	[tilespmem:s29+$0x1BC90] =	vst v0  }
0x2b: {  	[tilespmem:s29+$0x1BCA0] =	vst v0  }
0x2c: {  	[tilespmem:s29+$0x1BCB0] =	vst v0  }
0x2d: {  	[tilespmem:s29+$0x1BCC0] =	vst v0  }
0x2e: {  	[tilespmem:s29+$0x1BCD0] =	vst v0  }
0x2f: {  	[tilespmem:s29+$0x1BCE0] =	vst v0  }
0x30: {  	[tilespmem:$0x1D080] =	vst v0  }
0x31: {  	[tilespmem:$0x1D090] =	vst v0  }
0x32: {  	[tilespmem:$0x1D0A0] =	vst v0  }
0x33: {  	[tilespmem:$0x1D0B0] =	vst v0  }
0x34: {  	[tilespmem:$0x1D0C0] =	vst v0  }
0x35: {  	[tilespmem:$0x1D0D0] =	vst v0  }
0x36: {  	[tilespmem:$0x1D0E0] =	vst v0  }
0x37: {  	[tilespmem:$0x1D0F0] =	vst v0  }
0x38: {  	[tilespmem:$0x1BC00] =	vst v1  }
0x39: {  	[tilespmem:$0x1BC10] =	vst v1  }
0x3a: {  	[tilespmem:$0x1BC20] =	vst v1  }
0x3b: {  	[tilespmem:$0x1BC30] =	vst v1  }
0x3c: {  	[tilespmem:$0x1BC40] =	vst v1  }
0x3d: {  	[tilespmem:$0x1BC50] =	vst v1  }
0x3e: {  	[tilespmem:$0x1BC60] =	vst v1  }
0x3f: {  	s1 =	rddreg [dreg:$0x7];
	s7 =	simm.s32 $0x18000;
	[tilespmem:$0x1BC70] =	vst v1  }
0x40: {  	[tilespmem:s7], [sflag:$0x14] =	stream.linear.gather [hbm4b:s1+s4], $0x380, $0x38;
	[tilespmem:$0x1F080] =	vst v63  }
0x41: {  	_ =	swait.ge [sflag:s18], $0x380  }
0x42: {  	[sflag:s18] =	ssyncset.done $0x0  }
0x43: {  	s11 =	simm.s32 $0x18380;
	s29 =	rddreg [dreg:$0x8];
	[sflag:s18] =	ssyncadd.s32 $0xFFFFFC80  }
0x44: {  	[tilespmem:s11], [sflag:$0x14] =	stream.linear.gather [hbm4b:s29+s4], $0x380, $0x38;
	[tilespmem:$0x1F080] =	vst v63  }
0x45: {  	_ =	swait.ge [sflag:s18], $0x380  }
0x46: {  	[sflag:s18] =	ssyncset.done $0x0  }
0x47: {  	[sflag:s18] =	ssyncadd.s32 $0xFFFFFC80  }
0x48: {  	[tilespmem:s4], [sflag:$0x1] =	stream.indirect.gather [hbm4b:s5+s20], $0x80, s7, s20, $0xb8;
	[tilespmem:$0x1F080] =	vst v63  }
0x49: {  	s21 =	simm.s32 $0x18080;
	s7 =	simm.s32 $0x4000  }
0x4a: {  	[tilespmem:s7], [sflag:$0x2] =	stream.indirect.gather [hbm4b:s5+s20], $0x80, s21, s20, $0xb8;
	[tilespmem:$0x1F080] =	vst v63  }
0x4b: {  	s29 =	simm.s32 $0x1BC80  }
0x4c: {  	[spmem:s13] =	stream.linear.scatter [tilespmem:s29], [sflag:$0x14], $0x1400, $0x38;
	[tilespmem:$0x1F080] =	vst v63  }
0x4d: {  	_ =	swait.ge [sflag:s18], $0x1400  }
0x4e: {  	[sflag:s18] =	ssyncset.done $0x0  }
0x4f: {  	s21 =	simm.s32 @!p0 $0x1BC80;
	s29 =	simm.s32 @!p0 $0x14;
	[sflag:s18] =	ssyncadd.s32 $0xFFFFEC00  }
0x50: {  	[spmem:s14] =	stream.linear.scatter @!p0 [tilespmem:s21], [sflag:$0x14], $0x1400, $0x38;
	[tilespmem:$0x1F080] =	vst v63  }
0x51: {  	_ =	swait.ge @!p0 [sflag:s29], $0x1400  }
0x52: {  	[sflag:s29] =	ssyncset.done @!p0 $0x0  }
0x53: {  	s21 =	simm.s32 @!p1 $0x1D080;
	s1 =	rddreg [dreg:$0x9];
	[sflag:s29] =	ssyncadd.s32 @!p0 $0xFFFFEC00  }
0x54: {  	[spmem:s1] =	stream.linear.scatter @!p1 [tilespmem:s21], [sflag:$0x14], $0x80, $0x38;
	[tilespmem:$0x1F080] =	vst v63  }
0x55: {  	s21 =	simm.s32 @!p1 $0x14  }
0x56: {  	_ =	swait.ge @!p1 [sflag:s21], $0x80  }
0x57: {  	[sflag:s21] =	ssyncset.done @!p1 $0x0  }
0x58: {  	[sflag:s21] =	ssyncadd.s32 @!p1 $0xFFFFFF80  }
0x59: {  	[bflag:$0x0] =	sbarrier.arrive $0xFFFF  }
0x5a: {  	_ =	swait.ge [sflag:s24], $0x4000  }
0x5b: {  	[sflag:s24] =	ssyncset.done $0x0  }
0x5c: {  	[sflag:s24] =	ssyncadd.s32 $0xFFFFC000  }
0x5d: {  	[spmem:s2] =	stream.indirect.scatter.add.f32 [tilespmem:s4], [sflag:$0x7], $0x80, s11, s20, $0xb8;
	[tilespmem:$0x1F080] =	vst v63  }
0x5e: {  	_ = 	snop  }
0x5f: {  	[spmem:s3] =	stream.indirect.scatter.add.f32 [tilespmem:s25], [sflag:$0xD], $0x1, s11, s20, $0xb8;
	[tilespmem:$0x1F080] =	vst v63  }
0x60: {  	s21 =	simm.s32 $0x18100;
	s11 =	simm.s32 $0x8000  }
0x61: {  	[tilespmem:s11], [sflag:$0x3] =	stream.indirect.gather [hbm4b:s5+s20], $0x80, s21, s20, $0xb8;
	[tilespmem:$0x1F080] =	vst v63  }
0x62: {  	s21 =	simm.s32 $0x2  }
0x63: {  	_ =	swait.ge [sflag:s21], $0x4000  }
0x64: {  	[sflag:s21] =	ssyncset.done $0x0  }
0x65: {  	[sflag:s21] =	ssyncadd.s32 $0xFFFFC000;
	s21 =	simm.s32 $0x18400  }
0x66: {  	[spmem:s2] =	stream.indirect.scatter.add.f32 [tilespmem:s7], [sflag:$0x8], $0x80, s21, s20, $0xb8;
	[tilespmem:$0x1F080] =	vst v63  }
0x67: {  	_ = 	snop  }
0x68: {  	[spmem:s3] =	stream.indirect.scatter.add.f32 [tilespmem:s25], [sflag:$0xE], $0x1, s21, s20, $0xb8;
	[tilespmem:$0x1F080] =	vst v63  }
0x69: {  	s7 =	simm.s32 $0xC000;
	s21 =	simm.s32 $0x18180  }
0x6a: {  	[tilespmem:s7], [sflag:$0x4] =	stream.indirect.gather [hbm4b:s5+s20], $0x80, s21, s20, $0xb8;
	[tilespmem:$0x1F080] =	vst v63  }
0x6b: {  	s21 =	simm.s32 $0x3  }
0x6c: {  	_ =	swait.ge [sflag:s21], $0x4000  }
0x6d: {  	[sflag:s21] =	ssyncset.done $0x0  }
0x6e: {  	[sflag:s21] =	ssyncadd.s32 $0xFFFFC000;
	s21 =	simm.s32 $0x18480  }
0x6f: {  	[spmem:s2] =	stream.indirect.scatter.add.f32 [tilespmem:s11], [sflag:$0x9], $0x80, s21, s20, $0xb8;
	[tilespmem:$0x1F080] =	vst v63  }
0x70: {  	_ = 	snop  }
0x71: {  	[spmem:s3] =	stream.indirect.scatter.add.f32 [tilespmem:s25], [sflag:$0xF], $0x1, s21, s20, $0xb8;
	[tilespmem:$0x1F080] =	vst v63  }
0x72: {  	s11 =	simm.s32 $0x10000;
	s21 =	simm.s32 $0x18200  }
0x73: {  	[tilespmem:s11], [sflag:$0x5] =	stream.indirect.gather [hbm4b:s5+s20], $0x80, s21, s20, $0xb8;
	[tilespmem:$0x1F080] =	vst v63  }
0x74: {  	s21 =	simm.s32 $0x4  }
0x75: {  	_ =	swait.ge [sflag:s21], $0x4000  }
0x76: {  	[sflag:s21] =	ssyncset.done $0x0  }
0x77: {  	[sflag:s21] =	ssyncadd.s32 $0xFFFFC000;
	s21 =	simm.s32 $0x18500  }
0x78: {  	[spmem:s2] =	stream.indirect.scatter.add.f32 [tilespmem:s7], [sflag:$0xA], $0x80, s21, s20, $0xb8;
	[tilespmem:$0x1F080] =	vst v63  }
0x79: {  	_ = 	snop  }
0x7a: {  	[spmem:s3] =	stream.indirect.scatter.add.f32 [tilespmem:s25], [sflag:$0x10], $0x1, s21, s20, $0xb8;
	[tilespmem:$0x1F080] =	vst v63  }
0x7b: {  	s7 =	simm.s32 $0x14000;
	s21 =	simm.s32 $0x18280  }
0x7c: {  	[tilespmem:s7], [sflag:$0x6] =	stream.indirect.gather [hbm4b:s5+s20], $0x80, s21, s20, $0xb8;
	[tilespmem:$0x1F080] =	vst v63  }
0x7d: {  	s21 =	simm.s32 $0x5  }
0x7e: {  	_ =	swait.ge [sflag:s21], $0x4000  }
0x7f: {  	[sflag:s21] =	ssyncset.done $0x0  }
0x80: {  	[sflag:s21] =	ssyncadd.s32 $0xFFFFC000;
	s21 =	simm.s32 $0x18580  }
0x81: {  	[spmem:s2] =	stream.indirect.scatter.add.f32 [tilespmem:s11], [sflag:$0xB], $0x80, s21, s20, $0xb8;
	[tilespmem:$0x1F080] =	vst v63  }
0x82: {  	_ = 	snop  }
0x83: {  	[spmem:s3] =	stream.indirect.scatter.add.f32 [tilespmem:s25], [sflag:$0x11], $0x1, s21, s20, $0xb8;
	[tilespmem:$0x1F080] =	vst v63  }
0x84: {  	_ =	swait.ge [sflag:s9], $0x4000  }
0x85: {  	[sflag:s9] =	ssyncset.done $0x0  }
0x86: {  	[sflag:s9] =	ssyncadd.s32 $0xFFFFC000  }
0x87: {  	_ =	swait.ge [sflag:s10], $0x80  }
0x88: {  	[sflag:s10] =	ssyncset.done $0x0  }
0x89: {  	s11 =	simm.s32 $0x6;
	s21 =	simm.s32 $0x18300;
	[sflag:s10] =	ssyncadd.s32 $0xFFFFFF80  }
0x8a: {  	[tilespmem:s4], [sflag:$0x1] =	stream.indirect.gather [hbm4b:s5+s20], $0x80, s21, s20, $0xb8;
	[tilespmem:$0x1F080] =	vst v63  }
0x8b: {  	_ =	swait.ge [sflag:s11], $0x4000  }
0x8c: {  	[sflag:s11] =	ssyncset.done $0x0  }
0x8d: {  	s21 =	simm.s32 $0x18600;
	[sflag:s11] =	ssyncadd.s32 $0xFFFFC000  }
0x8e: {  	[spmem:s2] =	stream.indirect.scatter.add.f32 [tilespmem:s7], [sflag:$0xC], $0x80, s21, s20, $0xb8;
	[tilespmem:$0x1F080] =	vst v63  }
0x8f: {  	_ = 	snop  }
0x90: {  	[spmem:s3] =	stream.indirect.scatter.add.f32 [tilespmem:s25], [sflag:$0x12], $0x1, s21, s20, $0xb8;
	[tilespmem:$0x1F080] =	vst v63  }
0x91: {  	_ =	swait.ge [sflag:s24], $0x4000  }
0x92: {  	[sflag:s24] =	ssyncset.done $0x0  }
0x93: {  	s7 =	simm.s32 $0x18680;
	[sflag:s24] =	ssyncadd.s32 $0xFFFFC000  }
0x94: {  	[spmem:s2] =	stream.indirect.scatter.add.f32 [tilespmem:s4], [sflag:$0x7], $0x80, s7, s20, $0xb8;
	[tilespmem:$0x1F080] =	vst v63  }
0x95: {  	_ = 	snop  }
0x96: {  	[spmem:s3] =	stream.indirect.scatter.add.f32 [tilespmem:s25], [sflag:$0xD], $0x1, s7, s20, $0xb8;
	[tilespmem:$0x1F080] =	vst v63  }
0x97: {  	_ =	swait.ge [sflag:s15], $0x4000  }
0x98: {  	[sflag:s15] =	ssyncset.done $0x0  }
0x99: {  	[sflag:s15] =	ssyncadd.s32 $0xFFFFC000  }
0x9a: {  	_ =	swait.ge [sflag:s16], $0x80  }
0x9b: {  	[sflag:s16] =	ssyncset.done $0x0  }
0x9c: {  	[sflag:s16] =	ssyncadd.s32 $0xFFFFFF80  }
0x9d: {  	_ =	swait.ge [sflag:s22], $0x4000  }
0x9e: {  	[sflag:s22] =	ssyncset.done $0x0  }
0x9f: {  	[sflag:s22] =	ssyncadd.s32 $0xFFFFC000  }
0xa0: {  	_ =	swait.ge [sflag:s28], $0x80  }
0xa1: {  	[sflag:s28] =	ssyncset.done $0x0  }
0xa2: {  	[sflag:s28] =	ssyncadd.s32 $0xFFFFFF80  }
0xa3: {  	_ =	swait.ge [sflag:s30], $0x4000  }
0xa4: {  	[sflag:s30] =	ssyncset.done $0x0  }
0xa5: {  	[sflag:s30] =	ssyncadd.s32 $0xFFFFC000  }
0xa6: {  	_ =	swait.ge [sflag:s0], $0x80  }
0xa7: {  	[sflag:s0] =	ssyncset.done $0x0  }
0xa8: {  	[sflag:s0] =	ssyncadd.s32 $0xFFFFFF80  }
0xa9: {  	_ =	swait.ge [sflag:s23], $0x4000  }
0xaa: {  	[sflag:s23] =	ssyncset.done $0x0  }
0xab: {  	[sflag:s23] =	ssyncadd.s32 $0xFFFFC000  }
0xac: {  	_ =	swait.ge [sflag:s31], $0x80  }
0xad: {  	[sflag:s31] =	ssyncset.done $0x0  }
0xae: {  	[sflag:s31] =	ssyncadd.s32 $0xFFFFFF80  }
0xaf: {  	_ =	swait.ge [sflag:s26], $0x4000  }
0xb0: {  	[sflag:s26] =	ssyncset.done $0x0  }
0xb1: {  	[sflag:s26] =	ssyncadd.s32 $0xFFFFC000  }
0xb2: {  	_ =	swait.ge [sflag:s6], $0x80  }
0xb3: {  	[sflag:s6] =	ssyncset.done $0x0  }
0xb4: {  	[sflag:s6] =	ssyncadd.s32 $0xFFFFFF80  }
0xb5: {  	_ =	swait.ge [sflag:s9], $0x4000  }
0xb6: {  	[sflag:s9] =	ssyncset.done $0x0  }
0xb7: {  	[sflag:s9] =	ssyncadd.s32 $0xFFFFC000  }
0xb8: {  	_ =	swait.ge [sflag:s10], $0x80  }
0xb9: {  	[sflag:s10] =	ssyncset.done $0x0  }
0xba: {  	s7 =	simm.s32 $0x18700;
	s11 =	rddreg [dreg:$0xa];
	[sflag:s10] =	ssyncadd.s32 $0xFFFFFF80  }
0xbb: {  	[tilespmem:s7], [sflag:$0x14] =	stream.linear.gather [hbm4b:s11+s4], $0x68, $0x38;
	[tilespmem:$0x1F080] =	vst v63  }
0xbc: {  	_ =	swait.ge [sflag:s18], $0x68  }
0xbd: {  	[sflag:s18] =	ssyncset.done $0x0  }
0xbe: {  	s21 =	rddreg [dreg:$0xb];
	[sflag:s18] =	ssyncadd.s32 $0xFFFFFF98  }
0xbf: {  	[tilespmem:s12], [sflag:$0x14] =	stream.linear.gather [hbm4b:s21+s4], $0x68, $0x38;
	[tilespmem:$0x1F080] =	vst v63  }
0xc0: {  	_ =	swait.ge [sflag:s18], $0x68  }
0xc1: {  	[sflag:s18] =	ssyncset.done $0x0  }
0xc2: {  	s11 =	simm.s32 $0x18800;
	[sflag:s18] =	ssyncadd.s32 $0xFFFFFF98  }
0xc3: {  	[tilespmem:s11], [sflag:$0x13] =	stream.indirect.gather [hbm4b:s5+s17], $0x80, s7, s17, $0xb8;
	[tilespmem:$0x1F080] =	vst v63  }
0xc4: {  	_ =	swait.ge [sflag:s8], $0x3400  }
0xc5: {  	[sflag:s8] =	ssyncset.done $0x0  }
0xc6: {  	[sflag:s8] =	ssyncadd.s32 $0xFFFFCC00  }
0xc7: {  	[spmem:s2] =	stream.indirect.scatter.add.f32 [tilespmem:s11], [sflag:$0x14], $0x80, s12, s17, $0xb8;
	[tilespmem:$0x1F080] =	vst v63  }
0xc8: {  	_ =	swait.ge [sflag:s18], $0x3400  }
0xc9: {  	[sflag:s18] =	ssyncset.done $0x0  }
0xca: {  	[sflag:s18] =	ssyncadd.s32 $0xFFFFCC00  }
0xcb: {  	[spmem:s3] =	stream.indirect.scatter.add.f32 [tilespmem:s25], [sflag:$0x14], $0x1, s12, s17, $0xb8;
	[tilespmem:$0x1F080] =	vst v63  }
0xcc: {  	_ =	swait.ge [sflag:s18], $0x68  }
0xcd: {  	[sflag:s18] =	ssyncset.done $0x0  }
0xce: {  	s21 =	stileid.u32;
	[sflag:s18] =	ssyncadd.s32 $0xFFFFFF98  }
0xcf: {  	s1 =	sshll.u32 s21, $0x6;
	[bflag:$0x0] =	sbarrier.arrive $0xFFFF  }
0xd0: {  	s21 =	sor.u32 $0x1C14, s1;
	s7 =	sshrl.u32 s13, $0x3;
	s11 =	rddreg [dreg:$0xe]  }
0xd1: {  	[hbm:s11], [sflag:s21] =	dma.local [spmem:s7], $0x280  }
0xd2: {  	_ =	swait.ge [sflag:s18], $0x280  }
0xd3: {  	[sflag:s18] =	ssyncset.done $0x0  }
0xd4: {  	s1 =	sshrl.u32 @!p0 s14, $0x3;
	s7 =	rddreg [dreg:$0xf];
	[sflag:s18] =	ssyncadd.s32 $0xFFFFFD80  }
0xd5: {  	[hbm:s7], [sflag:s21] =	dma.local @!p0 [spmem:s1], $0x280  }
0xd6: {  	_ =	swait.ge @!p0 [sflag:s29], $0x280  }
0xd7: {  	s1 =	sshrl.u32 @!p2 s3, $0x3;
	[sflag:s29] =	ssyncset.done @!p0 $0x0  }
0xd8: {  	s21 =	simm.s32 @!p2 $0x1C14;
	[sflag:s29] =	ssyncadd.s32 @!p0 $0xFFFFFD80;
	s29 =	rddreg [dreg:$0xc]  }
0xd9: {  	[hbm:s29], [sflag:s21] =	dma.local @!p2 [spmem:s1], $0x80  }
0xda: {  	s1 =	simm.s32 @!p2 $0x14  }
0xdb: {  	_ =	swait.ge @!p2 [sflag:s1], $0x80  }
0xdc: {  	s19 =	sadd.s32 $0x1, s19;
	s29 =	rddreg [dreg:$0xd]  }
0xdd: {  	p3 =	sne.s32 s19, s29  }
.Ltmp1:
0xde: {  	_ = 	snop;
	(pc) =	sbr.rel @p3 .LBB2_1-.Ltmp1, $3  }
0xdf: {  	_ =	sdelay $0x1  }
0xe0: {  	[sflag:s1] =	ssyncset.done @!p2 $0x0  }
0xe1: {  	[sflag:s1] =	ssyncadd.s32 @!p2 $0xFFFFFF80  }
0xe2: {  	_ =	sfence.sel $0x180000  }
0xe3: {  	[bflag:$0x0] =	sbarrier.arrive $0xFFFF  }
0xe4: {  	_ =	strace $0x9000004A  }
0xe5: {  	s0 =	stileid.u32;
	[bflag:$0x2] =	sbarrier.arrive $0xFFFF  }
0xe6: {  	p0 =	sne.s32 s0, $0x0;
	s0 =	rddreg [dreg:$0x6]  }
0xe7: {  	s0 =	sadd.s32 @!p0 $0x100000, s0  }
0xe8: {  	[sflag:s0] =	ssyncadd.tile.s32 @!p0 $0x1;
	_ =	shalt  }
.Lfunc_end2:
_tile_overlayer_lowered:
.L_overlay_start_2:
0xe9: {  	(tag) =	ssettag $0x2  }
0xea: {  	s0 =	rddreg [dreg:$0x0];
	s2 =	stileid.u32  }
0xeb: {  	s1 =	rddreg [dreg:$0x1];
	p0 =	sne.s32 s2, $0x0  }
0xec: {  	s3 =	rddreg [dreg:$0x2];
	[bflag:$0x3] =	sbarrier.arrive $0xFFFF;
	s2 =	simm.s32 @!p0 $0x1C14  }
0xed: {  	[timem:s3], [sflag:s2] =	dma.local @!p0 [hbm:s0], s1  }
0xee: {  	s0 =	simm.s32 @!p0 $0x14  }
0xef: {  	_ =	swait.ge @!p0 [sflag:s0], s1  }
0xf0: {  	s1 =	ssub.s32 @!p0 $0x0, s1;
	[sflag:s0] =	ssyncset.done @!p0 $0x0  }
0xf1: {  	[sflag:s0] =	ssyncadd.s32 @!p0 s1  }
0xf2: {  	[bflag:$0x3] =	sbarrier.arrive $0xFFFF  }
0xf3: {  	_ =	shalt  }

// kernel: kernel.8.cloned.1.call-start
scs
__scs_entry_jumppad:
0x0: {  	(pc) =	sbr.rel $0x88, $3  }
0x1: {  	(tag) =	ssettag $0x0;
	lr =	simm.s32 $0x1  }
0x2: {  	[smem:$0x3F96] =	sst lr;
	_ =	strace $0xD0000000  }
0x3: {  	_ = 	snop  }
0x4: {  	_ = 	snop  }
0x5: {  	_ = 	snop  }
0x6: {  	_ = 	snop  }
0x7: {  	_ = 	snop  }
__scs_overlays_trampoline_lowered:
0x8: {  	[smem:$0x3FA5] =	sst s0  }
0x9: {  	[smem:$0x3FA6] =	sst s1  }
0xa: {  	[smem:$0x3FA7] =	sst s2  }
0xb: {  	[smem:$0x3FA8] =	sst s3  }
0xc: {  	[smem:$0x3FA9] =	sst s4  }
0xd: {  	[smem:$0x3FAA] =	sst s5  }
0xe: {  	[smem:$0x3FAB] =	sst s6  }
0xf: {  	[smem:$0x3FAC] =	sst s7  }
0x10: {  	[smem:$0x3FAD] =	sst s8  }
0x11: {  	[smem:$0x3FAE] =	sst s9;
	s0 =	simm.s32 @!p0 $0x0  }
0x12: {  	s1 =	sld [smem:$0x3F94];
	s0 =	simm.s32 @p0 $0x1  }
0x13: {  	[smem:$0x3FAF] =	sst s0;
	s0 =	simm.s32 @!p1 $0x0  }
0x14: {  	s2 =	sld [smem:$0x3F93];
	s0 =	simm.s32 @p1 $0x1  }
0x15: {  	[smem:$0x3FB0] =	sst s0;
	s0 =	simm.s32 @!p2 $0x0  }
0x16: {  	s3 =	sld [smem:$0x3FDB];
	s0 =	simm.s32 @p2 $0x1  }
0x17: {  	s4 =	simm.s32 $0x1BF5;
	[smem:$0x3FB2] =	sst s0  }
0x18: {  	s0 =	sld [smem:$0x3F95];
	_ =	swait.ge [sflag:s4], $0x0  }
0x19: {  	s7 =	sld [smem:$0x3F96]  }
0x1a: {  	s8 =	sadd.s32 $0xFFFFE003, lr  }
0x1b: {  	s9 =	sadd.s32 $0xFFFFFEF7, lr;
	s5 =	simm.s32 $0xFFFFFFFF;
	p2 =	slt.u32 s8, $0xFFFFF086  }
0x1c: {  	p1 =	slt.u32 s9, $0xF7A;
	s5 =	simm.s32 @!p2 $0x0  }
0x1d: {  	s5 =	simm.s32 @p1 $0x1;
	p0 =	seq.s32 s7, s2  }
0x1e: {  	s7 =	smul.u32 @!p0 $0xF7A, s2;
	p2 =	seq.s32 @!p0 s5, $0x0  }
0x1f: {  	s9 =	smul.u32 $0xF7A, s1;
	s8 =	simm.s32 @!p0 $0x1BF5;
	p2 =	por !p2, p0  }
0x20: {  	[sflag:s8] =	ssyncset.s32 @!p0 $0xFFFFF086;
	s6 =	sadd.s32 @!p0 s3, s7;
	s7 =	simm.s32 @!p0 $0x108  }
0x21: {  	s3 =	sadd.s32 s3, s9;
	s6 =	sadd.s32 @!p0 $0x88, s6;
	s7 =	simm.s32 @p2 $0x1082  }
0x22: {  	[simem:s7], [sflag:s8] =	dma.local @!p0 [hbm:s6], $0xF7A  }
0x23: {  	s9 =	sor.u32 $0xD0000000, s2;
	s6 =	simm.s32 $0x108;
	_ =	swait.ge @!p0 [sflag:s8], $0x0  }
0x24: {  	s3 =	sadd.s32 $0x88, s3;
	s6 =	simm.s32 @!p1 $0x1082;
	[sflag:s4] =	ssyncset.s32 $0xFFFFF086  }
0x25: {  	[simem:s6], [sflag:s4] =	dma.local [hbm:s3], $0xF7A  }
0x26: {  	[smem:$0x3F96] =	sst s1;
	(tag) =	ssettag s2;
	_ =	strace s9  }
0x27: {  	s1 =	sld [smem:$0x3FA6]  }
0x28: {  	s2 =	sld [smem:$0x3FA7]  }
0x29: {  	s4 =	sld [smem:$0x3FA9]  }
0x2a: {  	p0 =	seq.s32 s5, $0x0;
	s5 =	sld [smem:$0x3FAA]  }
0x2b: {  	s6 =	sld [smem:$0x3FAB]  }
0x2c: {  	s7 =	sld [smem:$0x3FAC]  }
0x2d: {  	s3 =	simm.s32 $0x108;
	s8 =	sld [smem:$0x3FAD]  }
0x2e: {  	s3 =	simm.s32 @!p0 $0x1082;
	s9 =	sld [smem:$0x3FAE]  }
0x2f: {  	lr =	sadd.s32 s0, s3;
	s0 =	sld [smem:$0x3FA5]  }
0x30: {  	s3 =	sld [smem:$0x3FA8]  }
0x31: {  	[smem:$0x3FB1] =	sst s10  }
0x32: {  	s10 =	sld [smem:$0x3FAF];
	_ =	sdelay $0x3  }
0x33: {  	p0 =	seq.s32 s10, $0x1;
	s10 =	sld [smem:$0x3FB1];
	_ =	sdelay $0x3  }
0x34: {  	[smem:$0x3FB1] =	sst s10  }
0x35: {  	s10 =	sld [smem:$0x3FB0];
	_ =	sdelay $0x3  }
0x36: {  	p1 =	seq.s32 s10, $0x1;
	s10 =	sld [smem:$0x3FB1];
	_ =	sdelay $0x3  }
0x37: {  	[smem:$0x3FB1] =	sst s10  }
0x38: {  	s10 =	sld [smem:$0x3FB2]  }
0x39: {  	_ = 	snop;
	(pc) =	sbr.ind lr, $3  }
0x3a: {  	_ = 	snop  }
0x3b: {  	_ = 	snop  }
0x3c: {  	p2 =	seq.s32 s10, $0x1;
	s10 =	sld [smem:$0x3FB1]  }
0x3d: {  	_ =	shalt  }
0x3e: {  	_ =	shalt  }
0x3f: {  	_ =	shalt  }
0x40: {  	_ =	shalt  }
0x41: {  	_ =	shalt  }
0x42: {  	_ =	shalt  }
0x43: {  	_ =	shalt  }
0x44: {  	_ =	shalt  }
0x45: {  	_ =	shalt  }
0x46: {  	_ =	shalt  }
0x47: {  	_ =	shalt  }
0x48: {  	_ =	shalt  }
0x49: {  	_ =	shalt  }
0x4a: {  	_ =	shalt  }
0x4b: {  	_ =	shalt  }
0x4c: {  	_ =	shalt  }
0x4d: {  	_ =	shalt  }
0x4e: {  	_ =	shalt  }
0x4f: {  	_ =	shalt  }
0x50: {  	_ =	shalt  }
0x51: {  	_ =	shalt  }
0x52: {  	_ =	shalt  }
0x53: {  	_ =	shalt  }
0x54: {  	_ =	shalt  }
0x55: {  	_ =	shalt  }
0x56: {  	_ =	shalt  }
0x57: {  	_ =	shalt  }
0x58: {  	_ =	shalt  }
0x59: {  	_ =	shalt  }
0x5a: {  	_ =	shalt  }
0x5b: {  	_ =	shalt  }
0x5c: {  	_ =	shalt  }
0x5d: {  	_ =	shalt  }
0x5e: {  	_ =	shalt  }
0x5f: {  	_ =	shalt  }
0x60: {  	_ =	shalt  }
0x61: {  	_ =	shalt  }
0x62: {  	_ =	shalt  }
0x63: {  	_ =	shalt  }
0x64: {  	_ =	shalt  }
0x65: {  	_ =	shalt  }
0x66: {  	_ =	shalt  }
0x67: {  	_ =	shalt  }
0x68: {  	_ =	shalt  }
0x69: {  	_ =	shalt  }
0x6a: {  	_ =	shalt  }
0x6b: {  	_ =	shalt  }
0x6c: {  	_ =	shalt  }
0x6d: {  	_ =	shalt  }
0x6e: {  	_ =	shalt  }
0x6f: {  	_ =	shalt  }
0x70: {  	_ =	shalt  }
0x71: {  	_ =	shalt  }
0x72: {  	_ =	shalt  }
0x73: {  	_ =	shalt  }
0x74: {  	_ =	shalt  }
0x75: {  	_ =	shalt  }
0x76: {  	_ =	shalt  }
0x77: {  	_ =	shalt  }
0x78: {  	_ =	shalt  }
0x79: {  	_ =	shalt  }
0x7a: {  	_ =	shalt  }
0x7b: {  	_ =	shalt  }
0x7c: {  	_ =	shalt  }
0x7d: {  	_ =	shalt  }
0x7e: {  	_ =	shalt  }
0x7f: {  	_ =	shalt  }
0x80: {  	_ =	shalt  }
0x81: {  	_ =	shalt  }
0x82: {  	_ =	shalt  }
0x83: {  	_ =	shalt  }
0x84: {  	_ =	shalt  }
0x85: {  	_ =	shalt  }
0x86: {  	_ =	shalt  }
0x87: {  	_ =	shalt  }
.Lfunc_end0:
.L_simem_size_0:
called_computation_lowered:
.L_overlay_start_0:
0x88: {  	s2 =	sld [smem:$0x3FD9]  }
0x89: {  	s3 =	sld [smem:$0x3FFE];
	_ =	sdelay $0x1  }
0x8a: {  	s1 =	srdreg.scid  }
0x8b: {  	s0 =	sand.u32 $0x1, s1  }
0x8c: {  	s17 =	sshll.u32 s0, $0xA;
	s2 =	sadd.s32 s3, s2  }
0x8d: {  	s2 =	sadd.s32 s2, s17  }
0x8e: {  	[smem:$0x3FBD] =	sst s2  }
0x8f: {  	_ = 	snop  }
0x90: {  	s2 =	sld [smem:$0x3FC9]  }
0x91: {  	s18 =	sld [smem:$0x3FC8]  }
0x92: {  	s4 =	sld [smem:$0x3FC7]  }
0x93: {  	s5 =	sld [smem:$0x3FD0];
	(tm) =	ssettm $0x1  }
0x94: {  	s6 =	sld [smem:$0x3FFB];
	_ =	sdelay $0x3  }
0x95: {  	_ =	strace s6  }
0x96: {  	s6 =	sld [smem:$0x3FFC];
	_ =	sdelay $0x3  }
0x97: {  	_ =	strace s6  }
0x98: {  	s6 =	sld [smem:$0x3FFD];
	_ =	sdelay $0x3  }
0x99: {  	_ =	strace s6  }
0x9a: {  	_ =	strace $0x8FFFFFFF  }
0x9b: {  	s19 =	sld [smem:$0x3FDB];
	_ =	sdelay $0x1  }
0x9c: {  	s7 =	simm.s32 $_scs_section_size  }
0x9d: {  	s8 =	simm.s32 $_size__tile_overlayer_lowered;
	s9 =	simm.s32 $_tile_overlayer_lowered  }
0x9e: {  	s22 =	simm.s32 $0x1BFF;
	s21 =	sshll.u32 s9, $0x1;
	s6 =	sadd.s32 s7, s19  }
0x9f: {  	s10 =	simm.s32 $0x0;
	s20 =	sshll.u32 s8, $0x1;
	s8 =	sadd.s32 s21, s6  }
0xa0: {  	[timem:s10], [sflag:s22] =	dma.local [hbm:s8], s20  }
0xa1: {  	_ =	swait.ge [sflag:s22], s20  }
0xa2: {  	s7 =	ssub.s32 $0x0, s20;
	[sflag:s22] =	ssyncset.done $0x0  }
0xa3: {  	[sflag:s22] =	ssyncadd.s32 s7;
	_ =	sdelay $0x1  }
0xa4: {  	s23 =	simm.s32 $0x1B8B  }
0xa5: {  	_ =	swait.ge [sflag:s23], $0x1  }
0xa6: {  	[sflag:s23] =	ssyncset.done $0x0  }
0xa7: {  	s25 =	simm.s32 $0x1B8E;
	s24 =	sld [smem:$0x3FFE];
	[sflag:s23] =	ssyncadd.s32 $0xFFFFFFFF  }
0xa8: {  	s26 =	simm.s32 $execute0_lowered;
	[smem:$0x3FD2] =	sst s25  }
0xa9: {  	s8 =	sshll.u32 s26, $0x1;
	_ =	strace $0x80000046;
	[dreg:$0x1] =	wrdreg $0xFFFFFFFF  }
0xaa: {  	s28 =	simm.s32 $_size_execute0_lowered;
	s6 =	sadd.s32 s6, s8;
	[dreg:$0x0] =	wrdreg $0x0  }
0xab: {  	s8 =	sshll.u32 s28, $0x1;
	[dreg:$0x2] =	wrdreg s6  }
0xac: {  	[dreg:$0x3] =	wrdreg s8  }
0xad: {  	[dreg:$0x4] =	wrdreg $0xC0  }
0xae: {  	_ =	task [dreg:s10], $0x5FFFF  }
0xaf: {  	[dreg:$0x1] =	wrdreg $0xFFFFFFFF  }
0xb0: {  	[dreg:$0x0] =	wrdreg $0x60  }
0xb1: {  	[dreg:$0x2] =	wrdreg s2  }
0xb2: {  	[dreg:$0x3] =	wrdreg s18  }
0xb3: {  	[dreg:$0x4] =	wrdreg s4  }
0xb4: {  	[dreg:$0x5] =	wrdreg s24  }
0xb5: {  	[dreg:$0x6] =	wrdreg s5  }
0xb6: {  	[dreg:$0x7] =	wrdreg $0x141000  }
0xb7: {  	[dreg:$0x8] =	wrdreg $0x1DD400  }
0xb8: {  	[dreg:$0x9] =	wrdreg $0x9  }
0xb9: {  	_ =	task.clear_ibuf [dreg:s10], $0xAFFFF;
	_ =	strace $0x90000046  }
0xba: {  	s29 =	simm.s32 $0x9;
	_ =	strace $0x80000048  }
0xbb: {  	_ =	swait.ge [sflag:s29], $0x1  }
0xbc: {  	[sflag:s29] =	ssyncadd.s32 $0xFFFFFFFF  }
0xbd: {  	_ =	strace $0x90000048  }
0xbe: {  	_ =	sfence  }
0xbf: {  	s30 =	sld [smem:$0x0];
	_ =	sdelay $0x2  }
0xc0: {  	s31 =	sshll.u32 s1, $0xD;
	s1 =	sshrl.u32 s1, $0x2  }
0xc1: {  	s3 =	sand.u32 $0x4000, s31;
	s1 =	sadd.s32 s1, s30  }
0xc2: {  	s0 =	sor.u32 s3, s0;
	s1 =	sshll.u32 s1, $0x11  }
0xc3: {  	s0 =	sor.u32 s1, s0  }
0xc4: {  	s0 =	sadd.s32 $0x8F2B, s0  }
0xc5: {  	[sflag:s0] =	ssyncadd.remote.s32 $0x1  }
0xc6: {  	_ =	sfence.sel $0xFFFF  }
0xc7: {  	[dreg:$0x0] =	wrdreg $0xFFFFFFFF;
	(pc) =	sbr.abs _section_cstart, $3  }
0xc8: {  	[dreg:$0x1] =	wrdreg $0xFFFFFFFF  }
0xc9: {  	_ =	task.clear_ibuf [dreg:s10], $0x2FFFF;
	_ =	strace $0x9FFFFFFF  }
0xca: {  	(tm) =	ssettm $0x7FFFFFFF  }
0xcb: {  	_ =	shalt  }
tec
execute0_lowered:
.L_overlay_start_1:
0x0: {  	(tag) =	ssettag $0x1  }
0x1: {  	s0 =	rddreg [dreg:$0x0]  }
0x2: {  	s1 =	srdreg.scid;
	s3 =	rddreg [dreg:$0x1]  }
0x3: {  	s4 =	rddreg [dreg:$0x2];
	s21 =	stileid.u32  }
0x4: {  	s5 =	rddreg [dreg:$0x3];
	s1 =	sand.u32 $0x1, s1;
	s11 =	smul.u32 $0x1400, s21  }
0x5: {  	s6 =	rddreg [dreg:$0x4];
	s10 =	smul.u32 $0x9C400, s1  }
0x6: {  	s31 =	simm.s32 $0x6;
	s12 =	sor.u32 $0x40, s21;
	s22 =	smul.u32 $0x280, s1  }
0x7: {  	s30 =	simm.s32 $0x0;
	s13 =	sor.u32 $0x50, s21;
	s15 =	smul.u32 $0x1400, s12  }
0x8: {  	s5 =	sadd.s32 $0x2600, s5;
	s14 =	sor.u32 $0x60, s21;
	s17 =	smul.u32 $0x1400, s13  }
0x9: {  	s16 =	sor.u32 $0x70, s21;
	s2 =	sshll.u32 s1, $0x4;
	s18 =	smul.u32 $0x1400, s14  }
0xa: {  	s8 =	ssub.s32 $0x2, s1;
	s1 =	sor.u32 $0x10, s21;
	s14 =	smul.u32 $0x5000, s14  }
0xb: {  	p0 =	sgt.u32 s16, $0x7C;
	s2 =	sor.u32 s21, s2;
	s25 =	smul.u32 $0x1400, s1  }
0xc: {  	s9 =	sshrl.u32 s8, $0x1;
	p2 =	sne.s32 @!p0 s21, $0x0;
	s7 =	smul.u32 $0x1388, s2  }
0xd: {  	s2 =	rddreg [dreg:$0x5];
	s9 =	ssub.s32 s8, s9;
	s6 =	sadd.s32 s6, s22  }
0xe: {  	s11 =	sadd.s32 s10, s11;
	s15 =	sadd.s32 s10, s15;
	s17 =	sadd.s32 s10, s17  }
0xf: {  	s18 =	sadd.s32 s10, s18;
	s8 =	simm.s32 $0x0;
	p2 =	por p2, p0  }
0x10: {  	[dreg:$0xc] =	wrdreg s6;
	s6 =	sor.u32 $0x30, s21;
	s11 =	sshrl.u32 s11, $0x3  }
0x11: {  	[smem:$0x7FF] =	sst s8;
	s7 =	sshrl.u32 s7, $0x3;
	s11 =	sadd.s32 s5, s11  }
0x12: {  	s15 =	sshrl.u32 s15, $0x3;
	s19 =	sadd.s32 s3, s7;
	[dreg:$0xd] =	wrdreg s11  }
0x13: {  	s9 =	smax.u32 s9, $0x1;
	s20 =	sadd.s32 s4, s7;
	[dreg:$0x8] =	wrdreg s19  }
0x14: {  	s28 =	smul.u32 $0x1400, s6;
	s7 =	sadd.s32 $0x270, s7;
	[dreg:$0x9] =	wrdreg s20  }
0x15: {  	s23 =	sadd.s32 s3, s7;
	s24 =	sadd.s32 s4, s7;
	s3 =	sor.u32 $0x20, s21  }
0x16: {  	s4 =	sadd.s32 s10, s25;
	s20 =	smul.u32 $0x1400, s16;
	[dreg:$0xa] =	wrdreg s23  }
0x17: {  	s19 =	sadd.s32 s10, s28;
	s25 =	smul.u32 $0x5000, s21;
	[dreg:$0xb] =	wrdreg s24  }
0x18: {  	s26 =	smul.u32 $0x1400, s3;
	s4 =	sshrl.u32 s4, $0x3;
	s29 =	sshrl.u32 s19, $0x3  }
0x19: {  	s19 =	sshrl.u32 s17, $0x3;
	s17 =	rddreg [dreg:$0x6];
	p1 =	sgt.u32 s3, $0x27  }
0x1a: {  	s4 =	sadd.s32 s5, s4;
	s11 =	sadd.s32 s5, s29;
	s22 =	sadd.s32 s5, s19  }
0x1b: {  	s28 =	sshrl.u32 s25, $0x2;
	s29 =	smul.u32 $0x5000, s3;
	s19 =	sshll.u32 s21, $0x7  }
0x1c: {  	s3 =	sshll.u32 s3, $0x7;
	s21 =	simm.s32 $0x5;
	s7 =	sadd.s32 s10, s26  }
0x1d: {  	s10 =	sadd.s32 s10, s20;
	[dreg:$0xe] =	wrdreg s4;
	s26 =	smul.u32 $0x5000, s1  }
0x1e: {  	[dreg:$0x10] =	wrdreg s11;
	s20 =	sshrl.u32 s18, $0x3;
	s11 =	smul.u32 $0x5000, s12  }
0x1f: {  	s4 =	sadd.s32 s5, s15;
	[dreg:$0x12] =	wrdreg s22;
	s12 =	smul.u32 $0x5000, s13  }
0x20: {  	s22 =	sadd.s32 s28, s2;
	s15 =	smul.u32 $0x5000, s16;
	s16 =	sshrl.u32 s14, $0x2  }
0x21: {  	s28 =	sadd.s32 s19, s17;
	s1 =	sshll.u32 s1, $0x7;
	s7 =	sshrl.u32 s7, $0x3  }
0x22: {  	[dreg:$0x11] =	wrdreg s4;
	s23 =	sadd.s32 s5, s20;
	s24 =	sshrl.u32 s10, $0x3  }
0x23: {  	s10 =	sshrl.u32 s29, $0x2;
	s1 =	sadd.s32 s1, s17;
	s29 =	sadd.s32 s3, s17  }
0x24: {  	s7 =	sadd.s32 s5, s7;
	[dreg:$0x13] =	wrdreg s23;
	s4 =	sadd.s32 s5, s24  }
0x25: {  	s24 =	sadd.s32 s10, s2;
	s13 =	sshrl.u32 s11, $0x2;
	s18 =	sshrl.u32 s15, $0x2  }
0x26: {  	s10 =	simm.s32 $0x12C00;
	s11 =	simm.s32 $0x8000;
	[dreg:$0xf] =	wrdreg s7  }
0x27: {  	s15 =	simm.s32 $0xB;
	[dreg:$0x14] =	wrdreg s4;
	s4 =	sshrl.u32 s26, $0x2  }
0x28: {  	s20 =	sadd.s32 s18, s2;
	_ =	strace $0x80000047;
	[dreg:$0x15] =	wrdreg s9  }
0x29: {  	s26 =	sadd.s32 s13, s2;
	s7 =	simm.s32 $0xA;
	[dreg:$0x1a] =	wrdreg s20  }
0x2a: {  	s13 =	simm.s32 $0x7;
	s18 =	simm.s32 $0x8;
	[dreg:$0x1b] =	wrdreg s28  }
0x2b: {  	s9 =	smul.u32 $0x5000, s6;
	s23 =	sadd.s32 s4, s2;
	[dreg:$0x1c] =	wrdreg s1  }
0x2c: {  	s4 =	sshrl.u32 s12, $0x2;
	[dreg:$0x1d] =	wrdreg s29;
	s1 =	simm.s32 $0xE  }
.Ltmp0:
0x2d: {  	s6 =	simm.s32 $0x12C80;
	s12 =	simm.s32 $0x2;
	(pc) =	sbr.rel .LBB2_1-.Ltmp0, $4  }
0x2e: {  	[dreg:$0x17] =	wrdreg s26;
	s4 =	sadd.s32 s4, s2;
	s5 =	sshrl.u32 s9, $0x2  }
0x2f: {  	[dreg:$0x18] =	wrdreg s4;
	s4 =	sadd.s32 s16, s2;
	s9 =	simm.s32 $0x1  }
0x30: {  	s16 =	simm.s32 $0x3;
	s25 =	sadd.s32 s5, s2;
	[dreg:$0x19] =	wrdreg s4  }
0x31: {  	v0 =	vimm.f32 $0.0e+00;
	v1 =	vimm.f32 $1.000000000e+00;
	s4 =	simm.s32 $0x80;
	s5 =	simm.s32 $0x4000;
	[dreg:$0x16] =	wrdreg s25  }
.LBB2_6:
0x32: {  	_ =	swait.ge [sflag:s18], $0x4000  }
0x33: {  	[sflag:s18] =	ssyncset.done $0x0  }
0x34: {  	s3 =	simm.s32 $0xC;
	[sflag:s18] =	ssyncadd.s32 $0xFFFFC000  }
0x35: {  	_ =	swait.ge [sflag:s3], $0x80  }
0x36: {  	[sflag:s3] =	ssyncset.done $0x0  }
0x37: {  	s21 =	simm.s32 $0x5;
	[sflag:s3] =	ssyncadd.s32 $0xFFFFFF80  }
0x38: {  	_ =	swait.ge [sflag:s21], $0x4000  }
0x39: {  	[sflag:s21] =	ssyncset.done $0x0  }
0x3a: {  	s22 =	simm.s32 $0x9;
	[sflag:s21] =	ssyncadd.s32 $0xFFFFC000  }
0x3b: {  	_ =	swait.ge [sflag:s22], $0x80  }
0x3c: {  	[sflag:s22] =	ssyncset.done $0x0  }
0x3d: {  	[sflag:s22] =	ssyncadd.s32 $0xFFFFFF80  }
0x3e: {  	_ =	swait.ge [sflag:s31], $0x4000  }
0x3f: {  	[sflag:s31] =	ssyncset.done $0x0  }
0x40: {  	[sflag:s31] =	ssyncadd.s32 $0xFFFFC000  }
0x41: {  	_ =	swait.ge [sflag:s7], $0x80  }
0x42: {  	[sflag:s7] =	ssyncset.done $0x0  }
0x43: {  	[sflag:s7] =	ssyncadd.s32 $0xFFFFFF80  }
0x44: {  	_ =	swait.ge [sflag:s13], $0x4000  }
0x45: {  	[sflag:s13] =	ssyncset.done $0x0  }
0x46: {  	[sflag:s13] =	ssyncadd.s32 $0xFFFFC000  }
0x47: {  	_ =	swait.ge [sflag:s15], $0x80  }
0x48: {  	[sflag:s15] =	ssyncset.done $0x0  }
0x49: {  	s14 =	simm.s32 $0x12700;
	s23 =	rddreg [dreg:$0xa];
	[sflag:s15] =	ssyncadd.s32 $0xFFFFFF80  }
0x4a: {  	[tilespmem:s14], [sflag:$0xE] =	stream.linear.gather [hbm4b:s23+s8], $0x8, $0x38;
	[tilespmem:$0x1DE80] =	vst v63  }
0x4b: {  	_ =	swait.ge [sflag:s1], $0x8  }
0x4c: {  	[sflag:s1] =	ssyncset.done $0x0  }
0x4d: {  	s20 =	simm.s32 $0x12780;
	s24 =	rddreg [dreg:$0xb];
	[sflag:s1] =	ssyncadd.s32 $0xFFFFFFF8  }
0x4e: {  	[tilespmem:s20], [sflag:$0xE] =	stream.linear.gather [hbm4b:s24+s8], $0x8, $0x38;
	[tilespmem:$0x1DE80] =	vst v63  }
0x4f: {  	_ =	swait.ge [sflag:s1], $0x8  }
0x50: {  	[sflag:s1] =	ssyncset.done $0x0  }
0x51: {  	s25 =	simm.s32 $0x12800;
	s26 =	simm.s32 $0xD;
	[sflag:s1] =	ssyncadd.s32 $0xFFFFFFF8  }
0x52: {  	[tilespmem:s25], [sflag:$0xD] =	stream.indirect.gather [hbm4b:s0+s18], $0x80, s14, s18, $0xb8;
	[tilespmem:$0x1DE80] =	vst v63  }
0x53: {  	_ =	swait.ge [sflag:s26], $0x400  }
0x54: {  	[sflag:s26] =	ssyncset.done $0x0  }
0x55: {  	[sflag:s26] =	ssyncadd.s32 $0xFFFFFC00  }
0x56: {  	[spmem:s2] =	stream.indirect.scatter.add.f32 [tilespmem:s25], [sflag:$0xE], $0x80, s20, s18, $0xb8;
	[tilespmem:$0x1DE80] =	vst v63  }
0x57: {  	_ =	swait.ge [sflag:s1], $0x400  }
0x58: {  	[sflag:s1] =	ssyncset.done $0x0  }
0x59: {  	[sflag:s1] =	ssyncadd.s32 $0xFFFFFC00  }
0x5a: {  	[spmem:s17] =	stream.indirect.scatter.add.f32 [tilespmem:s10], [sflag:$0xE], $0x1, s20, s18, $0xb8;
	[tilespmem:$0x1DE80] =	vst v63  }
0x5b: {  	_ =	swait.ge [sflag:s1], $0x8  }
0x5c: {  	[sflag:s1] =	ssyncset.done $0x0  }
0x5d: {  	s14 =	stileid.u32;
	[sflag:s1] =	ssyncadd.s32 $0xFFFFFFF8  }
0x5e: {  	s3 =	sshll.u32 s14, $0x6;
	[bflag:$0x0] =	sbarrier.arrive $0xFFFF  }
0x5f: {  	s3 =	sor.u32 $0x1C0E, s3;
	s20 =	sshrl.u32 s28, $0x3;
	s23 =	rddreg [dreg:$0xd]  }
0x60: {  	[hbm:s23], [sflag:s3] =	dma.local [spmem:s20], $0x280  }
0x61: {  	_ =	swait.ge [sflag:s1], $0x280  }
0x62: {  	[sflag:s1] =	ssyncset.done $0x0  }
0x63: {  	s24 =	sshrl.u32 s19, $0x3;
	s25 =	rddreg [dreg:$0xe];
	[sflag:s1] =	ssyncadd.s32 $0xFFFFFD80  }
0x64: {  	[hbm:s25], [sflag:s3] =	dma.local [spmem:s24], $0x280  }
0x65: {  	_ =	swait.ge [sflag:s1], $0x280  }
0x66: {  	s22 =	smov.u32 s28;
	[sflag:s1] =	ssyncset.done $0x0  }
0x67: {  	s26 =	sshrl.u32 s29, $0x3;
	s28 =	rddreg [dreg:$0xf];
	[sflag:s1] =	ssyncadd.s32 $0xFFFFFD80  }
0x68: {  	[hbm:s28], [sflag:s3] =	dma.local [spmem:s26], $0x280  }
0x69: {  	s23 =	smov.u32 s19;
	_ =	swait.ge [sflag:s1], $0x280  }
0x6a: {  	s24 =	smov.u32 s29;
	[sflag:s1] =	ssyncset.done $0x0;
	s25 =	rddreg [dreg:$0x16]  }
0x6b: {  	s19 =	rddreg [dreg:$0x10];
	[sflag:s1] =	ssyncadd.s32 $0xFFFFFD80;
	s29 =	sshrl.u32 s25, $0x3  }
0x6c: {  	[hbm:s19], [sflag:s3] =	dma.local [spmem:s29], $0x280  }
0x6d: {  	_ =	swait.ge [sflag:s1], $0x280  }
0x6e: {  	[sflag:s1] =	ssyncset.done $0x0;
	s26 =	rddreg [dreg:$0x17]  }
0x6f: {  	s28 =	rddreg [dreg:$0x11];
	[sflag:s1] =	ssyncadd.s32 $0xFFFFFD80;
	s20 =	sshrl.u32 s26, $0x3  }
0x70: {  	[hbm:s28], [sflag:s3] =	dma.local [spmem:s20], $0x280  }
0x71: {  	_ =	swait.ge [sflag:s1], $0x280  }
0x72: {  	[sflag:s1] =	ssyncset.done $0x0;
	s29 =	rddreg [dreg:$0x18]  }
0x73: {  	s19 =	rddreg [dreg:$0x12];
	[sflag:s1] =	ssyncadd.s32 $0xFFFFFD80;
	s14 =	sshrl.u32 s29, $0x3  }
0x74: {  	[hbm:s19], [sflag:s3] =	dma.local [spmem:s14], $0x280  }
0x75: {  	_ =	swait.ge [sflag:s1], $0x280  }
0x76: {  	[sflag:s1] =	ssyncset.done $0x0;
	s20 =	rddreg [dreg:$0x19]  }
0x77: {  	s28 =	rddreg [dreg:$0x13];
	[sflag:s1] =	ssyncadd.s32 $0xFFFFFD80;
	s14 =	sshrl.u32 s20, $0x3  }
0x78: {  	[hbm:s28], [sflag:s3] =	dma.local [spmem:s14], $0x280  }
0x79: {  	_ =	swait.ge [sflag:s1], $0x280  }
0x7a: {  	[sflag:s1] =	ssyncset.done $0x0;
	s14 =	rddreg [dreg:$0x1a]  }
0x7b: {  	s20 =	rddreg [dreg:$0x14];
	[sflag:s1] =	ssyncadd.s32 $0xFFFFFD80;
	s14 =	sshrl.u32 @!p0 s14, $0x3  }
0x7c: {  	[hbm:s20], [sflag:s3] =	dma.local @!p0 [spmem:s14], $0x280  }
0x7d: {  	s3 =	simm.s32 @!p0 $0xE  }
0x7e: {  	_ =	swait.ge @!p0 [sflag:s3], $0x280  }
0x7f: {  	s14 =	simm.s32 @!p2 $0x1C0E;
	[sflag:s3] =	ssyncset.done @!p0 $0x0  }
0x80: {  	s20 =	rddreg [dreg:$0xc];
	[sflag:s3] =	ssyncadd.s32 @!p0 $0xFFFFFD80;
	s3 =	sshrl.u32 @!p2 s17, $0x3  }
0x81: {  	[hbm:s20], [sflag:s14] =	dma.local @!p2 [spmem:s3], $0x280  }
0x82: {  	s3 =	simm.s32 @!p2 $0xE  }
0x83: {  	_ =	swait.ge @!p2 [sflag:s3], $0x280  }
0x84: {  	s30 =	sadd.s32 $0x1, s30;
	s29 =	rddreg [dreg:$0x15]  }
0x85: {  	p3 =	sne.s32 s30, s29  }
.Ltmp1:
0x86: {  	_ = 	snop;
	(pc) =	sbr.rel @!p3 .LBB2_7-.Ltmp1, $3  }
0x87: {  	_ =	sdelay $0x1  }
0x88: {  	[sflag:s3] =	ssyncset.done @!p2 $0x0  }
0x89: {  	[sflag:s3] =	ssyncadd.s32 @!p2 $0xFFFFFD80  }
.LBB2_1:
0x8a: {  	s3 =	simm.s32 $0x0;
	s14 =	simm.s32 $0x200  }
.LBB2_2:
0x8b: {  	p3 =	sne.s32 s14, $0x4E00;
	[tilespmem:s3+$0x12CF0] =	vst v0  }
0x8c: {  	[tilespmem:s3+$0x12C80] =	vst v0  }
0x8d: {  	[tilespmem:s3+$0x12C90] =	vst v0  }
.Ltmp2:
0x8e: {  	[tilespmem:s3+$0x12CA0] =	vst v0;
	(pc) =	sbr.rel @p3 .LBB2_2-.Ltmp2, $4  }
0x8f: {  	[tilespmem:s3+$0x12CB0] =	vst v0  }
0x90: {  	[tilespmem:s3+$0x12CC0] =	vst v0  }
0x91: {  	[tilespmem:s3+$0x12CD0] =	vst v0  }
0x92: {  	[tilespmem:s3+$0x12CE0] =	vst v0;
	s3 =	sshra.s32 s14, $0x2;
	s14 =	sadd.s32 $0x200, s14  }
0x93: {  	[tilespmem:s3+$0x12CF0] =	vst v0  }
0x94: {  	[tilespmem:s3+$0x12C80] =	vst v0  }
0x95: {  	[tilespmem:s3+$0x12C90] =	vst v0  }
0x96: {  	[tilespmem:s3+$0x12CA0] =	vst v0  }
0x97: {  	[tilespmem:s3+$0x12CB0] =	vst v0  }
0x98: {  	[tilespmem:s3+$0x12CC0] =	vst v0  }
0x99: {  	[tilespmem:s3+$0x12CD0] =	vst v0  }
0x9a: {  	[tilespmem:s3+$0x12CE0] =	vst v0  }
0x9b: {  	[tilespmem:$0x14080] =	vst v0  }
0x9c: {  	[tilespmem:$0x14090] =	vst v0  }
0x9d: {  	[tilespmem:$0x140A0] =	vst v0  }
0x9e: {  	[tilespmem:$0x140B0] =	vst v0  }
0x9f: {  	[tilespmem:$0x140C0] =	vst v0  }
0xa0: {  	[tilespmem:$0x140D0] =	vst v0  }
0xa1: {  	[tilespmem:$0x140E0] =	vst v0  }
0xa2: {  	[tilespmem:$0x140F0] =	vst v0  }
0xa3: {  	[tilespmem:$0x12C00] =	vst v1  }
0xa4: {  	[tilespmem:$0x12C10] =	vst v1  }
0xa5: {  	[tilespmem:$0x12C20] =	vst v1  }
0xa6: {  	[tilespmem:$0x12C30] =	vst v1  }
0xa7: {  	[tilespmem:$0x12C40] =	vst v1  }
0xa8: {  	[tilespmem:$0x12C50] =	vst v1  }
0xa9: {  	[tilespmem:$0x12C60] =	vst v1  }
0xaa: {  	s20 =	rddreg [dreg:$0x8];
	s14 =	simm.s32 $0x10000;
	[tilespmem:$0x12C70] =	vst v1  }
0xab: {  	[tilespmem:s14], [sflag:$0xE] =	stream.linear.gather [hbm4b:s20+s8], $0x1380, $0x38;
	[tilespmem:$0x1DE80] =	vst v63  }
0xac: {  	_ =	swait.ge [sflag:s1], $0x1380  }
0xad: {  	[sflag:s1] =	ssyncset.done $0x0  }
0xae: {  	s20 =	simm.s32 $0x11380;
	s19 =	rddreg [dreg:$0x9];
	[sflag:s1] =	ssyncadd.s32 $0xFFFFEC80  }
0xaf: {  	[tilespmem:s20], [sflag:$0xE] =	stream.linear.gather [hbm4b:s19+s8], $0x1380, $0x38;
	[tilespmem:$0x1DE80] =	vst v63  }
0xb0: {  	_ =	swait.ge [sflag:s1], $0x1380  }
0xb1: {  	[sflag:s1] =	ssyncset.done $0x0  }
0xb2: {  	[sflag:s1] =	ssyncadd.s32 $0xFFFFEC80  }
0xb3: {  	[tilespmem:s8], [sflag:$0x1] =	stream.indirect.gather [hbm4b:s0+s4], $0x80, s14, s4, $0xb8;
	[tilespmem:$0x1DE80] =	vst v63  }
0xb4: {  	s19 =	simm.s32 $0x10080  }
0xb5: {  	[tilespmem:s5], [sflag:$0x2] =	stream.indirect.gather [hbm4b:s0+s4], $0x80, s19, s4, $0xb8;
	[tilespmem:$0x1DE80] =	vst v63  }
0xb6: {  	_ = 	snop  }
0xb7: {  	[spmem:s22] =	stream.linear.scatter [tilespmem:s6], [sflag:$0xE], $0x1400, $0x38;
	[tilespmem:$0x1DE80] =	vst v63  }
0xb8: {  	_ =	swait.ge [sflag:s1], $0x1400  }
0xb9: {  	[sflag:s1] =	ssyncset.done $0x0  }
0xba: {  	[sflag:s1] =	ssyncadd.s32 $0xFFFFEC00  }
0xbb: {  	[spmem:s23] =	stream.linear.scatter [tilespmem:s6], [sflag:$0xE], $0x1400, $0x38;
	[tilespmem:$0x1DE80] =	vst v63  }
0xbc: {  	_ =	swait.ge [sflag:s1], $0x1400  }
0xbd: {  	[sflag:s1] =	ssyncset.done $0x0  }
0xbe: {  	[sflag:s1] =	ssyncadd.s32 $0xFFFFEC00  }
0xbf: {  	[spmem:s24] =	stream.linear.scatter [tilespmem:s6], [sflag:$0xE], $0x1400, $0x38;
	[tilespmem:$0x1DE80] =	vst v63  }
0xc0: {  	_ =	swait.ge [sflag:s1], $0x1400  }
0xc1: {  	[sflag:s1] =	ssyncset.done $0x0  }
0xc2: {  	[sflag:s1] =	ssyncadd.s32 $0xFFFFEC00  }
0xc3: {  	[spmem:s25] =	stream.linear.scatter [tilespmem:s6], [sflag:$0xE], $0x1400, $0x38;
	[tilespmem:$0x1DE80] =	vst v63  }
0xc4: {  	_ =	swait.ge [sflag:s1], $0x1400  }
0xc5: {  	[sflag:s1] =	ssyncset.done $0x0  }
0xc6: {  	[sflag:s1] =	ssyncadd.s32 $0xFFFFEC00  }
0xc7: {  	[spmem:s26] =	stream.linear.scatter [tilespmem:s6], [sflag:$0xE], $0x1400, $0x38;
	[tilespmem:$0x1DE80] =	vst v63  }
0xc8: {  	_ =	swait.ge [sflag:s1], $0x1400  }
0xc9: {  	[sflag:s1] =	ssyncset.done $0x0  }
0xca: {  	s19 =	smov.u32 s23;
	s23 =	rddreg [dreg:$0x18];
	[sflag:s1] =	ssyncadd.s32 $0xFFFFEC00  }
0xcb: {  	[spmem:s23] =	stream.linear.scatter [tilespmem:s6], [sflag:$0xE], $0x1400, $0x38;
	[tilespmem:$0x1DE80] =	vst v63  }
0xcc: {  	_ =	swait.ge [sflag:s1], $0x1400  }
0xcd: {  	[sflag:s1] =	ssyncset.done $0x0  }
0xce: {  	s29 =	smov.u32 s24;
	s24 =	rddreg [dreg:$0x19];
	[sflag:s1] =	ssyncadd.s32 $0xFFFFEC00  }
0xcf: {  	[spmem:s24] =	stream.linear.scatter [tilespmem:s6], [sflag:$0xE], $0x1400, $0x38;
	[tilespmem:$0x1DE80] =	vst v63  }
0xd0: {  	_ =	swait.ge [sflag:s1], $0x1400  }
0xd1: {  	[sflag:s1] =	ssyncset.done $0x0  }
0xd2: {  	s3 =	simm.s32 @!p0 $0x12C80;
	s14 =	rddreg [dreg:$0x1a];
	[sflag:s1] =	ssyncadd.s32 $0xFFFFEC00  }
0xd3: {  	[spmem:s14] =	stream.linear.scatter @!p0 [tilespmem:s3], [sflag:$0xE], $0x1400, $0x38;
	[tilespmem:$0x1DE80] =	vst v63  }
0xd4: {  	s3 =	simm.s32 @!p0 $0xE  }
0xd5: {  	_ =	swait.ge @!p0 [sflag:s3], $0x1400  }
0xd6: {  	[sflag:s3] =	ssyncset.done @!p0 $0x0  }
0xd7: {  	s26 =	simm.s32 $0x14080;
	s25 =	rddreg [dreg:$0x1b];
	[sflag:s3] =	ssyncadd.s32 @!p0 $0xFFFFEC00  }
0xd8: {  	[spmem:s25] =	stream.linear.scatter [tilespmem:s26], [sflag:$0xE], $0x80, $0x38;
	[tilespmem:$0x1DE80] =	vst v63  }
0xd9: {  	_ =	swait.ge [sflag:s1], $0x80  }
0xda: {  	[sflag:s1] =	ssyncset.done $0x0  }
0xdb: {  	s28 =	smov.u32 s22;
	s22 =	rddreg [dreg:$0x1c];
	[sflag:s1] =	ssyncadd.s32 $0xFFFFFF80  }
0xdc: {  	[spmem:s22] =	stream.linear.scatter [tilespmem:s26], [sflag:$0xE], $0x80, $0x38;
	[tilespmem:$0x1DE80] =	vst v63  }
0xdd: {  	_ =	swait.ge [sflag:s1], $0x80  }
0xde: {  	[sflag:s1] =	ssyncset.done $0x0  }
0xdf: {  	s3 =	simm.s32 @!p1 $0x14080;
	s14 =	rddreg [dreg:$0x1d];
	[sflag:s1] =	ssyncadd.s32 $0xFFFFFF80  }
0xe0: {  	[spmem:s14] =	stream.linear.scatter @!p1 [tilespmem:s3], [sflag:$0xE], $0x80, $0x38;
	[tilespmem:$0x1DE80] =	vst v63  }
0xe1: {  	s3 =	simm.s32 @!p1 $0xE  }
0xe2: {  	_ =	swait.ge @!p1 [sflag:s3], $0x80  }
0xe3: {  	[sflag:s3] =	ssyncset.done @!p1 $0x0  }
0xe4: {  	[sflag:s3] =	ssyncadd.s32 @!p1 $0xFFFFFF80  }
0xe5: {  	[bflag:$0x0] =	sbarrier.arrive $0xFFFF  }
0xe6: {  	_ =	swait.ge [sflag:s9], $0x4000  }
0xe7: {  	[sflag:s9] =	ssyncset.done $0x0  }
0xe8: {  	s3 =	simm.s32 $0x0;
	[sflag:s9] =	ssyncadd.s32 $0xFFFFC000  }
0xe9: {  	[spmem:s2] =	stream.indirect.scatter.add.f32 [tilespmem:s3], [sflag:$0x5], $0x80, s20, s4, $0xb8;
	[tilespmem:$0x1DE80] =	vst v63  }
0xea: {  	_ = 	snop  }
0xeb: {  	[spmem:s17] =	stream.indirect.scatter.add.f32 [tilespmem:s10], [sflag:$0x9], $0x1, s20, s4, $0xb8;
	[tilespmem:$0x1DE80] =	vst v63  }
0xec: {  	s23 =	simm.s32 $0x10100  }
0xed: {  	[tilespmem:s11], [sflag:$0x3] =	stream.indirect.gather [hbm4b:s0+s4], $0x80, s23, s4, $0xb8;
	[tilespmem:$0x1DE80] =	vst v63  }
0xee: {  	_ =	swait.ge [sflag:s12], $0x4000  }
0xef: {  	[sflag:s12] =	ssyncset.done $0x0  }
0xf0: {  	s24 =	simm.s32 $0x11400;
	[sflag:s12] =	ssyncadd.s32 $0xFFFFC000  }
0xf1: {  	[spmem:s2] =	stream.indirect.scatter.add.f32 [tilespmem:s5], [sflag:$0x6], $0x80, s24, s4, $0xb8;
	[tilespmem:$0x1DE80] =	vst v63  }
0xf2: {  	_ = 	snop  }
0xf3: {  	[spmem:s17] =	stream.indirect.scatter.add.f32 [tilespmem:s10], [sflag:$0xA], $0x1, s24, s4, $0xb8;
	[tilespmem:$0x1DE80] =	vst v63  }
0xf4: {  	s25 =	simm.s32 $0x10180;
	s20 =	simm.s32 $0xC000  }
0xf5: {  	[tilespmem:s20], [sflag:$0x4] =	stream.indirect.gather [hbm4b:s0+s4], $0x80, s25, s4, $0xb8;
	[tilespmem:$0x1DE80] =	vst v63  }
0xf6: {  	_ =	swait.ge [sflag:s16], $0x4000  }
0xf7: {  	[sflag:s16] =	ssyncset.done $0x0  }
0xf8: {  	s26 =	simm.s32 $0x11480;
	[sflag:s16] =	ssyncadd.s32 $0xFFFFC000  }
0xf9: {  	[spmem:s2] =	stream.indirect.scatter.add.f32 [tilespmem:s11], [sflag:$0x7], $0x80, s26, s4, $0xb8;
	[tilespmem:$0x1DE80] =	vst v63  }
0xfa: {  	_ = 	snop  }
0xfb: {  	[spmem:s17] =	stream.indirect.scatter.add.f32 [tilespmem:s10], [sflag:$0xB], $0x1, s26, s4, $0xb8;
	[tilespmem:$0x1DE80] =	vst v63  }
0xfc: {  	_ =	swait.ge [sflag:s21], $0x4000  }
0xfd: {  	[sflag:s21] =	ssyncset.done $0x0  }
0xfe: {  	s22 =	simm.s32 $0x9;
	[sflag:s21] =	ssyncadd.s32 $0xFFFFC000  }
0xff: {  	_ =	swait.ge [sflag:s22], $0x80  }
0x100: {  	[sflag:s22] =	ssyncset.done $0x0  }
0x101: {  	s23 =	simm.s32 $0x10200;
	s24 =	simm.s32 $0x4;
	[sflag:s22] =	ssyncadd.s32 $0xFFFFFF80  }
0x102: {  	[tilespmem:s3], [sflag:$0x1] =	stream.indirect.gather [hbm4b:s0+s4], $0x80, s23, s4, $0xb8;
	[tilespmem:$0x1DE80] =	vst v63  }
0x103: {  	_ =	swait.ge [sflag:s24], $0x4000  }
0x104: {  	[sflag:s24] =	ssyncset.done $0x0  }
0x105: {  	s25 =	simm.s32 $0x11500;
	[sflag:s24] =	ssyncadd.s32 $0xFFFFC000  }
0x106: {  	[spmem:s2] =	stream.indirect.scatter.add.f32 [tilespmem:s20], [sflag:$0x8], $0x80, s25, s4, $0xb8;
	[tilespmem:$0x1DE80] =	vst v63  }
0x107: {  	_ = 	snop  }
0x108: {  	[spmem:s17] =	stream.indirect.scatter.add.f32 [tilespmem:s10], [sflag:$0xC], $0x1, s25, s4, $0xb8;
	[tilespmem:$0x1DE80] =	vst v63  }
0x109: {  	_ =	swait.ge [sflag:s31], $0x4000  }
0x10a: {  	[sflag:s31] =	ssyncset.done $0x0  }
0x10b: {  	[sflag:s31] =	ssyncadd.s32 $0xFFFFC000  }
0x10c: {  	_ =	swait.ge [sflag:s7], $0x80  }
0x10d: {  	[sflag:s7] =	ssyncset.done $0x0  }
0x10e: {  	s14 =	simm.s32 $0x7;
	s26 =	simm.s32 $0x10280;
	[sflag:s7] =	ssyncadd.s32 $0xFFFFFF80  }
0x10f: {  	[tilespmem:s5], [sflag:$0x2] =	stream.indirect.gather [hbm4b:s0+s4], $0x80, s26, s4, $0xb8;
	[tilespmem:$0x1DE80] =	vst v63  }
.LBB2_4:
0x110: {  	_ =	swait.ge [sflag:s9], $0x4000  }
0x111: {  	s20 =	sshra.s32 s3, $0x2;
	[sflag:s9] =	ssyncset.done $0x0  }
0x112: {  	s21 =	sadd.s32 $0x11580, s20;
	[sflag:s9] =	ssyncadd.s32 $0xFFFFC000  }
0x113: {  	[spmem:s2] =	stream.indirect.scatter.add.f32 [tilespmem:s8], [sflag:$0x5], $0x80, s21, s4, $0xb8;
	[tilespmem:$0x1DE80] =	vst v63  }
0x114: {  	_ = 	snop  }
0x115: {  	[spmem:s17] =	stream.indirect.scatter.add.f32 [tilespmem:s10], [sflag:$0x9], $0x1, s21, s4, $0xb8;
	[tilespmem:$0x1DE80] =	vst v63  }
0x116: {  	_ =	swait.ge [sflag:s13], $0x4000  }
0x117: {  	[sflag:s13] =	ssyncset.done $0x0  }
0x118: {  	[sflag:s13] =	ssyncadd.s32 $0xFFFFC000  }
0x119: {  	_ =	swait.ge [sflag:s15], $0x80  }
0x11a: {  	[sflag:s15] =	ssyncset.done $0x0  }
0x11b: {  	s24 =	sadd.s32 $0x10300, s20;
	[sflag:s15] =	ssyncadd.s32 $0xFFFFFF80  }
0x11c: {  	[tilespmem:s11], [sflag:$0x3] =	stream.indirect.gather [hbm4b:s0+s4], $0x80, s24, s4, $0xb8;
	[tilespmem:$0x1DE80] =	vst v63  }
0x11d: {  	_ =	swait.ge [sflag:s12], $0x4000  }
0x11e: {  	[sflag:s12] =	ssyncset.done $0x0  }
0x11f: {  	p3 =	sgt.u32 s14, $0x26;
	s25 =	sadd.s32 $0x11600, s20;
	[sflag:s12] =	ssyncadd.s32 $0xFFFFC000  }
0x120: {  	[spmem:s2] =	stream.indirect.scatter.add.f32 [tilespmem:s5], [sflag:$0x6], $0x80, s25, s4, $0xb8;
	[tilespmem:$0x1DE80] =	vst v63  }
0x121: {  	s21 =	simm.s32 @!p3 $0x8  }
0x122: {  	[spmem:s17] =	stream.indirect.scatter.add.f32 [tilespmem:s10], [sflag:$0xA], $0x1, s25, s4, $0xb8;
	[tilespmem:$0x1DE80] =	vst v63  }
0x123: {  	_ =	swait.ge @!p3 [sflag:s21], $0x4000  }
0x124: {  	[sflag:s21] =	ssyncset.done @!p3 $0x0  }
0x125: {  	[sflag:s21] =	ssyncadd.s32 @!p3 $0xFFFFC000;
	s21 =	simm.s32 @!p3 $0xC  }
0x126: {  	_ =	swait.ge @!p3 [sflag:s21], $0x80  }
0x127: {  	[sflag:s21] =	ssyncset.done @!p3 $0x0  }
0x128: {  	[sflag:s21] =	ssyncadd.s32 @!p3 $0xFFFFFF80;
	s21 =	sshra.s32 @!p3 s3, $0x2  }
0x129: {  	s23 =	simm.s32 @!p3 $0x80;
	s24 =	simm.s32 @!p3 $0xC000;
	s22 =	sadd.s32 @!p3 $0x10380, s21  }
0x12a: {  	[tilespmem:s24], [sflag:$0x4] =	stream.indirect.gather @!p3 [hbm4b:s0+s23], $0x80, s22, s23, $0xb8;
	[tilespmem:$0x1DE80] =	vst v63  }
0x12b: {  	_ =	swait.ge [sflag:s16], $0x4000  }
0x12c: {  	[sflag:s16] =	ssyncset.done $0x0  }
0x12d: {  	p4 =	seq.s32 s3, $0x4000;
	s26 =	sadd.s32 $0x11680, s20;
	[sflag:s16] =	ssyncadd.s32 $0xFFFFC000  }
0x12e: {  	[spmem:s2] =	stream.indirect.scatter.add.f32 [tilespmem:s11], [sflag:$0x7], $0x80, s26, s4, $0xb8;
	[tilespmem:$0x1DE80] =	vst v63  }
0x12f: {  	s22 =	simm.s32 @!p4 $0x5  }
0x130: {  	[spmem:s17] =	stream.indirect.scatter.add.f32 [tilespmem:s10], [sflag:$0xB], $0x1, s26, s4, $0xb8;
	[tilespmem:$0x1DE80] =	vst v63  }
0x131: {  	_ =	swait.ge @!p4 [sflag:s22], $0x4000  }
0x132: {  	[sflag:s22] =	ssyncset.done @!p4 $0x0  }
0x133: {  	[sflag:s22] =	ssyncadd.s32 @!p4 $0xFFFFC000;
	s22 =	simm.s32 @!p4 $0x9  }
0x134: {  	_ =	swait.ge @!p4 [sflag:s22], $0x80  }
0x135: {  	[sflag:s22] =	ssyncset.done @!p4 $0x0  }
0x136: {  	[sflag:s22] =	ssyncadd.s32 @!p4 $0xFFFFFF80;
	s22 =	sshra.s32 @!p4 s3, $0x2  }
0x137: {  	s25 =	simm.s32 @!p4 $0x80;
	s26 =	simm.s32 @!p4 $0x0;
	s22 =	sadd.s32 @!p4 $0x10400, s22  }
0x138: {  	[tilespmem:s26], [sflag:$0x1] =	stream.indirect.gather @!p4 [hbm4b:s0+s25], $0x80, s22, s25, $0xb8;
	[tilespmem:$0x1DE80] =	vst v63  }
0x139: {  	s22 =	simm.s32 @!p3 $0x4  }
0x13a: {  	_ =	swait.ge @!p3 [sflag:s22], $0x4000  }
.Ltmp3:
0x13b: {  	[sflag:s22] =	ssyncset.done @!p3 $0x0;
	(pc) =	sbr.rel @p4 .LBB2_6-.Ltmp3, $4  }
0x13c: {  	s21 =	sadd.s32 @!p3 $0x11700, s21;
	[sflag:s22] =	ssyncadd.s32 @!p3 $0xFFFFC000  }
0x13d: {  	[spmem:s2] =	stream.indirect.scatter.add.f32 @!p3 [tilespmem:s24], [sflag:$0x8], $0x80, s21, s23, $0xb8;
	[tilespmem:$0x1DE80] =	vst v63  }
0x13e: {  	s22 =	simm.s32 @!p3 $0x12C00  }
0x13f: {  	[spmem:s17] =	stream.indirect.scatter.add.f32 @!p3 [tilespmem:s22], [sflag:$0xC], $0x1, s21, s23, $0xb8;
	[tilespmem:$0x1DE80] =	vst v63  }
0x140: {  	_ =	swait.ge [sflag:s31], $0x4000  }
0x141: {  	[sflag:s31] =	ssyncset.done $0x0  }
.Ltmp4:
0x142: {  	[sflag:s31] =	ssyncadd.s32 $0xFFFFC000;
	(pc) =	sbr.rel .LBB2_4-.Ltmp4, $4  }
0x143: {  	_ =	swait.ge [sflag:s7], $0x80  }
0x144: {  	s20 =	sadd.s32 $0x10480, s20;
	[sflag:s7] =	ssyncset.done $0x0  }
0x145: {  	s3 =	sadd.s32 $0x800, s3;
	s14 =	sadd.s32 $0x4, s14;
	[sflag:s7] =	ssyncadd.s32 $0xFFFFFF80  }
0x146: {  	[tilespmem:s5], [sflag:$0x2] =	stream.indirect.gather [hbm4b:s0+s4], $0x80, s20, s4, $0xb8;
	[tilespmem:$0x1DE80] =	vst v63  }
.LBB2_7:
0x147: {  	_ =	sfence.sel $0x180000  }
0x148: {  	[bflag:$0x0] =	sbarrier.arrive $0xFFFF  }
0x149: {  	_ =	strace $0x90000047  }
0x14a: {  	s0 =	stileid.u32;
	[bflag:$0x2] =	sbarrier.arrive $0xFFFF  }
0x14b: {  	p0 =	sne.s32 s0, $0x0;
	s0 =	rddreg [dreg:$0x7]  }
0x14c: {  	s0 =	sadd.s32 @!p0 $0x100000, s0  }
0x14d: {  	[sflag:s0] =	ssyncadd.tile.s32 @!p0 $0x1;
	_ =	shalt  }
.Lfunc_end2:
_tile_overlayer_lowered:
.L_overlay_start_2:
0x14e: {  	(tag) =	ssettag $0x2  }
0x14f: {  	s0 =	rddreg [dreg:$0x0];
	s2 =	stileid.u32  }
0x150: {  	s1 =	rddreg [dreg:$0x1];
	p0 =	sne.s32 s2, $0x0  }
0x151: {  	s3 =	rddreg [dreg:$0x2];
	[bflag:$0x3] =	sbarrier.arrive $0xFFFF;
	s2 =	simm.s32 @!p0 $0x1C0E  }
0x152: {  	[timem:s3], [sflag:s2] =	dma.local @!p0 [hbm:s0], s1  }
0x153: {  	s0 =	simm.s32 @!p0 $0xE  }
0x154: {  	_ =	swait.ge @!p0 [sflag:s0], s1  }
0x155: {  	s1 =	ssub.s32 @!p0 $0x0, s1;
	[sflag:s0] =	ssyncset.done @!p0 $0x0  }
0x156: {  	[sflag:s0] =	ssyncadd.s32 @!p0 s1  }
0x157: {  	[bflag:$0x3] =	sbarrier.arrive $0xFFFF  }
0x158: {  	_ =	shalt  }

</sc_bundles>
